<compile_context>
chip_gen: v7x
topology: tpu7x:2x2x1
jax: 0.10.2.dev20260603
libtpu: 0.0.44.dev20260713+nightly
codegen_flags: <defaults>
</compile_context>

<pallas_src>
import jax
import jax.numpy as jnp
from jax import lax
from jax.experimental import pallas as pl
from jax.experimental.pallas import tpu as pltpu
from jax.experimental.pallas import tpu_sc as plsc

USER = 5000
ITEM = 5000
LATDIM = 32
ETYPE = 4
HYPERNUM = 64
E = 160000

NC = 2
NS = 16
NW = NC * NS
CH = 128
NCHUNKS = E // CH
NCH_BASE = NCHUNKS // NW
EXTRA = NCHUNKS % NW

TBL_N = 5120
STG = TBL_N // NS
W = 4 * LATDIM

ROWS_PT = 320
ACC_N = NS * ROWS_PT

BE = 1280
NB = E // BE


def _leaky(x):
    return jnp.where(x >= 0, x, 0.5 * x)


CH1 = 64
NCHUNKS1 = E // CH1
NCH1_BASE = NCHUNKS1 // NW
EXTRA1 = NCHUNKS1 % NW


def _gather_body(ue_hbm, ie_hbm, src_hbm, tgt_hbm, srows_hbm, trows_hbm,
                 usp, isp, sidxv, tidxv, urows, irows, u32, i32,
                 sem_u, sem_i, sem_o1, sem_o2):
    c = lax.axis_index("c")
    s = lax.axis_index("s")
    wid = s * NC + c
    nch = jnp.where(wid < EXTRA1, NCH1_BASE + 1, NCH1_BASE)

    for k in range(STG // CH1):
        off = s * STG + k * CH1
        pltpu.sync_copy(ue_hbm.at[pl.ds(off, CH1)], urows)
        pltpu.sync_copy(urows, usp.at[pl.ds(off, CH1)])
        pltpu.sync_copy(ie_hbm.at[pl.ds(off, CH1)], irows)
        pltpu.sync_copy(irows, isp.at[pl.ds(off, CH1)])
    plsc.subcore_barrier()

    def chunk(j, carry):
        base = (j * NW + wid) * CH1
        pltpu.sync_copy(src_hbm.at[pl.ds(base, CH1)], sidxv)
        pltpu.sync_copy(tgt_hbm.at[pl.ds(base, CH1)], tidxv)
        cp_u = pltpu.async_copy(usp.at[sidxv], urows, sem_u)
        cp_i = pltpu.async_copy(isp.at[tidxv], irows, sem_i)
        cp_u.wait()
        cp_i.wait()

        @pl.when(j > 0)
        def _():
            pbase = ((j - 1) * NW + wid) * CH1
            pltpu.make_async_copy(u32, srows_hbm.at[pl.ds(pbase, CH1)],
                                  sem_o1).wait()
            pltpu.make_async_copy(i32, trows_hbm.at[pl.ds(pbase, CH1)],
                                  sem_o2).wait()

        def cprow(r4, cc):
            for d in range(4):
                r = r4 * 4 + d
                u32[r, pl.ds(0, 16)] = urows[r, pl.ds(0, 16)]
                u32[r, pl.ds(16, 16)] = urows[r, pl.ds(16, 16)]
                i32[r, pl.ds(0, 16)] = irows[r, pl.ds(0, 16)]
                i32[r, pl.ds(16, 16)] = irows[r, pl.ds(16, 16)]
            return cc

        lax.fori_loop(0, CH1 // 4, cprow, 0)
        pltpu.async_copy(u32, srows_hbm.at[pl.ds(base, CH1)], sem_o1)
        pltpu.async_copy(i32, trows_hbm.at[pl.ds(base, CH1)], sem_o2)
        return carry

    lax.fori_loop(0, nch, chunk, 0)
    fbase = ((nch - 1) * NW + wid) * CH1
    pltpu.make_async_copy(u32, srows_hbm.at[pl.ds(fbase, CH1)], sem_o1).wait()
    pltpu.make_async_copy(i32, trows_hbm.at[pl.ds(fbase, CH1)], sem_o2).wait()


def _gather(uE4, iE4, src, tgt):
    mesh = plsc.VectorSubcoreMesh(core_axis_name="c", subcore_axis_name="s")
    return pl.kernel(
        _gather_body,
        out_type=(
            jax.ShapeDtypeStruct((E, LATDIM), jnp.float32),
            jax.ShapeDtypeStruct((E, LATDIM), jnp.float32),
        ),
        mesh=mesh,
        scratch_types=[
            pltpu.VMEM_SHARED((TBL_N, W), jnp.float32),
            pltpu.VMEM_SHARED((TBL_N, W), jnp.float32),
            pltpu.VMEM((CH1,), jnp.int32),
            pltpu.VMEM((CH1,), jnp.int32),
            pltpu.VMEM((CH1, W), jnp.float32),
            pltpu.VMEM((CH1, W), jnp.float32),
            pltpu.VMEM((CH1, LATDIM), jnp.float32),
            pltpu.VMEM((CH1, LATDIM), jnp.float32),
            pltpu.SemaphoreType.DMA,
            pltpu.SemaphoreType.DMA,
            pltpu.SemaphoreType.DMA,
            pltpu.SemaphoreType.DMA,
        ],
    )(uE4, iE4, src, tgt)


def _dense_body(s_ref, t_ref, v_ref, et_ref, h_ref, out_ref, Xs, A, P, xt):
    p = pl.program_id(0)
    i = pl.program_id(1)

    @pl.when(i == 0)
    def _():
        P[...] = _leaky(A[...])
        A[...] = jnp.zeros((LATDIM, HYPERNUM), jnp.float32)

    h = h_ref[...]

    @pl.when(p == 0)
    def _():
        sb = s_ref[...]
        vb = v_ref[0, 0, :].astype(jnp.int32)
        x0 = jnp.zeros((BE, LATDIM), jnp.float32)
        for v in range(ETYPE):
            y = jnp.dot(sb, et_ref[v], preferred_element_type=jnp.float32)
            mask = (vb == v).astype(jnp.float32)[:, None]
            x0 = x0 + mask * y
        x0 = x0 * t_ref[...]
        xt[...] = x0.T

    @pl.when(p > 0)
    def _():
        hp = lax.dot_general(P[...], h, (((1,), (1,)), ((), ())),
                             preferred_element_type=jnp.float32)
        xt[...] = _leaky(hp) + Xs[:, pl.ds(i * BE, BE)]

    x = xt[...]

    @pl.when(p < 2)
    def _():
        Xs[:, pl.ds(i * BE, BE)] = x
        A[...] += lax.dot_general(x, h, (((1,), (0,)), ((), ())),
                                  preferred_element_type=jnp.float32)

    @pl.when(p == 2)
    def _():
        out_ref[...] = x.T


def _dense(srows, trows, val3, edgeTrans, hyper):
    return pl.pallas_call(
        _dense_body,
        grid=(3, NB),
        in_specs=[
            pl.BlockSpec((BE, LATDIM), lambda p, i: (jnp.where(p == 0, i, 0), 0)),
            pl.BlockSpec((BE, LATDIM), lambda p, i: (jnp.where(p == 0, i, 0), 0)),
            pl.BlockSpec((1, 1, BE), lambda p, i: (jnp.where(p == 0, i, 0), 0, 0)),
            pl.BlockSpec((ETYPE, LATDIM, LATDIM), lambda p, i: (0, 0, 0)),
            pl.BlockSpec((BE, HYPERNUM), lambda p, i: (i, 0)),
        ],
        out_specs=pl.BlockSpec((BE, LATDIM), lambda p, i: (jnp.where(p == 2, i, 0), 0)),
        out_shape=jax.ShapeDtypeStruct((E, LATDIM), jnp.float32),
        scratch_shapes=[
            pltpu.VMEM((LATDIM, E), jnp.float32),
            pltpu.VMEM((LATDIM, HYPERNUM), jnp.float32),
            pltpu.VMEM((LATDIM, HYPERNUM), jnp.float32),
            pltpu.VMEM((LATDIM, BE), jnp.float32),
        ],
        compiler_params=pltpu.CompilerParams(
            dimension_semantics=("arbitrary", "arbitrary")),
    )(srows, trows, val3, edgeTrans, hyper)


def _scatter_body(x2_hbm, src_hbm, tgt_hbm, sp_hbm, tp_hbm,
                  rows, r32, sidxv, tidxv, accS, accT, sem_x):
    c = lax.axis_index("c")
    s = lax.axis_index("s")
    wid = s * NC + c
    nch = jnp.where(wid < EXTRA, NCH_BASE + 1, NCH_BASE)

    def zrow(r, cc):
        for q in range(W // 16):
            rows[r, pl.ds(q * 16, 16)] = jnp.zeros((16,), jnp.float32)
        return cc

    lax.fori_loop(0, CH, zrow, 0)
    for acc in (accS, accT):
        pltpu.sync_copy(rows, acc.at[pl.ds(s * ROWS_PT, CH)])
        pltpu.sync_copy(rows, acc.at[pl.ds(s * ROWS_PT + CH, CH)])
        pltpu.sync_copy(rows.at[pl.ds(0, ROWS_PT - 2 * CH)],
                        acc.at[pl.ds(s * ROWS_PT + 2 * CH, ROWS_PT - 2 * CH)])
    plsc.subcore_barrier()

    def chunk(j, cc):
        base = (j * NW + wid) * CH
        cp_x = pltpu.async_copy(x2_hbm.at[pl.ds(base, CH)], r32, sem_x)
        pltpu.sync_copy(src_hbm.at[pl.ds(base, CH)], sidxv)
        pltpu.sync_copy(tgt_hbm.at[pl.ds(base, CH)], tidxv)
        cp_x.wait()

        def cprow(r4, cc2):
            for d in range(4):
                r = r4 * 4 + d
                rows[r, pl.ds(0, 16)] = r32[r, pl.ds(0, 16)]
                rows[r, pl.ds(16, 16)] = r32[r, pl.ds(16, 16)]
            return cc2

        lax.fori_loop(0, CH // 4, cprow, 0)
        pltpu.sync_copy(rows, accS.at[sidxv], add=True)
        pltpu.sync_copy(rows, accT.at[tidxv], add=True)
        return cc

    lax.fori_loop(0, nch, chunk, 0)
    plsc.subcore_barrier()
    tsl = pl.ds(s * ROWS_PT, ROWS_PT)
    pltpu.sync_copy(accS.at[tsl], sp_hbm.at[c, tsl])
    pltpu.sync_copy(accT.at[tsl], tp_hbm.at[c, tsl])


def _scatter(x2, src, tgt):
    mesh = plsc.VectorSubcoreMesh(core_axis_name="c", subcore_axis_name="s")
    return pl.kernel(
        _scatter_body,
        out_type=(
            jax.ShapeDtypeStruct((NC, ACC_N, W), jnp.float32),
            jax.ShapeDtypeStruct((NC, ACC_N, W), jnp.float32),
        ),
        mesh=mesh,
        scratch_types=[
            pltpu.VMEM((CH, W), jnp.float32),
            pltpu.VMEM((CH, LATDIM), jnp.float32),
            pltpu.VMEM((CH,), jnp.int32),
            pltpu.VMEM((CH,), jnp.int32),
            pltpu.VMEM_SHARED((ACC_N, W), jnp.float32),
            pltpu.VMEM_SHARED((ACC_N, W), jnp.float32),
            pltpu.SemaphoreType.DMA,
        ],
    )(x2, src, tgt)


def kernel(src, tgt, val, hyper, uEmbeds, iEmbeds, edgeTrans):
    uEp = jnp.zeros((TBL_N, LATDIM), jnp.float32).at[:USER].set(uEmbeds)
    iEp = jnp.zeros((TBL_N, LATDIM), jnp.float32).at[:ITEM].set(iEmbeds)
    uE4 = jnp.concatenate([uEp] * 4, axis=1)
    iE4 = jnp.concatenate([iEp] * 4, axis=1)
    srows, trows = _gather(uE4, iE4, src, tgt)
    val3 = val.reshape(NB, 1, BE)
    x2 = _dense(srows, trows, val3, edgeTrans, hyper)
    sp, tp = _scatter(x2, src, tgt)
    srcOut = (sp[0] + sp[1])[:USER, :LATDIM]
    tgtOut = (tp[0] + tp[1])[:ITEM, :LATDIM]
    return (srcOut, tgtOut)

# --- scband reference (transcript-rebuilt; emitter-appended) ---
"""Pipeline reference for scband-edge-hgnn-5763846111292 (READ-ONLY COPY).

The authoritative reference and input builder live on the scoring server;
editing this copy changes nothing except your own understanding.
"""

import jax, jax.numpy as jnp
import numpy as np

USER = 5000
ITEM = 5000
LATDIM = 32
ETYPE = 4
GNN_LAYER = 2
HYPERNUM = 64
E = 160000


def _leaky(x):
    return jax.nn.leaky_relu(x, negative_slope=0.5)


def _hgnn_layer(embeds, hyper):
    # embeds: [E, latdim], hyper: [E, hyperNum]
    hyperEmbeds = _leaky(jnp.matmul(jnp.transpose(embeds), hyper))      # [latdim, hyperNum]
    nodeEmbeds = _leaky(jnp.transpose(jnp.matmul(hyperEmbeds, jnp.transpose(hyper))))  # [E, latdim]
    return nodeEmbeds


def setup_inputs(seed: int = 0) -> dict:
    key = jax.random.key(seed)
    k_src, k_tgt, k_val, k_hyp, k_u, k_i, k_t = jax.random.split(key, 7)
    src = jax.random.randint(k_src, (E,), 0, USER, dtype=jnp.int32)
    tgt = jax.random.randint(k_tgt, (E,), 0, ITEM, dtype=jnp.int32)
    val = jax.random.randint(k_val, (E,), 0, ETYPE, dtype=jnp.int32)
    hyper = jax.random.normal(k_hyp, (E, HYPERNUM), dtype=jnp.float32)
    # learned parameters (xavier-like init)
    uEmbeds = jax.random.normal(k_u, (USER, LATDIM), dtype=jnp.float32) * (2.0 / (USER + LATDIM)) ** 0.5 * (6.0 ** 0.5)
    iEmbeds = jax.random.normal(k_i, (ITEM, LATDIM), dtype=jnp.float32) * (2.0 / (ITEM + LATDIM)) ** 0.5 * (6.0 ** 0.5)
    edgeTrans = jax.random.normal(k_t, (ETYPE, LATDIM, LATDIM), dtype=jnp.float32) * (2.0 / (LATDIM + LATDIM)) ** 0.5 * (6.0 ** 0.5)
    return {"src": src, "tgt": tgt, "val": val, "hyper": hyper,
            "uEmbeds": uEmbeds, "iEmbeds": iEmbeds, "edgeTrans": edgeTrans}


def reference(src, tgt, val, hyper, uEmbeds, iEmbeds, edgeTrans):
    # gather per-edge embeddings and per-edge-type transforms
    srcEmbeds = jnp.take(uEmbeds, src, axis=0).reshape(-1, 1, LATDIM)   # [E, 1, d]
    tgtEmbeds = jnp.take(iEmbeds, tgt, axis=0)                           # [E, d]
    eT = jnp.take(edgeTrans, val, axis=0)                                # [E, d, d]
    edgeEmbeds = jnp.squeeze(jnp.matmul(srcEmbeds, eT), axis=1) * tgtEmbeds  # [E, d]
    for _ in range(GNN_LAYER):
        edgeEmbeds = _hgnn_layer(edgeEmbeds, hyper) + edgeEmbeds
    # torch.sparse.sum over dim 1 -> per-user sum; over dim 0 -> per-item sum
    srcOut = jax.ops.segment_sum(edgeEmbeds, src, num_segments=USER)     # [USER, d]
    tgtOut = jax.ops.segment_sum(edgeEmbeds, tgt, num_segments=ITEM)     # [ITEM, d]
    return (srcOut, tgtOut)

if __name__ == "__main__":
    import jax
    _d = setup_inputs()
    print(jax.jit(kernel)(*tuple(_d.values())))

</pallas_src>

<mosaic_0001>
#map = affine_map<(d0, d1) -> (0, 0)>
#map1 = affine_map<(d0, d1) -> (0)>
module attributes {stable_mosaic.version = 14 : i64} {
  func.func @_gather_body(%arg0: i32, %arg1: i32, %arg2: memref<5120x128xf32, #tpu.memory_space<hbm>>, %arg3: memref<5120x128xf32, #tpu.memory_space<hbm>>, %arg4: memref<160000xi32, #tpu.memory_space<hbm>>, %arg5: memref<160000xi32, #tpu.memory_space<hbm>>, %arg6: memref<160000x32xf32, #tpu.memory_space<hbm>>, %arg7: memref<160000x32xf32, #tpu.memory_space<hbm>>, %arg8: memref<5120x128xf32, #tpu.memory_space<vmem_shared>>, %arg9: memref<5120x128xf32, #tpu.memory_space<vmem_shared>>, %arg10: memref<64xi32, #tpu.memory_space<vmem>>, %arg11: memref<64xi32, #tpu.memory_space<vmem>>, %arg12: memref<64x128xf32, #tpu.memory_space<vmem>>, %arg13: memref<64x128xf32, #tpu.memory_space<vmem>>, %arg14: memref<64x32xf32, #tpu.memory_space<vmem>>, %arg15: memref<64x32xf32, #tpu.memory_space<vmem>>, %arg16: memref<!tpu.dma_semaphore, #tpu.memory_space<semaphore_mem>>, %arg17: memref<!tpu.dma_semaphore, #tpu.memory_space<semaphore_mem>>, %arg18: memref<!tpu.dma_semaphore, #tpu.memory_space<semaphore_mem>>, %arg19: memref<!tpu.dma_semaphore, #tpu.memory_space<semaphore_mem>>) attributes {dimension_semantics = [#tpu.dimension_semantics<core_parallel>, #tpu.dimension_semantics<subcore_parallel>], iteration_bounds = array<i64: 2, 16>, scalar_prefetch = 0 : i64, scratch_operands = 12 : i64, tpu.core_type = #tpu.core_type<sc_vector_subcore>, window_params = [{transform_indices = #map}, {transform_indices = #map}, {transform_indices = #map1}, {transform_indices = #map1}, {transform_indices = #map}, {transform_indices = #map}]} {
    %mul3A = arith.constant 2 : i32
    %mul3A_0 = arith.muli %arg1, %mul3A : i32
    %add3A = arith.addi %mul3A_0, %arg0 : i32
    %lt3A = arith.constant 4 : i32
    %lt3A_1 = arith.cmpi slt, %add3A, %lt3A : i32
    %jit3A = arith.constant 79 : i32
    %jit3A_2 = arith.constant 78 : i32
    %select_n3A = arith.select %lt3A_1, %jit3A, %jit3A_2 : i32
    %mul3A_3 = arith.constant 320 : i32
    %mul3A_4 = arith.muli %arg1, %mul3A_3 : i32
    %add3A_5 = arith.constant 0 : i32
    %add3A_6 = arith.addi %mul3A_4, %add3A_5 : i32
    "tpu.region"() ({
      %run_scoped3A = tpu.sem_alloc : memref<!tpu.dma_semaphore, #tpu.memory_space<semaphore_mem>>
      %dma_start3A = arith.constant 0 : i32
      %dma_start3A_45 = tpu.memref_slice %arg2[%add3A_6, %dma_start3A] : memref<5120x128xf32, #tpu.memory_space<hbm>> -> memref<64x128xf32, #tpu.memory_space<hbm>>
      %dma_start3A_46 = arith.constant 0 : i32
      %dma_start3A_47 = tpu.memref_slice %arg2[%add3A_6, %dma_start3A_46] : memref<5120x128xf32, #tpu.memory_space<hbm>> -> memref<64x128xf32, #tpu.memory_space<hbm>>
      tpu.enqueue_dma source(%dma_start3A_47 : memref<64x128xf32, #tpu.memory_space<hbm>>) target(%arg12 : memref<64x128xf32, #tpu.memory_space<vmem>>) target_semaphore(%run_scoped3A : memref<!tpu.dma_semaphore, #tpu.memory_space<semaphore_mem>>)
      %dma_wait3A_48 = arith.constant 0 : i32
      %dma_wait3A_49 = tpu.memref_slice %arg2[%add3A_6, %dma_wait3A_48] : memref<5120x128xf32, #tpu.memory_space<hbm>> -> memref<64x128xf32, #tpu.memory_space<hbm>>
      %dma_wait3A_50 = arith.constant 0 : i32
      %dma_wait3A_51 = tpu.memref_slice %arg2[%add3A_6, %dma_wait3A_50] : memref<5120x128xf32, #tpu.memory_space<hbm>> -> memref<64x128xf32, #tpu.memory_space<hbm>>
      tpu.wait_dma2 semaphore(%run_scoped3A : memref<!tpu.dma_semaphore, #tpu.memory_space<semaphore_mem>>) src(%dma_wait3A_51 : memref<64x128xf32, #tpu.memory_space<hbm>>) dst(%arg12 : memref<64x128xf32, #tpu.memory_space<vmem>>)
      tpu.yield
    }) : () -> ()
    "tpu.region"() ({
      %run_scoped3A = tpu.sem_alloc : memref<!tpu.dma_semaphore, #tpu.memory_space<semaphore_mem>>
      %dma_start3A = arith.constant 0 : i32
      %dma_start3A_45 = tpu.memref_slice %arg8[%add3A_6, %dma_start3A] : memref<5120x128xf32, #tpu.memory_space<vmem_shared>> -> memref<64x128xf32, #tpu.memory_space<vmem_shared>>
      %dma_start3A_46 = arith.constant 0 : i32
      %dma_start3A_47 = tpu.memref_slice %arg8[%add3A_6, %dma_start3A_46] : memref<5120x128xf32, #tpu.memory_space<vmem_shared>> -> memref<64x128xf32, #tpu.memory_space<vmem_shared>>
      tpu.enqueue_dma source(%arg12 : memref<64x128xf32, #tpu.memory_space<vmem>>) target(%dma_start3A_47 : memref<64x128xf32, #tpu.memory_space<vmem_shared>>) target_semaphore(%run_scoped3A : memref<!tpu.dma_semaphore, #tpu.memory_space<semaphore_mem>>)
      %dma_wait3A_48 = arith.constant 0 : i32
      %dma_wait3A_49 = tpu.memref_slice %arg8[%add3A_6, %dma_wait3A_48] : memref<5120x128xf32, #tpu.memory_space<vmem_shared>> -> memref<64x128xf32, #tpu.memory_space<vmem_shared>>
      %dma_wait3A_50 = arith.constant 0 : i32
      %dma_wait3A_51 = tpu.memref_slice %arg8[%add3A_6, %dma_wait3A_50] : memref<5120x128xf32, #tpu.memory_space<vmem_shared>> -> memref<64x128xf32, #tpu.memory_space<vmem_shared>>
      tpu.wait_dma2 semaphore(%run_scoped3A : memref<!tpu.dma_semaphore, #tpu.memory_space<semaphore_mem>>) src(%arg12 : memref<64x128xf32, #tpu.memory_space<vmem>>) dst(%dma_wait3A_51 : memref<64x128xf32, #tpu.memory_space<vmem_shared>>)
      tpu.yield
    }) : () -> ()
    "tpu.region"() ({
      %run_scoped3A = tpu.sem_alloc : memref<!tpu.dma_semaphore, #tpu.memory_space<semaphore_mem>>
      %dma_start3A = arith.constant 0 : i32
      %dma_start3A_45 = tpu.memref_slice %arg3[%add3A_6, %dma_start3A] : memref<5120x128xf32, #tpu.memory_space<hbm>> -> memref<64x128xf32, #tpu.memory_space<hbm>>
      %dma_start3A_46 = arith.constant 0 : i32
      %dma_start3A_47 = tpu.memref_slice %arg3[%add3A_6, %dma_start3A_46] : memref<5120x128xf32, #tpu.memory_space<hbm>> -> memref<64x128xf32, #tpu.memory_space<hbm>>
      tpu.enqueue_dma source(%dma_start3A_47 : memref<64x128xf32, #tpu.memory_space<hbm>>) target(%arg13 : memref<64x128xf32, #tpu.memory_space<vmem>>) target_semaphore(%run_scoped3A : memref<!tpu.dma_semaphore, #tpu.memory_space<semaphore_mem>>)
      %dma_wait3A_48 = arith.constant 0 : i32
      %dma_wait3A_49 = tpu.memref_slice %arg3[%add3A_6, %dma_wait3A_48] : memref<5120x128xf32, #tpu.memory_space<hbm>> -> memref<64x128xf32, #tpu.memory_space<hbm>>
      %dma_wait3A_50 = arith.constant 0 : i32
      %dma_wait3A_51 = tpu.memref_slice %arg3[%add3A_6, %dma_wait3A_50] : memref<5120x128xf32, #tpu.memory_space<hbm>> -> memref<64x128xf32, #tpu.memory_space<hbm>>
      tpu.wait_dma2 semaphore(%run_scoped3A : memref<!tpu.dma_semaphore, #tpu.memory_space<semaphore_mem>>) src(%dma_wait3A_51 : memref<64x128xf32, #tpu.memory_space<hbm>>) dst(%arg13 : memref<64x128xf32, #tpu.memory_space<vmem>>)
      tpu.yield
    }) : () -> ()
    "tpu.region"() ({
      %run_scoped3A = tpu.sem_alloc : memref<!tpu.dma_semaphore, #tpu.memory_space<semaphore_mem>>
      %dma_start3A = arith.constant 0 : i32
      %dma_start3A_45 = tpu.memref_slice %arg9[%add3A_6, %dma_start3A] : memref<5120x128xf32, #tpu.memory_space<vmem_shared>> -> memref<64x128xf32, #tpu.memory_space<vmem_shared>>
      %dma_start3A_46 = arith.constant 0 : i32
      %dma_start3A_47 = tpu.memref_slice %arg9[%add3A_6, %dma_start3A_46] : memref<5120x128xf32, #tpu.memory_space<vmem_shared>> -> memref<64x128xf32, #tpu.memory_space<vmem_shared>>
      tpu.enqueue_dma source(%arg13 : memref<64x128xf32, #tpu.memory_space<vmem>>) target(%dma_start3A_47 : memref<64x128xf32, #tpu.memory_space<vmem_shared>>) target_semaphore(%run_scoped3A : memref<!tpu.dma_semaphore, #tpu.memory_space<semaphore_mem>>)
      %dma_wait3A_48 = arith.constant 0 : i32
      %dma_wait3A_49 = tpu.memref_slice %arg9[%add3A_6, %dma_wait3A_48] : memref<5120x128xf32, #tpu.memory_space<vmem_shared>> -> memref<64x128xf32, #tpu.memory_space<vmem_shared>>
      %dma_wait3A_50 = arith.constant 0 : i32
      %dma_wait3A_51 = tpu.memref_slice %arg9[%add3A_6, %dma_wait3A_50] : memref<5120x128xf32, #tpu.memory_space<vmem_shared>> -> memref<64x128xf32, #tpu.memory_space<vmem_shared>>
      tpu.wait_dma2 semaphore(%run_scoped3A : memref<!tpu.dma_semaphore, #tpu.memory_space<semaphore_mem>>) src(%arg13 : memref<64x128xf32, #tpu.memory_space<vmem>>) dst(%dma_wait3A_51 : memref<64x128xf32, #tpu.memory_space<vmem_shared>>)
      tpu.yield
    }) : () -> ()
    %mul3A_7 = arith.constant 320 : i32
    %mul3A_8 = arith.muli %arg1, %mul3A_7 : i32
    %add3A_9 = arith.constant 64 : i32
    %add3A_10 = arith.addi %mul3A_8, %add3A_9 : i32
    "tpu.region"() ({
      %run_scoped3A = tpu.sem_alloc : memref<!tpu.dma_semaphore, #tpu.memory_space<semaphore_mem>>
      %dma_start3A = arith.constant 0 : i32
      %dma_start3A_45 = tpu.memref_slice %arg2[%add3A_10, %dma_start3A] : memref<5120x128xf32, #tpu.memory_space<hbm>> -> memref<64x128xf32, #tpu.memory_space<hbm>>
      %dma_start3A_46 = arith.constant 0 : i32
      %dma_start3A_47 = tpu.memref_slice %arg2[%add3A_10, %dma_start3A_46] : memref<5120x128xf32, #tpu.memory_space<hbm>> -> memref<64x128xf32, #tpu.memory_space<hbm>>
      tpu.enqueue_dma source(%dma_start3A_47 : memref<64x128xf32, #tpu.memory_space<hbm>>) target(%arg12 : memref<64x128xf32, #tpu.memory_space<vmem>>) target_semaphore(%run_scoped3A : memref<!tpu.dma_semaphore, #tpu.memory_space<semaphore_mem>>)
      %dma_wait3A_48 = arith.constant 0 : i32
      %dma_wait3A_49 = tpu.memref_slice %arg2[%add3A_10, %dma_wait3A_48] : memref<5120x128xf32, #tpu.memory_space<hbm>> -> memref<64x128xf32, #tpu.memory_space<hbm>>
      %dma_wait3A_50 = arith.constant 0 : i32
      %dma_wait3A_51 = tpu.memref_slice %arg2[%add3A_10, %dma_wait3A_50] : memref<5120x128xf32, #tpu.memory_space<hbm>> -> memref<64x128xf32, #tpu.memory_space<hbm>>
      tpu.wait_dma2 semaphore(%run_scoped3A : memref<!tpu.dma_semaphore, #tpu.memory_space<semaphore_mem>>) src(%dma_wait3A_51 : memref<64x128xf32, #tpu.memory_space<hbm>>) dst(%arg12 : memref<64x128xf32, #tpu.memory_space<vmem>>)
      tpu.yield
    }) : () -> ()
    "tpu.region"() ({
      %run_scoped3A = tpu.sem_alloc : memref<!tpu.dma_semaphore, #tpu.memory_space<semaphore_mem>>
      %dma_start3A = arith.constant 0 : i32
      %dma_start3A_45 = tpu.memref_slice %arg8[%add3A_10, %dma_start3A] : memref<5120x128xf32, #tpu.memory_space<vmem_shared>> -> memref<64x128xf32, #tpu.memory_space<vmem_shared>>
      %dma_start3A_46 = arith.constant 0 : i32
      %dma_start3A_47 = tpu.memref_slice %arg8[%add3A_10, %dma_start3A_46] : memref<5120x128xf32, #tpu.memory_space<vmem_shared>> -> memref<64x128xf32, #tpu.memory_space<vmem_shared>>
      tpu.enqueue_dma source(%arg12 : memref<64x128xf32, #tpu.memory_space<vmem>>) target(%dma_start3A_47 : memref<64x128xf32, #tpu.memory_space<vmem_shared>>) target_semaphore(%run_scoped3A : memref<!tpu.dma_semaphore, #tpu.memory_space<semaphore_mem>>)
      %dma_wait3A_48 = arith.constant 0 : i32
      %dma_wait3A_49 = tpu.memref_slice %arg8[%add3A_10, %dma_wait3A_48] : memref<5120x128xf32, #tpu.memory_space<vmem_shared>> -> memref<64x128xf32, #tpu.memory_space<vmem_shared>>
      %dma_wait3A_50 = arith.constant 0 : i32
      %dma_wait3A_51 = tpu.memref_slice %arg8[%add3A_10, %dma_wait3A_50] : memref<5120x128xf32, #tpu.memory_space<vmem_shared>> -> memref<64x128xf32, #tpu.memory_space<vmem_shared>>
      tpu.wait_dma2 semaphore(%run_scoped3A : memref<!tpu.dma_semaphore, #tpu.memory_space<semaphore_mem>>) src(%arg12 : memref<64x128xf32, #tpu.memory_space<vmem>>) dst(%dma_wait3A_51 : memref<64x128xf32, #tpu.memory_space<vmem_shared>>)
      tpu.yield
    }) : () -> ()
    "tpu.region"() ({
      %run_scoped3A = tpu.sem_alloc : memref<!tpu.dma_semaphore, #tpu.memory_space<semaphore_mem>>
      %dma_start3A = arith.constant 0 : i32
      %dma_start3A_45 = tpu.memref_slice %arg3[%add3A_10, %dma_start3A] : memref<5120x128xf32, #tpu.memory_space<hbm>> -> memref<64x128xf32, #tpu.memory_space<hbm>>
      %dma_start3A_46 = arith.constant 0 : i32
      %dma_start3A_47 = tpu.memref_slice %arg3[%add3A_10, %dma_start3A_46] : memref<5120x128xf32, #tpu.memory_space<hbm>> -> memref<64x128xf32, #tpu.memory_space<hbm>>
      tpu.enqueue_dma source(%dma_start3A_47 : memref<64x128xf32, #tpu.memory_space<hbm>>) target(%arg13 : memref<64x128xf32, #tpu.memory_space<vmem>>) target_semaphore(%run_scoped3A : memref<!tpu.dma_semaphore, #tpu.memory_space<semaphore_mem>>)
      %dma_wait3A_48 = arith.constant 0 : i32
      %dma_wait3A_49 = tpu.memref_slice %arg3[%add3A_10, %dma_wait3A_48] : memref<5120x128xf32, #tpu.memory_space<hbm>> -> memref<64x128xf32, #tpu.memory_space<hbm>>
      %dma_wait3A_50 = arith.constant 0 : i32
      %dma_wait3A_51 = tpu.memref_slice %arg3[%add3A_10, %dma_wait3A_50] : memref<5120x128xf32, #tpu.memory_space<hbm>> -> memref<64x128xf32, #tpu.memory_space<hbm>>
      tpu.wait_dma2 semaphore(%run_scoped3A : memref<!tpu.dma_semaphore, #tpu.memory_space<semaphore_mem>>) src(%dma_wait3A_51 : memref<64x128xf32, #tpu.memory_space<hbm>>) dst(%arg13 : memref<64x128xf32, #tpu.memory_space<vmem>>)
      tpu.yield
    }) : () -> ()
    "tpu.region"() ({
      %run_scoped3A = tpu.sem_alloc : memref<!tpu.dma_semaphore, #tpu.memory_space<semaphore_mem>>
      %dma_start3A = arith.constant 0 : i32
      %dma_start3A_45 = tpu.memref_slice %arg9[%add3A_10, %dma_start3A] : memref<5120x128xf32, #tpu.memory_space<vmem_shared>> -> memref<64x128xf32, #tpu.memory_space<vmem_shared>>
      %dma_start3A_46 = arith.constant 0 : i32
      %dma_start3A_47 = tpu.memref_slice %arg9[%add3A_10, %dma_start3A_46] : memref<5120x128xf32, #tpu.memory_space<vmem_shared>> -> memref<64x128xf32, #tpu.memory_space<vmem_shared>>
      tpu.enqueue_dma source(%arg13 : memref<64x128xf32, #tpu.memory_space<vmem>>) target(%dma_start3A_47 : memref<64x128xf32, #tpu.memory_space<vmem_shared>>) target_semaphore(%run_scoped3A : memref<!tpu.dma_semaphore, #tpu.memory_space<semaphore_mem>>)
      %dma_wait3A_48 = arith.constant 0 : i32
      %dma_wait3A_49 = tpu.memref_slice %arg9[%add3A_10, %dma_wait3A_48] : memref<5120x128xf32, #tpu.memory_space<vmem_shared>> -> memref<64x128xf32, #tpu.memory_space<vmem_shared>>
      %dma_wait3A_50 = arith.constant 0 : i32
      %dma_wait3A_51 = tpu.memref_slice %arg9[%add3A_10, %dma_wait3A_50] : memref<5120x128xf32, #tpu.memory_space<vmem_shared>> -> memref<64x128xf32, #tpu.memory_space<vmem_shared>>
      tpu.wait_dma2 semaphore(%run_scoped3A : memref<!tpu.dma_semaphore, #tpu.memory_space<semaphore_mem>>) src(%arg13 : memref<64x128xf32, #tpu.memory_space<vmem>>) dst(%dma_wait3A_51 : memref<64x128xf32, #tpu.memory_space<vmem_shared>>)
      tpu.yield
    }) : () -> ()
    %mul3A_11 = arith.constant 320 : i32
    %mul3A_12 = arith.muli %arg1, %mul3A_11 : i32
    %add3A_13 = arith.constant 128 : i32
    %add3A_14 = arith.addi %mul3A_12, %add3A_13 : i32
    "tpu.region"() ({
      %run_scoped3A = tpu.sem_alloc : memref<!tpu.dma_semaphore, #tpu.memory_space<semaphore_mem>>
      %dma_start3A = arith.constant 0 : i32
      %dma_start3A_45 = tpu.memref_slice %arg2[%add3A_14, %dma_start3A] : memref<5120x128xf32, #tpu.memory_space<hbm>> -> memref<64x128xf32, #tpu.memory_space<hbm>>
      %dma_start3A_46 = arith.constant 0 : i32
      %dma_start3A_47 = tpu.memref_slice %arg2[%add3A_14, %dma_start3A_46] : memref<5120x128xf32, #tpu.memory_space<hbm>> -> memref<64x128xf32, #tpu.memory_space<hbm>>
      tpu.enqueue_dma source(%dma_start3A_47 : memref<64x128xf32, #tpu.memory_space<hbm>>) target(%arg12 : memref<64x128xf32, #tpu.memory_space<vmem>>) target_semaphore(%run_scoped3A : memref<!tpu.dma_semaphore, #tpu.memory_space<semaphore_mem>>)
      %dma_wait3A_48 = arith.constant 0 : i32
      %dma_wait3A_49 = tpu.memref_slice %arg2[%add3A_14, %dma_wait3A_48] : memref<5120x128xf32, #tpu.memory_space<hbm>> -> memref<64x128xf32, #tpu.memory_space<hbm>>
      %dma_wait3A_50 = arith.constant 0 : i32
      %dma_wait3A_51 = tpu.memref_slice %arg2[%add3A_14, %dma_wait3A_50] : memref<5120x128xf32, #tpu.memory_space<hbm>> -> memref<64x128xf32, #tpu.memory_space<hbm>>
      tpu.wait_dma2 semaphore(%run_scoped3A : memref<!tpu.dma_semaphore, #tpu.memory_space<semaphore_mem>>) src(%dma_wait3A_51 : memref<64x128xf32, #tpu.memory_space<hbm>>) dst(%arg12 : memref<64x128xf32, #tpu.memory_space<vmem>>)
      tpu.yield
    }) : () -> ()
    "tpu.region"() ({
      %run_scoped3A = tpu.sem_alloc : memref<!tpu.dma_semaphore, #tpu.memory_space<semaphore_mem>>
      %dma_start3A = arith.constant 0 : i32
      %dma_start3A_45 = tpu.memref_slice %arg8[%add3A_14, %dma_start3A] : memref<5120x128xf32, #tpu.memory_space<vmem_shared>> -> memref<64x128xf32, #tpu.memory_space<vmem_shared>>
      %dma_start3A_46 = arith.constant 0 : i32
      %dma_start3A_47 = tpu.memref_slice %arg8[%add3A_14, %dma_start3A_46] : memref<5120x128xf32, #tpu.memory_space<vmem_shared>> -> memref<64x128xf32, #tpu.memory_space<vmem_shared>>
      tpu.enqueue_dma source(%arg12 : memref<64x128xf32, #tpu.memory_space<vmem>>) target(%dma_start3A_47 : memref<64x128xf32, #tpu.memory_space<vmem_shared>>) target_semaphore(%run_scoped3A : memref<!tpu.dma_semaphore, #tpu.memory_space<semaphore_mem>>)
      %dma_wait3A_48 = arith.constant 0 : i32
      %dma_wait3A_49 = tpu.memref_slice %arg8[%add3A_14, %dma_wait3A_48] : memref<5120x128xf32, #tpu.memory_space<vmem_shared>> -> memref<64x128xf32, #tpu.memory_space<vmem_shared>>
      %dma_wait3A_50 = arith.constant 0 : i32
      %dma_wait3A_51 = tpu.memref_slice %arg8[%add3A_14, %dma_wait3A_50] : memref<5120x128xf32, #tpu.memory_space<vmem_shared>> -> memref<64x128xf32, #tpu.memory_space<vmem_shared>>
      tpu.wait_dma2 semaphore(%run_scoped3A : memref<!tpu.dma_semaphore, #tpu.memory_space<semaphore_mem>>) src(%arg12 : memref<64x128xf32, #tpu.memory_space<vmem>>) dst(%dma_wait3A_51 : memref<64x128xf32, #tpu.memory_space<vmem_shared>>)
      tpu.yield
    }) : () -> ()
    "tpu.region"() ({
      %run_scoped3A = tpu.sem_alloc : memref<!tpu.dma_semaphore, #tpu.memory_space<semaphore_mem>>
      %dma_start3A = arith.constant 0 : i32
      %dma_start3A_45 = tpu.memref_slice %arg3[%add3A_14, %dma_start3A] : memref<5120x128xf32, #tpu.memory_space<hbm>> -> memref<64x128xf32, #tpu.memory_space<hbm>>
      %dma_start3A_46 = arith.constant 0 : i32
      %dma_start3A_47 = tpu.memref_slice %arg3[%add3A_14, %dma_start3A_46] : memref<5120x128xf32, #tpu.memory_space<hbm>> -> memref<64x128xf32, #tpu.memory_space<hbm>>
      tpu.enqueue_dma source(%dma_start3A_47 : memref<64x128xf32, #tpu.memory_space<hbm>>) target(%arg13 : memref<64x128xf32, #tpu.memory_space<vmem>>) target_semaphore(%run_scoped3A : memref<!tpu.dma_semaphore, #tpu.memory_space<semaphore_mem>>)
      %dma_wait3A_48 = arith.constant 0 : i32
      %dma_wait3A_49 = tpu.memref_slice %arg3[%add3A_14, %dma_wait3A_48] : memref<5120x128xf32, #tpu.memory_space<hbm>> -> memref<64x128xf32, #tpu.memory_space<hbm>>
      %dma_wait3A_50 = arith.constant 0 : i32
      %dma_wait3A_51 = tpu.memref_slice %arg3[%add3A_14, %dma_wait3A_50] : memref<5120x128xf32, #tpu.memory_space<hbm>> -> memref<64x128xf32, #tpu.memory_space<hbm>>
      tpu.wait_dma2 semaphore(%run_scoped3A : memref<!tpu.dma_semaphore, #tpu.memory_space<semaphore_mem>>) src(%dma_wait3A_51 : memref<64x128xf32, #tpu.memory_space<hbm>>) dst(%arg13 : memref<64x128xf32, #tpu.memory_space<vmem>>)
      tpu.yield
    }) : () -> ()
    "tpu.region"() ({
      %run_scoped3A = tpu.sem_alloc : memref<!tpu.dma_semaphore, #tpu.memory_space<semaphore_mem>>
      %dma_start3A = arith.constant 0 : i32
      %dma_start3A_45 = tpu.memref_slice %arg9[%add3A_14, %dma_start3A] : memref<5120x128xf32, #tpu.memory_space<vmem_shared>> -> memref<64x128xf32, #tpu.memory_space<vmem_shared>>
      %dma_start3A_46 = arith.constant 0 : i32
      %dma_start3A_47 = tpu.memref_slice %arg9[%add3A_14, %dma_start3A_46] : memref<5120x128xf32, #tpu.memory_space<vmem_shared>> -> memref<64x128xf32, #tpu.memory_space<vmem_shared>>
      tpu.enqueue_dma source(%arg13 : memref<64x128xf32, #tpu.memory_space<vmem>>) target(%dma_start3A_47 : memref<64x128xf32, #tpu.memory_space<vmem_shared>>) target_semaphore(%run_scoped3A : memref<!tpu.dma_semaphore, #tpu.memory_space<semaphore_mem>>)
      %dma_wait3A_48 = arith.constant 0 : i32
      %dma_wait3A_49 = tpu.memref_slice %arg9[%add3A_14, %dma_wait3A_48] : memref<5120x128xf32, #tpu.memory_space<vmem_shared>> -> memref<64x128xf32, #tpu.memory_space<vmem_shared>>
      %dma_wait3A_50 = arith.constant 0 : i32
      %dma_wait3A_51 = tpu.memref_slice %arg9[%add3A_14, %dma_wait3A_50] : memref<5120x128xf32, #tpu.memory_space<vmem_shared>> -> memref<64x128xf32, #tpu.memory_space<vmem_shared>>
      tpu.wait_dma2 semaphore(%run_scoped3A : memref<!tpu.dma_semaphore, #tpu.memory_space<semaphore_mem>>) src(%arg13 : memref<64x128xf32, #tpu.memory_space<vmem>>) dst(%dma_wait3A_51 : memref<64x128xf32, #tpu.memory_space<vmem_shared>>)
      tpu.yield
    }) : () -> ()
    %mul3A_15 = arith.constant 320 : i32
    %mul3A_16 = arith.muli %arg1, %mul3A_15 : i32
    %add3A_17 = arith.constant 192 : i32
    %add3A_18 = arith.addi %mul3A_16, %add3A_17 : i32
    "tpu.region"() ({
      %run_scoped3A = tpu.sem_alloc : memref<!tpu.dma_semaphore, #tpu.memory_space<semaphore_mem>>
      %dma_start3A = arith.constant 0 : i32
      %dma_start3A_45 = tpu.memref_slice %arg2[%add3A_18, %dma_start3A] : memref<5120x128xf32, #tpu.memory_space<hbm>> -> memref<64x128xf32, #tpu.memory_space<hbm>>
      %dma_start3A_46 = arith.constant 0 : i32
      %dma_start3A_47 = tpu.memref_slice %arg2[%add3A_18, %dma_start3A_46] : memref<5120x128xf32, #tpu.memory_space<hbm>> -> memref<64x128xf32, #tpu.memory_space<hbm>>
      tpu.enqueue_dma source(%dma_start3A_47 : memref<64x128xf32, #tpu.memory_space<hbm>>) target(%arg12 : memref<64x128xf32, #tpu.memory_space<vmem>>) target_semaphore(%run_scoped3A : memref<!tpu.dma_semaphore, #tpu.memory_space<semaphore_mem>>)
      %dma_wait3A_48 = arith.constant 0 : i32
      %dma_wait3A_49 = tpu.memref_slice %arg2[%add3A_18, %dma_wait3A_48] : memref<5120x128xf32, #tpu.memory_space<hbm>> -> memref<64x128xf32, #tpu.memory_space<hbm>>
      %dma_wait3A_50 = arith.constant 0 : i32
      %dma_wait3A_51 = tpu.memref_slice %arg2[%add3A_18, %dma_wait3A_50] : memref<5120x128xf32, #tpu.memory_space<hbm>> -> memref<64x128xf32, #tpu.memory_space<hbm>>
      tpu.wait_dma2 semaphore(%run_scoped3A : memref<!tpu.dma_semaphore, #tpu.memory_space<semaphore_mem>>) src(%dma_wait3A_51 : memref<64x128xf32, #tpu.memory_space<hbm>>) dst(%arg12 : memref<64x128xf32, #tpu.memory_space<vmem>>)
      tpu.yield
    }) : () -> ()
    "tpu.region"() ({
      %run_scoped3A = tpu.sem_alloc : memref<!tpu.dma_semaphore, #tpu.memory_space<semaphore_mem>>
      %dma_start3A = arith.constant 0 : i32
      %dma_start3A_45 = tpu.memref_slice %arg8[%add3A_18, %dma_start3A] : memref<5120x128xf32, #tpu.memory_space<vmem_shared>> -> memref<64x128xf32, #tpu.memory_space<vmem_shared>>
      %dma_start3A_46 = arith.constant 0 : i32
      %dma_start3A_47 = tpu.memref_slice %arg8[%add3A_18, %dma_start3A_46] : memref<5120x128xf32, #tpu.memory_space<vmem_shared>> -> memref<64x128xf32, #tpu.memory_space<vmem_shared>>
      tpu.enqueue_dma source(%arg12 : memref<64x128xf32, #tpu.memory_space<vmem>>) target(%dma_start3A_47 : memref<64x128xf32, #tpu.memory_space<vmem_shared>>) target_semaphore(%run_scoped3A : memref<!tpu.dma_semaphore, #tpu.memory_space<semaphore_mem>>)
      %dma_wait3A_48 = arith.constant 0 : i32
      %dma_wait3A_49 = tpu.memref_slice %arg8[%add3A_18, %dma_wait3A_48] : memref<5120x128xf32, #tpu.memory_space<vmem_shared>> -> memref<64x128xf32, #tpu.memory_space<vmem_shared>>
      %dma_wait3A_50 = arith.constant 0 : i32
      %dma_wait3A_51 = tpu.memref_slice %arg8[%add3A_18, %dma_wait3A_50] : memref<5120x128xf32, #tpu.memory_space<vmem_shared>> -> memref<64x128xf32, #tpu.memory_space<vmem_shared>>
      tpu.wait_dma2 semaphore(%run_scoped3A : memref<!tpu.dma_semaphore, #tpu.memory_space<semaphore_mem>>) src(%arg12 : memref<64x128xf32, #tpu.memory_space<vmem>>) dst(%dma_wait3A_51 : memref<64x128xf32, #tpu.memory_space<vmem_shared>>)
      tpu.yield
    }) : () -> ()
    "tpu.region"() ({
      %run_scoped3A = tpu.sem_alloc : memref<!tpu.dma_semaphore, #tpu.memory_space<semaphore_mem>>
      %dma_start3A = arith.constant 0 : i32
      %dma_start3A_45 = tpu.memref_slice %arg3[%add3A_18, %dma_start3A] : memref<5120x128xf32, #tpu.memory_space<hbm>> -> memref<64x128xf32, #tpu.memory_space<hbm>>
      %dma_start3A_46 = arith.constant 0 : i32
      %dma_start3A_47 = tpu.memref_slice %arg3[%add3A_18, %dma_start3A_46] : memref<5120x128xf32, #tpu.memory_space<hbm>> -> memref<64x128xf32, #tpu.memory_space<hbm>>
      tpu.enqueue_dma source(%dma_start3A_47 : memref<64x128xf32, #tpu.memory_space<hbm>>) target(%arg13 : memref<64x128xf32, #tpu.memory_space<vmem>>) target_semaphore(%run_scoped3A : memref<!tpu.dma_semaphore, #tpu.memory_space<semaphore_mem>>)
      %dma_wait3A_48 = arith.constant 0 : i32
      %dma_wait3A_49 = tpu.memref_slice %arg3[%add3A_18, %dma_wait3A_48] : memref<5120x128xf32, #tpu.memory_space<hbm>> -> memref<64x128xf32, #tpu.memory_space<hbm>>
      %dma_wait3A_50 = arith.constant 0 : i32
      %dma_wait3A_51 = tpu.memref_slice %arg3[%add3A_18, %dma_wait3A_50] : memref<5120x128xf32, #tpu.memory_space<hbm>> -> memref<64x128xf32, #tpu.memory_space<hbm>>
      tpu.wait_dma2 semaphore(%run_scoped3A : memref<!tpu.dma_semaphore, #tpu.memory_space<semaphore_mem>>) src(%dma_wait3A_51 : memref<64x128xf32, #tpu.memory_space<hbm>>) dst(%arg13 : memref<64x128xf32, #tpu.memory_space<vmem>>)
      tpu.yield
    }) : () -> ()
    "tpu.region"() ({
      %run_scoped3A = tpu.sem_alloc : memref<!tpu.dma_semaphore, #tpu.memory_space<semaphore_mem>>
      %dma_start3A = arith.constant 0 : i32
      %dma_start3A_45 = tpu.memref_slice %arg9[%add3A_18, %dma_start3A] : memref<5120x128xf32, #tpu.memory_space<vmem_shared>> -> memref<64x128xf32, #tpu.memory_space<vmem_shared>>
      %dma_start3A_46 = arith.constant 0 : i32
      %dma_start3A_47 = tpu.memref_slice %arg9[%add3A_18, %dma_start3A_46] : memref<5120x128xf32, #tpu.memory_space<vmem_shared>> -> memref<64x128xf32, #tpu.memory_space<vmem_shared>>
      tpu.enqueue_dma source(%arg13 : memref<64x128xf32, #tpu.memory_space<vmem>>) target(%dma_start3A_47 : memref<64x128xf32, #tpu.memory_space<vmem_shared>>) target_semaphore(%run_scoped3A : memref<!tpu.dma_semaphore, #tpu.memory_space<semaphore_mem>>)
      %dma_wait3A_48 = arith.constant 0 : i32
      %dma_wait3A_49 = tpu.memref_slice %arg9[%add3A_18, %dma_wait3A_48] : memref<5120x128xf32, #tpu.memory_space<vmem_shared>> -> memref<64x128xf32, #tpu.memory_space<vmem_shared>>
      %dma_wait3A_50 = arith.constant 0 : i32
      %dma_wait3A_51 = tpu.memref_slice %arg9[%add3A_18, %dma_wait3A_50] : memref<5120x128xf32, #tpu.memory_space<vmem_shared>> -> memref<64x128xf32, #tpu.memory_space<vmem_shared>>
      tpu.wait_dma2 semaphore(%run_scoped3A : memref<!tpu.dma_semaphore, #tpu.memory_space<semaphore_mem>>) src(%arg13 : memref<64x128xf32, #tpu.memory_space<vmem>>) dst(%dma_wait3A_51 : memref<64x128xf32, #tpu.memory_space<vmem_shared>>)
      tpu.yield
    }) : () -> ()
    %mul3A_19 = arith.constant 320 : i32
    %mul3A_20 = arith.muli %arg1, %mul3A_19 : i32
    %add3A_21 = arith.constant 256 : i32
    %add3A_22 = arith.addi %mul3A_20, %add3A_21 : i32
    "tpu.region"() ({
      %run_scoped3A = tpu.sem_alloc : memref<!tpu.dma_semaphore, #tpu.memory_space<semaphore_mem>>
      %dma_start3A = arith.constant 0 : i32
      %dma_start3A_45 = tpu.memref_slice %arg2[%add3A_22, %dma_start3A] : memref<5120x128xf32, #tpu.memory_space<hbm>> -> memref<64x128xf32, #tpu.memory_space<hbm>>
      %dma_start3A_46 = arith.constant 0 : i32
      %dma_start3A_47 = tpu.memref_slice %arg2[%add3A_22, %dma_start3A_46] : memref<5120x128xf32, #tpu.memory_space<hbm>> -> memref<64x128xf32, #tpu.memory_space<hbm>>
      tpu.enqueue_dma source(%dma_start3A_47 : memref<64x128xf32, #tpu.memory_space<hbm>>) target(%arg12 : memref<64x128xf32, #tpu.memory_space<vmem>>) target_semaphore(%run_scoped3A : memref<!tpu.dma_semaphore, #tpu.memory_space<semaphore_mem>>)
      %dma_wait3A_48 = arith.constant 0 : i32
      %dma_wait3A_49 = tpu.memref_slice %arg2[%add3A_22, %dma_wait3A_48] : memref<5120x128xf32, #tpu.memory_space<hbm>> -> memref<64x128xf32, #tpu.memory_space<hbm>>
      %dma_wait3A_50 = arith.constant 0 : i32
      %dma_wait3A_51 = tpu.memref_slice %arg2[%add3A_22, %dma_wait3A_50] : memref<5120x128xf32, #tpu.memory_space<hbm>> -> memref<64x128xf32, #tpu.memory_space<hbm>>
      tpu.wait_dma2 semaphore(%run_scoped3A : memref<!tpu.dma_semaphore, #tpu.memory_space<semaphore_mem>>) src(%dma_wait3A_51 : memref<64x128xf32, #tpu.memory_space<hbm>>) dst(%arg12 : memref<64x128xf32, #tpu.memory_space<vmem>>)
      tpu.yield
    }) : () -> ()
    "tpu.region"() ({
      %run_scoped3A = tpu.sem_alloc : memref<!tpu.dma_semaphore, #tpu.memory_space<semaphore_mem>>
      %dma_start3A = arith.constant 0 : i32
      %dma_start3A_45 = tpu.memref_slice %arg8[%add3A_22, %dma_start3A] : memref<5120x128xf32, #tpu.memory_space<vmem_shared>> -> memref<64x128xf32, #tpu.memory_space<vmem_shared>>
      %dma_start3A_46 = arith.constant 0 : i32
      %dma_start3A_47 = tpu.memref_slice %arg8[%add3A_22, %dma_start3A_46] : memref<5120x128xf32, #tpu.memory_space<vmem_shared>> -> memref<64x128xf32, #tpu.memory_space<vmem_shared>>
      tpu.enqueue_dma source(%arg12 : memref<64x128xf32, #tpu.memory_space<vmem>>) target(%dma_start3A_47 : memref<64x128xf32, #tpu.memory_space<vmem_shared>>) target_semaphore(%run_scoped3A : memref<!tpu.dma_semaphore, #tpu.memory_space<semaphore_mem>>)
      %dma_wait3A_48 = arith.constant 0 : i32
      %dma_wait3A_49 = tpu.memref_slice %arg8[%add3A_22, %dma_wait3A_48] : memref<5120x128xf32, #tpu.memory_space<vmem_shared>> -> memref<64x128xf32, #tpu.memory_space<vmem_shared>>
      %dma_wait3A_50 = arith.constant 0 : i32
      %dma_wait3A_51 = tpu.memref_slice %arg8[%add3A_22, %dma_wait3A_50] : memref<5120x128xf32, #tpu.memory_space<vmem_shared>> -> memref<64x128xf32, #tpu.memory_space<vmem_shared>>
      tpu.wait_dma2 semaphore(%run_scoped3A : memref<!tpu.dma_semaphore, #tpu.memory_space<semaphore_mem>>) src(%arg12 : memref<64x128xf32, #tpu.memory_space<vmem>>) dst(%dma_wait3A_51 : memref<64x128xf32, #tpu.memory_space<vmem_shared>>)
      tpu.yield
    }) : () -> ()
    "tpu.region"() ({
      %run_scoped3A = tpu.sem_alloc : memref<!tpu.dma_semaphore, #tpu.memory_space<semaphore_mem>>
      %dma_start3A = arith.constant 0 : i32
      %dma_start3A_45 = tpu.memref_slice %arg3[%add3A_22, %dma_start3A] : memref<5120x128xf32, #tpu.memory_space<hbm>> -> memref<64x128xf32, #tpu.memory_space<hbm>>
      %dma_start3A_46 = arith.constant 0 : i32
      %dma_start3A_47 = tpu.memref_slice %arg3[%add3A_22, %dma_start3A_46] : memref<5120x128xf32, #tpu.memory_space<hbm>> -> memref<64x128xf32, #tpu.memory_space<hbm>>
      tpu.enqueue_dma source(%dma_start3A_47 : memref<64x128xf32, #tpu.memory_space<hbm>>) target(%arg13 : memref<64x128xf32, #tpu.memory_space<vmem>>) target_semaphore(%run_scoped3A : memref<!tpu.dma_semaphore, #tpu.memory_space<semaphore_mem>>)
      %dma_wait3A_48 = arith.constant 0 : i32
      %dma_wait3A_49 = tpu.memref_slice %arg3[%add3A_22, %dma_wait3A_48] : memref<5120x128xf32, #tpu.memory_space<hbm>> -> memref<64x128xf32, #tpu.memory_space<hbm>>
      %dma_wait3A_50 = arith.constant 0 : i32
      %dma_wait3A_51 = tpu.memref_slice %arg3[%add3A_22, %dma_wait3A_50] : memref<5120x128xf32, #tpu.memory_space<hbm>> -> memref<64x128xf32, #tpu.memory_space<hbm>>
      tpu.wait_dma2 semaphore(%run_scoped3A : memref<!tpu.dma_semaphore, #tpu.memory_space<semaphore_mem>>) src(%dma_wait3A_51 : memref<64x128xf32, #tpu.memory_space<hbm>>) dst(%arg13 : memref<64x128xf32, #tpu.memory_space<vmem>>)
      tpu.yield
    }) : () -> ()
    "tpu.region"() ({
      %run_scoped3A = tpu.sem_alloc : memref<!tpu.dma_semaphore, #tpu.memory_space<semaphore_mem>>
      %dma_start3A = arith.constant 0 : i32
      %dma_start3A_45 = tpu.memref_slice %arg9[%add3A_22, %dma_start3A] : memref<5120x128xf32, #tpu.memory_space<vmem_shared>> -> memref<64x128xf32, #tpu.memory_space<vmem_shared>>
      %dma_start3A_46 = arith.constant 0 : i32
      %dma_start3A_47 = tpu.memref_slice %arg9[%add3A_22, %dma_start3A_46] : memref<5120x128xf32, #tpu.memory_space<vmem_shared>> -> memref<64x128xf32, #tpu.memory_space<vmem_shared>>
      tpu.enqueue_dma source(%arg13 : memref<64x128xf32, #tpu.memory_space<vmem>>) target(%dma_start3A_47 : memref<64x128xf32, #tpu.memory_space<vmem_shared>>) target_semaphore(%run_scoped3A : memref<!tpu.dma_semaphore, #tpu.memory_space<semaphore_mem>>)
      %dma_wait3A_48 = arith.constant 0 : i32
      %dma_wait3A_49 = tpu.memref_slice %arg9[%add3A_22, %dma_wait3A_48] : memref<5120x128xf32, #tpu.memory_space<vmem_shared>> -> memref<64x128xf32, #tpu.memory_space<vmem_shared>>
      %dma_wait3A_50 = arith.constant 0 : i32
      %dma_wait3A_51 = tpu.memref_slice %arg9[%add3A_22, %dma_wait3A_50] : memref<5120x128xf32, #tpu.memory_space<vmem_shared>> -> memref<64x128xf32, #tpu.memory_space<vmem_shared>>
      tpu.wait_dma2 semaphore(%run_scoped3A : memref<!tpu.dma_semaphore, #tpu.memory_space<semaphore_mem>>) src(%arg13 : memref<64x128xf32, #tpu.memory_space<vmem>>) dst(%dma_wait3A_51 : memref<64x128xf32, #tpu.memory_space<vmem_shared>>)
      tpu.yield
    }) : () -> ()
    %barrier3A = arith.constant 0 : index
    tpu.barrier barrier_id(%barrier3A)
    %while3A = arith.constant 0 : i32
    %while3A_23 = arith.constant 0 : i32
    %while3A_24 = arith.subi %select_n3A, %while3A_23 : i32
    %while3A_25 = arith.addi %while3A_23, %while3A_24 : i32
    %while3A_26 = arith.constant 1 : i32
    %while3A_27 = arith.divsi %while3A_24, %while3A_26 : i32
    %while3A_28 = arith.muli %while3A_27, %while3A_26 : i32
    %while3A_29 = arith.addi %while3A_23, %while3A_28 : i32
    %while3A_30 = arith.constant 1 : i32
    scf.for %while3A_45 = %while3A_23 to %while3A_29 step %while3A_30  : i32 {
      %mul3A_46 = arith.constant 32 : i32
      %mul3A_47 = arith.muli %while3A_45, %mul3A_46 : i32
      %add3A_48 = arith.addi %mul3A_47, %add3A : i32
      %mul3A_49 = arith.constant 64 : i32
      %mul3A_50 = arith.muli %add3A_48, %mul3A_49 : i32
      "tpu.region"() ({
        %run_scoped3A = tpu.sem_alloc : memref<!tpu.dma_semaphore, #tpu.memory_space<semaphore_mem>>
        %dma_start3A_77 = tpu.memref_slice %arg4[%mul3A_50] : memref<160000xi32, #tpu.memory_space<hbm>> -> memref<64xi32, #tpu.memory_space<hbm>>
        %dma_start3A_78 = tpu.memref_slice %arg4[%mul3A_50] : memref<160000xi32, #tpu.memory_space<hbm>> -> memref<64xi32, #tpu.memory_space<hbm>>
        tpu.enqueue_dma source(%dma_start3A_78 : memref<64xi32, #tpu.memory_space<hbm>>) target(%arg10 : memref<64xi32, #tpu.memory_space<vmem>>) target_semaphore(%run_scoped3A : memref<!tpu.dma_semaphore, #tpu.memory_space<semaphore_mem>>)
        %dma_wait3A_79 = tpu.memref_slice %arg4[%mul3A_50] : memref<160000xi32, #tpu.memory_space<hbm>> -> memref<64xi32, #tpu.memory_space<hbm>>
        %dma_wait3A_80 = tpu.memref_slice %arg4[%mul3A_50] : memref<160000xi32, #tpu.memory_space<hbm>> -> memref<64xi32, #tpu.memory_space<hbm>>
        tpu.wait_dma2 semaphore(%run_scoped3A : memref<!tpu.dma_semaphore, #tpu.memory_space<semaphore_mem>>) src(%dma_wait3A_80 : memref<64xi32, #tpu.memory_space<hbm>>) dst(%arg10 : memref<64xi32, #tpu.memory_space<vmem>>)
        tpu.yield
      }) : () -> ()
      "tpu.region"() ({
        %run_scoped3A = tpu.sem_alloc : memref<!tpu.dma_semaphore, #tpu.memory_space<semaphore_mem>>
        %dma_start3A_77 = tpu.memref_slice %arg5[%mul3A_50] : memref<160000xi32, #tpu.memory_space<hbm>> -> memref<64xi32, #tpu.memory_space<hbm>>
        %dma_start3A_78 = tpu.memref_slice %arg5[%mul3A_50] : memref<160000xi32, #tpu.memory_space<hbm>> -> memref<64xi32, #tpu.memory_space<hbm>>
        tpu.enqueue_dma source(%dma_start3A_78 : memref<64xi32, #tpu.memory_space<hbm>>) target(%arg11 : memref<64xi32, #tpu.memory_space<vmem>>) target_semaphore(%run_scoped3A : memref<!tpu.dma_semaphore, #tpu.memory_space<semaphore_mem>>)
        %dma_wait3A_79 = tpu.memref_slice %arg5[%mul3A_50] : memref<160000xi32, #tpu.memory_space<hbm>> -> memref<64xi32, #tpu.memory_space<hbm>>
        %dma_wait3A_80 = tpu.memref_slice %arg5[%mul3A_50] : memref<160000xi32, #tpu.memory_space<hbm>> -> memref<64xi32, #tpu.memory_space<hbm>>
        tpu.wait_dma2 semaphore(%run_scoped3A : memref<!tpu.dma_semaphore, #tpu.memory_space<semaphore_mem>>) src(%dma_wait3A_80 : memref<64xi32, #tpu.memory_space<hbm>>) dst(%arg11 : memref<64xi32, #tpu.memory_space<vmem>>)
        tpu.yield
      }) : () -> ()
      %dma_start3A = arith.constant 0 : i32
      %dma_start3A_51 = arith.constant 0 : i32
      %dma_start3A_52 = tpu.memref_slice %arg8[%dma_start3A, %dma_start3A_51] : memref<5120x128xf32, #tpu.memory_space<vmem_shared>> -> memref<5120x128xf32, #tpu.memory_space<vmem_shared>>
      tpu.enqueue_indirect_dma source(%dma_start3A_52 : memref<5120x128xf32, #tpu.memory_space<vmem_shared>>) target(%arg12 : memref<64x128xf32, #tpu.memory_space<vmem>>) offsets(%arg10 : memref<64xi32, #tpu.memory_space<vmem>>) semaphore(%arg16 : memref<!tpu.dma_semaphore, #tpu.memory_space<semaphore_mem>>)
      %dma_start3A_53 = arith.constant 0 : i32
      %dma_start3A_54 = arith.constant 0 : i32
      %dma_start3A_55 = tpu.memref_slice %arg9[%dma_start3A_53, %dma_start3A_54] : memref<5120x128xf32, #tpu.memory_space<vmem_shared>> -> memref<5120x128xf32, #tpu.memory_space<vmem_shared>>
      tpu.enqueue_indirect_dma source(%dma_start3A_55 : memref<5120x128xf32, #tpu.memory_space<vmem_shared>>) target(%arg13 : memref<64x128xf32, #tpu.memory_space<vmem>>) offsets(%arg11 : memref<64xi32, #tpu.memory_space<vmem>>) semaphore(%arg17 : memref<!tpu.dma_semaphore, #tpu.memory_space<semaphore_mem>>)
      %dma_wait3A_56 = arith.constant 0 : i32
      %dma_wait3A_57 = arith.constant 0 : i32
      %dma_wait3A_58 = tpu.memref_slice %arg8[%dma_wait3A_56, %dma_wait3A_57] : memref<5120x128xf32, #tpu.memory_space<vmem_shared>> -> memref<5120x128xf32, #tpu.memory_space<vmem_shared>>
      tpu.wait_indirect_dma semaphore(%arg16 : memref<!tpu.dma_semaphore, #tpu.memory_space<semaphore_mem>>) src(%dma_wait3A_58 : memref<5120x128xf32, #tpu.memory_space<vmem_shared>>) dst(%arg12 : memref<64x128xf32, #tpu.memory_space<vmem>>)
      %dma_wait3A_59 = arith.constant 0 : i32
      %dma_wait3A_60 = arith.constant 0 : i32
      %dma_wait3A_61 = tpu.memref_slice %arg9[%dma_wait3A_59, %dma_wait3A_60] : memref<5120x128xf32, #tpu.memory_space<vmem_shared>> -> memref<5120x128xf32, #tpu.memory_space<vmem_shared>>
      tpu.wait_indirect_dma semaphore(%arg17 : memref<!tpu.dma_semaphore, #tpu.memory_space<semaphore_mem>>) src(%dma_wait3A_61 : memref<5120x128xf32, #tpu.memory_space<vmem_shared>>) dst(%arg13 : memref<64x128xf32, #tpu.memory_space<vmem>>)
      %gt3A = arith.constant 0 : i32
      %gt3A_62 = arith.cmpi sgt, %while3A_45, %gt3A : i32
      %convert_element_type3A = arith.extui %gt3A_62 : i1 to i32
      %cond3A = arith.constant 0 : i32
      %cond3A_63 = arith.cmpi ne, %convert_element_type3A, %cond3A : i32
      scf.if %cond3A_63 {
        %sub3A_77 = arith.constant 1 : i32
        %sub3A_78 = arith.subi %while3A_45, %sub3A_77 : i32
        %mul3A_79 = arith.constant 32 : i32
        %mul3A_80 = arith.muli %sub3A_78, %mul3A_79 : i32
        %add3A_81 = arith.addi %mul3A_80, %add3A : i32
        %mul3A_82 = arith.constant 64 : i32
        %mul3A_83 = arith.muli %add3A_81, %mul3A_82 : i32
        %dma_wait3A_84 = arith.constant 0 : i32
        %dma_wait3A_85 = tpu.memref_slice %arg6[%mul3A_83, %dma_wait3A_84] : memref<160000x32xf32, #tpu.memory_space<hbm>> -> memref<64x32xf32, #tpu.memory_space<hbm>>
        %dma_wait3A_86 = arith.constant 0 : i32
        %dma_wait3A_87 = tpu.memref_slice %arg6[%mul3A_83, %dma_wait3A_86] : memref<160000x32xf32, #tpu.memory_space<hbm>> -> memref<64x32xf32, #tpu.memory_space<hbm>>
        tpu.wait_dma2 semaphore(%arg18 : memref<!tpu.dma_semaphore, #tpu.memory_space<semaphore_mem>>) src(%arg14 : memref<64x32xf32, #tpu.memory_space<vmem>>) dst(%dma_wait3A_87 : memref<64x32xf32, #tpu.memory_space<hbm>>)
        %dma_wait3A_88 = arith.constant 0 : i32
        %dma_wait3A_89 = tpu.memref_slice %arg7[%mul3A_83, %dma_wait3A_88] : memref<160000x32xf32, #tpu.memory_space<hbm>> -> memref<64x32xf32, #tpu.memory_space<hbm>>
        %dma_wait3A_90 = arith.constant 0 : i32
        %dma_wait3A_91 = tpu.memref_slice %arg7[%mul3A_83, %dma_wait3A_90] : memref<160000x32xf32, #tpu.memory_space<hbm>> -> memref<64x32xf32, #tpu.memory_space<hbm>>
        tpu.wait_dma2 semaphore(%arg19 : memref<!tpu.dma_semaphore, #tpu.memory_space<semaphore_mem>>) src(%arg15 : memref<64x32xf32, #tpu.memory_space<vmem>>) dst(%dma_wait3A_91 : memref<64x32xf32, #tpu.memory_space<hbm>>)
      } else {
      }
      %scan3A = arith.constant 0 : i32
      %scan3A_64 = arith.constant 0 : i32
      %scan3A_65 = arith.constant 16 : i32
      %scan3A_66 = arith.addi %scan3A_64, %scan3A_65 : i32
      %scan3A_67 = arith.constant 1 : i32
      scf.for %scan3A_77 = %scan3A_64 to %scan3A_66 step %scan3A_67  : i32 {
        %mul3A_78 = arith.constant 4 : i32
        %mul3A_79 = arith.muli %scan3A_77, %mul3A_78 : i32
        %add3A_80 = arith.constant 0 : i32
        %add3A_81 = arith.addi %mul3A_79, %add3A_80 : i32
        %get3A = arith.index_cast %add3A_81 : i32 to index
        %get3A_82 = arith.constant 0 : index
        %get3A_83 = tpu.vector_load %arg12[%get3A, %get3A_82] {strides = array<i32>} : memref<64x128xf32, #tpu.memory_space<vmem>>, vector<1x16xf32>,
        %get3A_84 = vector.shape_cast %get3A_83 : vector<1x16xf32> to vector<16xf32>
        %swap3A = arith.index_cast %add3A_81 : i32 to index
        %swap3A_85 = arith.constant 0 : index
        %swap3A_86 = tpu.vector_load %arg14[%swap3A, %swap3A_85] {strides = array<i32>} : memref<64x32xf32, #tpu.memory_space<vmem>>, vector<1x16xf32>,
        %swap3A_87 = vector.shape_cast %swap3A_86 : vector<1x16xf32> to vector<16xf32>
        %swap3A_88 = vector.shape_cast %get3A_84 : vector<16xf32> to vector<1x16xf32>
        tpu.vector_store %arg14[%swap3A, %swap3A_85], %swap3A_88 {strides = array<i32>} : memref<64x32xf32, #tpu.memory_space<vmem>>, vector<1x16xf32>,
        %get3A_89 = arith.index_cast %add3A_81 : i32 to index
        %get3A_90 = arith.constant 16 : index
        %get3A_91 = tpu.vector_load %arg12[%get3A_89, %get3A_90] {strides = array<i32>} : memref<64x128xf32, #tpu.memory_space<vmem>>, vector<1x16xf32>,
        %get3A_92 = vector.shape_cast %get3A_91 : vector<1x16xf32> to vector<16xf32>
        %swap3A_93 = arith.index_cast %add3A_81 : i32 to index
        %swap3A_94 = arith.constant 16 : index
        %swap3A_95 = tpu.vector_load %arg14[%swap3A_93, %swap3A_94] {strides = array<i32>} : memref<64x32xf32, #tpu.memory_space<vmem>>, vector<1x16xf32>,
        %swap3A_96 = vector.shape_cast %swap3A_95 : vector<1x16xf32> to vector<16xf32>
        %swap3A_97 = vector.shape_cast %get3A_92 : vector<16xf32> to vector<1x16xf32>
        tpu.vector_store %arg14[%swap3A_93, %swap3A_94], %swap3A_97 {strides = array<i32>} : memref<64x32xf32, #tpu.memory_space<vmem>>, vector<1x16xf32>,
        %get3A_98 = arith.index_cast %add3A_81 : i32 to index
        %get3A_99 = arith.constant 0 : index
        %get3A_100 = tpu.vector_load %arg13[%get3A_98, %get3A_99] {strides = array<i32>} : memref<64x128xf32, #tpu.memory_space<vmem>>, vector<1x16xf32>,
        %get3A_101 = vector.shape_cast %get3A_100 : vector<1x16xf32> to vector<16xf32>
        %swap3A_102 = arith.index_cast %add3A_81 : i32 to index
        %swap3A_103 = arith.constant 0 : index
        %swap3A_104 = tpu.vector_load %arg15[%swap3A_102, %swap3A_103] {strides = array<i32>} : memref<64x32xf32, #tpu.memory_space<vmem>>, vector<1x16xf32>,
        %swap3A_105 = vector.shape_cast %swap3A_104 : vector<1x16xf32> to vector<16xf32>
        %swap3A_106 = vector.shape_cast %get3A_101 : vector<16xf32> to vector<1x16xf32>
        tpu.vector_store %arg15[%swap3A_102, %swap3A_103], %swap3A_106 {strides = array<i32>} : memref<64x32xf32, #tpu.memory_space<vmem>>, vector<1x16xf32>,
        %get3A_107 = arith.index_cast %add3A_81 : i32 to index
        %get3A_108 = arith.constant 16 : index
        %get3A_109 = tpu.vector_load %arg13[%get3A_107, %get3A_108] {strides = array<i32>} : memref<64x128xf32, #tpu.memory_space<vmem>>, vector<1x16xf32>,
        %get3A_110 = vector.shape_cast %get3A_109 : vector<1x16xf32> to vector<16xf32>
        %swap3A_111 = arith.index_cast %add3A_81 : i32 to index
        %swap3A_112 = arith.constant 16 : index
        %swap3A_113 = tpu.vector_load %arg15[%swap3A_111, %swap3A_112] {strides = array<i32>} : memref<64x32xf32, #tpu.memory_space<vmem>>, vector<1x16xf32>,
        %swap3A_114 = vector.shape_cast %swap3A_113 : vector<1x16xf32> to vector<16xf32>
        %swap3A_115 = vector.shape_cast %get3A_110 : vector<16xf32> to vector<1x16xf32>
        tpu.vector_store %arg15[%swap3A_111, %swap3A_112], %swap3A_115 {strides = array<i32>} : memref<64x32xf32, #tpu.memory_space<vmem>>, vector<1x16xf32>,
        %mul3A_116 = arith.constant 4 : i32
        %mul3A_117 = arith.muli %scan3A_77, %mul3A_116 : i32
        %add3A_118 = arith.constant 1 : i32
        %add3A_119 = arith.addi %mul3A_117, %add3A_118 : i32
        %get3A_120 = arith.index_cast %add3A_119 : i32 to index
        %get3A_121 = arith.constant 0 : index
        %get3A_122 = tpu.vector_load %arg12[%get3A_120, %get3A_121] {strides = array<i32>} : memref<64x128xf32, #tpu.memory_space<vmem>>, vector<1x16xf32>,
        %get3A_123 = vector.shape_cast %get3A_122 : vector<1x16xf32> to vector<16xf32>
        %swap3A_124 = arith.index_cast %add3A_119 : i32 to index
        %swap3A_125 = arith.constant 0 : index
        %swap3A_126 = tpu.vector_load %arg14[%swap3A_124, %swap3A_125] {strides = array<i32>} : memref<64x32xf32, #tpu.memory_space<vmem>>, vector<1x16xf32>,
        %swap3A_127 = vector.shape_cast %swap3A_126 : vector<1x16xf32> to vector<16xf32>
        %swap3A_128 = vector.shape_cast %get3A_123 : vector<16xf32> to vector<1x16xf32>
        tpu.vector_store %arg14[%swap3A_124, %swap3A_125], %swap3A_128 {strides = array<i32>} : memref<64x32xf32, #tpu.memory_space<vmem>>, vector<1x16xf32>,
        %get3A_129 = arith.index_cast %add3A_119 : i32 to index
        %get3A_130 = arith.constant 16 : index
        %get3A_131 = tpu.vector_load %arg12[%get3A_129, %get3A_130] {strides = array<i32>} : memref<64x128xf32, #tpu.memory_space<vmem>>, vector<1x16xf32>,
        %get3A_132 = vector.shape_cast %get3A_131 : vector<1x16xf32> to vector<16xf32>
        %swap3A_133 = arith.index_cast %add3A_119 : i32 to index
        %swap3A_134 = arith.constant 16 : index
        %swap3A_135 = tpu.vector_load %arg14[%swap3A_133, %swap3A_134] {strides = array<i32>} : memref<64x32xf32, #tpu.memory_space<vmem>>, vector<1x16xf32>,
        %swap3A_136 = vector.shape_cast %swap3A_135 : vector<1x16xf32> to vector<16xf32>
        %swap3A_137 = vector.shape_cast %get3A_132 : vector<16xf32> to vector<1x16xf32>
        tpu.vector_store %arg14[%swap3A_133, %swap3A_134], %swap3A_137 {strides = array<i32>} : memref<64x32xf32, #tpu.memory_space<vmem>>, vector<1x16xf32>,
        %get3A_138 = arith.index_cast %add3A_119 : i32 to index
        %get3A_139 = arith.constant 0 : index
        %get3A_140 = tpu.vector_load %arg13[%get3A_138, %get3A_139] {strides = array<i32>} : memref<64x128xf32, #tpu.memory_space<vmem>>, vector<1x16xf32>,
        %get3A_141 = vector.shape_cast %get3A_140 : vector<1x16xf32> to vector<16xf32>
        %swap3A_142 = arith.index_cast %add3A_119 : i32 to index
        %swap3A_143 = arith.constant 0 : index
        %swap3A_144 = tpu.vector_load %arg15[%swap3A_142, %swap3A_143] {strides = array<i32>} : memref<64x32xf32, #tpu.memory_space<vmem>>, vector<1x16xf32>,
        %swap3A_145 = vector.shape_cast %swap3A_144 : vector<1x16xf32> to vector<16xf32>
        %swap3A_146 = vector.shape_cast %get3A_141 : vector<16xf32> to vector<1x16xf32>
        tpu.vector_store %arg15[%swap3A_142, %swap3A_143], %swap3A_146 {strides = array<i32>} : memref<64x32xf32, #tpu.memory_space<vmem>>, vector<1x16xf32>,
        %get3A_147 = arith.index_cast %add3A_119 : i32 to index
        %get3A_148 = arith.constant 16 : index
        %get3A_149 = tpu.vector_load %arg13[%get3A_147, %get3A_148] {strides = array<i32>} : memref<64x128xf32, #tpu.memory_space<vmem>>, vector<1x16xf32>,
        %get3A_150 = vector.shape_cast %get3A_149 : vector<1x16xf32> to vector<16xf32>
        %swap3A_151 = arith.index_cast %add3A_119 : i32 to index
        %swap3A_152 = arith.constant 16 : index
        %swap3A_153 = tpu.vector_load %arg15[%swap3A_151, %swap3A_152] {strides = array<i32>} : memref<64x32xf32, #tpu.memory_space<vmem>>, vector<1x16xf32>,
        %swap3A_154 = vector.shape_cast %swap3A_153 : vector<1x16xf32> to vector<16xf32>
        %swap3A_155 = vector.shape_cast %get3A_150 : vector<16xf32> to vector<1x16xf32>
        tpu.vector_store %arg15[%swap3A_151, %swap3A_152], %swap3A_155 {strides = array<i32>} : memref<64x32xf32, #tpu.memory_space<vmem>>, vector<1x16xf32>,
        %mul3A_156 = arith.constant 4 : i32
        %mul3A_157 = arith.muli %scan3A_77, %mul3A_156 : i32
        %add3A_158 = arith.constant 2 : i32
        %add3A_159 = arith.addi %mul3A_157, %add3A_158 : i32
        %get3A_160 = arith.index_cast %add3A_159 : i32 to index
        %get3A_161 = arith.constant 0 : index
        %get3A_162 = tpu.vector_load %arg12[%get3A_160, %get3A_161] {strides = array<i32>} : memref<64x128xf32, #tpu.memory_space<vmem>>, vector<1x16xf32>,
        %get3A_163 = vector.shape_cast %get3A_162 : vector<1x16xf32> to vector<16xf32>
        %swap3A_164 = arith.index_cast %add3A_159 : i32 to index
        %swap3A_165 = arith.constant 0 : index
        %swap3A_166 = tpu.vector_load %arg14[%swap3A_164, %swap3A_165] {strides = array<i32>} : memref<64x32xf32, #tpu.memory_space<vmem>>, vector<1x16xf32>,
        %swap3A_167 = vector.shape_cast %swap3A_166 : vector<1x16xf32> to vector<16xf32>
        %swap3A_168 = vector.shape_cast %get3A_163 : vector<16xf32> to vector<1x16xf32>
        tpu.vector_store %arg14[%swap3A_164, %swap3A_165], %swap3A_168 {strides = array<i32>} : memref<64x32xf32, #tpu.memory_space<vmem>>, vector<1x16xf32>,
        %get3A_169 = arith.index_cast %add3A_159 : i32 to index
        %get3A_170 = arith.constant 16 : index
        %get3A_171 = tpu.vector_load %arg12[%get3A_169, %get3A_170] {strides = array<i32>} : memref<64x128xf32, #tpu.memory_space<vmem>>, vector<1x16xf32>,
        %get3A_172 = vector.shape_cast %get3A_171 : vector<1x16xf32> to vector<16xf32>
        %swap3A_173 = arith.index_cast %add3A_159 : i32 to index
        %swap3A_174 = arith.constant 16 : index
        %swap3A_175 = tpu.vector_load %arg14[%swap3A_173, %swap3A_174] {strides = array<i32>} : memref<64x32xf32, #tpu.memory_space<vmem>>, vector<1x16xf32>,
        %swap3A_176 = vector.shape_cast %swap3A_175 : vector<1x16xf32> to vector<16xf32>
        %swap3A_177 = vector.shape_cast %get3A_172 : vector<16xf32> to vector<1x16xf32>
        tpu.vector_store %arg14[%swap3A_173, %swap3A_174], %swap3A_177 {strides = array<i32>} : memref<64x32xf32, #tpu.memory_space<vmem>>, vector<1x16xf32>,
        %get3A_178 = arith.index_cast %add3A_159 : i32 to index
        %get3A_179 = arith.constant 0 : index
        %get3A_180 = tpu.vector_load %arg13[%get3A_178, %get3A_179] {strides = array<i32>} : memref<64x128xf32, #tpu.memory_space<vmem>>, vector<1x16xf32>,
        %get3A_181 = vector.shape_cast %get3A_180 : vector<1x16xf32> to vector<16xf32>
        %swap3A_182 = arith.index_cast %add3A_159 : i32 to index
        %swap3A_183 = arith.constant 0 : index
        %swap3A_184 = tpu.vector_load %arg15[%swap3A_182, %swap3A_183] {strides = array<i32>} : memref<64x32xf32, #tpu.memory_space<vmem>>, vector<1x16xf32>,
        %swap3A_185 = vector.shape_cast %swap3A_184 : vector<1x16xf32> to vector<16xf32>
        %swap3A_186 = vector.shape_cast %get3A_181 : vector<16xf32> to vector<1x16xf32>
        tpu.vector_store %arg15[%swap3A_182, %swap3A_183], %swap3A_186 {strides = array<i32>} : memref<64x32xf32, #tpu.memory_space<vmem>>, vector<1x16xf32>,
        %get3A_187 = arith.index_cast %add3A_159 : i32 to index
        %get3A_188 = arith.constant 16 : index
        %get3A_189 = tpu.vector_load %arg13[%get3A_187, %get3A_188] {strides = array<i32>} : memref<64x128xf32, #tpu.memory_space<vmem>>, vector<1x16xf32>,
        %get3A_190 = vector.shape_cast %get3A_189 : vector<1x16xf32> to vector<16xf32>
        %swap3A_191 = arith.index_cast %add3A_159 : i32 to index
        %swap3A_192 = arith.constant 16 : index
        %swap3A_193 = tpu.vector_load %arg15[%swap3A_191, %swap3A_192] {strides = array<i32>} : memref<64x32xf32, #tpu.memory_space<vmem>>, vector<1x16xf32>,
        %swap3A_194 = vector.shape_cast %swap3A_193 : vector<1x16xf32> to vector<16xf32>
        %swap3A_195 = vector.shape_cast %get3A_190 : vector<16xf32> to vector<1x16xf32>
        tpu.vector_store %arg15[%swap3A_191, %swap3A_192], %swap3A_195 {strides = array<i32>} : memref<64x32xf32, #tpu.memory_space<vmem>>, vector<1x16xf32>,
        %mul3A_196 = arith.constant 4 : i32
        %mul3A_197 = arith.muli %scan3A_77, %mul3A_196 : i32
        %add3A_198 = arith.constant 3 : i32
        %add3A_199 = arith.addi %mul3A_197, %add3A_198 : i32
        %get3A_200 = arith.index_cast %add3A_199 : i32 to index
        %get3A_201 = arith.constant 0 : index
        %get3A_202 = tpu.vector_load %arg12[%get3A_200, %get3A_201] {strides = array<i32>} : memref<64x128xf32, #tpu.memory_space<vmem>>, vector<1x16xf32>,
        %get3A_203 = vector.shape_cast %get3A_202 : vector<1x16xf32> to vector<16xf32>
        %swap3A_204 = arith.index_cast %add3A_199 : i32 to index
        %swap3A_205 = arith.constant 0 : index
        %swap3A_206 = tpu.vector_load %arg14[%swap3A_204, %swap3A_205] {strides = array<i32>} : memref<64x32xf32, #tpu.memory_space<vmem>>, vector<1x16xf32>,
        %swap3A_207 = vector.shape_cast %swap3A_206 : vector<1x16xf32> to vector<16xf32>
        %swap3A_208 = vector.shape_cast %get3A_203 : vector<16xf32> to vector<1x16xf32>
        tpu.vector_store %arg14[%swap3A_204, %swap3A_205], %swap3A_208 {strides = array<i32>} : memref<64x32xf32, #tpu.memory_space<vmem>>, vector<1x16xf32>,
        %get3A_209 = arith.index_cast %add3A_199 : i32 to index
        %get3A_210 = arith.constant 16 : index
        %get3A_211 = tpu.vector_load %arg12[%get3A_209, %get3A_210] {strides = array<i32>} : memref<64x128xf32, #tpu.memory_space<vmem>>, vector<1x16xf32>,
        %get3A_212 = vector.shape_cast %get3A_211 : vector<1x16xf32> to vector<16xf32>
        %swap3A_213 = arith.index_cast %add3A_199 : i32 to index
        %swap3A_214 = arith.constant 16 : index
        %swap3A_215 = tpu.vector_load %arg14[%swap3A_213, %swap3A_214] {strides = array<i32>} : memref<64x32xf32, #tpu.memory_space<vmem>>, vector<1x16xf32>,
        %swap3A_216 = vector.shape_cast %swap3A_215 : vector<1x16xf32> to vector<16xf32>
        %swap3A_217 = vector.shape_cast %get3A_212 : vector<16xf32> to vector<1x16xf32>
        tpu.vector_store %arg14[%swap3A_213, %swap3A_214], %swap3A_217 {strides = array<i32>} : memref<64x32xf32, #tpu.memory_space<vmem>>, vector<1x16xf32>,
        %get3A_218 = arith.index_cast %add3A_199 : i32 to index
        %get3A_219 = arith.constant 0 : index
        %get3A_220 = tpu.vector_load %arg13[%get3A_218, %get3A_219] {strides = array<i32>} : memref<64x128xf32, #tpu.memory_space<vmem>>, vector<1x16xf32>,
        %get3A_221 = vector.shape_cast %get3A_220 : vector<1x16xf32> to vector<16xf32>
        %swap3A_222 = arith.index_cast %add3A_199 : i32 to index
        %swap3A_223 = arith.constant 0 : index
        %swap3A_224 = tpu.vector_load %arg15[%swap3A_222, %swap3A_223] {strides = array<i32>} : memref<64x32xf32, #tpu.memory_space<vmem>>, vector<1x16xf32>,
        %swap3A_225 = vector.shape_cast %swap3A_224 : vector<1x16xf32> to vector<16xf32>
        %swap3A_226 = vector.shape_cast %get3A_221 : vector<16xf32> to vector<1x16xf32>
        tpu.vector_store %arg15[%swap3A_222, %swap3A_223], %swap3A_226 {strides = array<i32>} : memref<64x32xf32, #tpu.memory_space<vmem>>, vector<1x16xf32>,
        %get3A_227 = arith.index_cast %add3A_199 : i32 to index
        %get3A_228 = arith.constant 16 : index
        %get3A_229 = tpu.vector_load %arg13[%get3A_227, %get3A_228] {strides = array<i32>} : memref<64x128xf32, #tpu.memory_space<vmem>>, vector<1x16xf32>,
        %get3A_230 = vector.shape_cast %get3A_229 : vector<1x16xf32> to vector<16xf32>
        %swap3A_231 = arith.index_cast %add3A_199 : i32 to index
        %swap3A_232 = arith.constant 16 : index
        %swap3A_233 = tpu.vector_load %arg15[%swap3A_231, %swap3A_232] {strides = array<i32>} : memref<64x32xf32, #tpu.memory_space<vmem>>, vector<1x16xf32>,
        %swap3A_234 = vector.shape_cast %swap3A_233 : vector<1x16xf32> to vector<16xf32>
        %swap3A_235 = vector.shape_cast %get3A_230 : vector<16xf32> to vector<1x16xf32>
        tpu.vector_store %arg15[%swap3A_231, %swap3A_232], %swap3A_235 {strides = array<i32>} : memref<64x32xf32, #tpu.memory_space<vmem>>, vector<1x16xf32>,
      }
      %scan3A_68 = arith.constant 16 : i32
      %dma_start3A_69 = arith.constant 0 : i32
      %dma_start3A_70 = tpu.memref_slice %arg6[%mul3A_50, %dma_start3A_69] : memref<160000x32xf32, #tpu.memory_space<hbm>> -> memref<64x32xf32, #tpu.memory_space<hbm>>
      %dma_start3A_71 = arith.constant 0 : i32
      %dma_start3A_72 = tpu.memref_slice %arg6[%mul3A_50, %dma_start3A_71] : memref<160000x32xf32, #tpu.memory_space<hbm>> -> memref<64x32xf32, #tpu.memory_space<hbm>>
      tpu.enqueue_dma source(%arg14 : memref<64x32xf32, #tpu.memory_space<vmem>>) target(%dma_start3A_72 : memref<64x32xf32, #tpu.memory_space<hbm>>) target_semaphore(%arg18 : memref<!tpu.dma_semaphore, #tpu.memory_space<semaphore_mem>>)
      %dma_start3A_73 = arith.constant 0 : i32
      %dma_start3A_74 = tpu.memref_slice %arg7[%mul3A_50, %dma_start3A_73] : memref<160000x32xf32, #tpu.memory_space<hbm>> -> memref<64x32xf32, #tpu.memory_space<hbm>>
      %dma_start3A_75 = arith.constant 0 : i32
      %dma_start3A_76 = tpu.memref_slice %arg7[%mul3A_50, %dma_start3A_75] : memref<160000x32xf32, #tpu.memory_space<hbm>> -> memref<64x32xf32, #tpu.memory_space<hbm>>
      tpu.enqueue_dma source(%arg15 : memref<64x32xf32, #tpu.memory_space<vmem>>) target(%dma_start3A_76 : memref<64x32xf32, #tpu.memory_space<hbm>>) target_semaphore(%arg19 : memref<!tpu.dma_semaphore, #tpu.memory_space<semaphore_mem>>)
    }
    %while3A_31 = arith.constant 1 : i32
    scf.for %while3A_45 = %while3A_29 to %while3A_25 step %while3A_31  : i32 {
      %mul3A_46 = arith.constant 32 : i32
      %mul3A_47 = arith.muli %while3A_45, %mul3A_46 : i32
      %add3A_48 = arith.addi %mul3A_47, %add3A : i32
      %mul3A_49 = arith.constant 64 : i32
      %mul3A_50 = arith.muli %add3A_48, %mul3A_49 : i32
      "tpu.region"() ({
        %run_scoped3A = tpu.sem_alloc : memref<!tpu.dma_semaphore, #tpu.memory_space<semaphore_mem>>
        %dma_start3A_77 = tpu.memref_slice %arg4[%mul3A_50] : memref<160000xi32, #tpu.memory_space<hbm>> -> memref<64xi32, #tpu.memory_space<hbm>>
        %dma_start3A_78 = tpu.memref_slice %arg4[%mul3A_50] : memref<160000xi32, #tpu.memory_space<hbm>> -> memref<64xi32, #tpu.memory_space<hbm>>
        tpu.enqueue_dma source(%dma_start3A_78 : memref<64xi32, #tpu.memory_space<hbm>>) target(%arg10 : memref<64xi32, #tpu.memory_space<vmem>>) target_semaphore(%run_scoped3A : memref<!tpu.dma_semaphore, #tpu.memory_space<semaphore_mem>>)
        %dma_wait3A_79 = tpu.memref_slice %arg4[%mul3A_50] : memref<160000xi32, #tpu.memory_space<hbm>> -> memref<64xi32, #tpu.memory_space<hbm>>
        %dma_wait3A_80 = tpu.memref_slice %arg4[%mul3A_50] : memref<160000xi32, #tpu.memory_space<hbm>> -> memref<64xi32, #tpu.memory_space<hbm>>
        tpu.wait_dma2 semaphore(%run_scoped3A : memref<!tpu.dma_semaphore, #tpu.memory_space<semaphore_mem>>) src(%dma_wait3A_80 : memref<64xi32, #tpu.memory_space<hbm>>) dst(%arg10 : memref<64xi32, #tpu.memory_space<vmem>>)
        tpu.yield
      }) : () -> ()
      "tpu.region"() ({
        %run_scoped3A = tpu.sem_alloc : memref<!tpu.dma_semaphore, #tpu.memory_space<semaphore_mem>>
        %dma_start3A_77 = tpu.memref_slice %arg5[%mul3A_50] : memref<160000xi32, #tpu.memory_space<hbm>> -> memref<64xi32, #tpu.memory_space<hbm>>
        %dma_start3A_78 = tpu.memref_slice %arg5[%mul3A_50] : memref<160000xi32, #tpu.memory_space<hbm>> -> memref<64xi32, #tpu.memory_space<hbm>>
        tpu.enqueue_dma source(%dma_start3A_78 : memref<64xi32, #tpu.memory_space<hbm>>) target(%arg11 : memref<64xi32, #tpu.memory_space<vmem>>) target_semaphore(%run_scoped3A : memref<!tpu.dma_semaphore, #tpu.memory_space<semaphore_mem>>)
        %dma_wait3A_79 = tpu.memref_slice %arg5[%mul3A_50] : memref<160000xi32, #tpu.memory_space<hbm>> -> memref<64xi32, #tpu.memory_space<hbm>>
        %dma_wait3A_80 = tpu.memref_slice %arg5[%mul3A_50] : memref<160000xi32, #tpu.memory_space<hbm>> -> memref<64xi32, #tpu.memory_space<hbm>>
        tpu.wait_dma2 semaphore(%run_scoped3A : memref<!tpu.dma_semaphore, #tpu.memory_space<semaphore_mem>>) src(%dma_wait3A_80 : memref<64xi32, #tpu.memory_space<hbm>>) dst(%arg11 : memref<64xi32, #tpu.memory_space<vmem>>)
        tpu.yield
      }) : () -> ()
      %dma_start3A = arith.constant 0 : i32
      %dma_start3A_51 = arith.constant 0 : i32
      %dma_start3A_52 = tpu.memref_slice %arg8[%dma_start3A, %dma_start3A_51] : memref<5120x128xf32, #tpu.memory_space<vmem_shared>> -> memref<5120x128xf32, #tpu.memory_space<vmem_shared>>
      tpu.enqueue_indirect_dma source(%dma_start3A_52 : memref<5120x128xf32, #tpu.memory_space<vmem_shared>>) target(%arg12 : memref<64x128xf32, #tpu.memory_space<vmem>>) offsets(%arg10 : memref<64xi32, #tpu.memory_space<vmem>>) semaphore(%arg16 : memref<!tpu.dma_semaphore, #tpu.memory_space<semaphore_mem>>)
      %dma_start3A_53 = arith.constant 0 : i32
      %dma_start3A_54 = arith.constant 0 : i32
      %dma_start3A_55 = tpu.memref_slice %arg9[%dma_start3A_53, %dma_start3A_54] : memref<5120x128xf32, #tpu.memory_space<vmem_shared>> -> memref<5120x128xf32, #tpu.memory_space<vmem_shared>>
      tpu.enqueue_indirect_dma source(%dma_start3A_55 : memref<5120x128xf32, #tpu.memory_space<vmem_shared>>) target(%arg13 : memref<64x128xf32, #tpu.memory_space<vmem>>) offsets(%arg11 : memref<64xi32, #tpu.memory_space<vmem>>) semaphore(%arg17 : memref<!tpu.dma_semaphore, #tpu.memory_space<semaphore_mem>>)
      %dma_wait3A_56 = arith.constant 0 : i32
      %dma_wait3A_57 = arith.constant 0 : i32
      %dma_wait3A_58 = tpu.memref_slice %arg8[%dma_wait3A_56, %dma_wait3A_57] : memref<5120x128xf32, #tpu.memory_space<vmem_shared>> -> memref<5120x128xf32, #tpu.memory_space<vmem_shared>>
      tpu.wait_indirect_dma semaphore(%arg16 : memref<!tpu.dma_semaphore, #tpu.memory_space<semaphore_mem>>) src(%dma_wait3A_58 : memref<5120x128xf32, #tpu.memory_space<vmem_shared>>) dst(%arg12 : memref<64x128xf32, #tpu.memory_space<vmem>>)
      %dma_wait3A_59 = arith.constant 0 : i32
      %dma_wait3A_60 = arith.constant 0 : i32
      %dma_wait3A_61 = tpu.memref_slice %arg9[%dma_wait3A_59, %dma_wait3A_60] : memref<5120x128xf32, #tpu.memory_space<vmem_shared>> -> memref<5120x128xf32, #tpu.memory_space<vmem_shared>>
      tpu.wait_indirect_dma semaphore(%arg17 : memref<!tpu.dma_semaphore, #tpu.memory_space<semaphore_mem>>) src(%dma_wait3A_61 : memref<5120x128xf32, #tpu.memory_space<vmem_shared>>) dst(%arg13 : memref<64x128xf32, #tpu.memory_space<vmem>>)
      %gt3A = arith.constant 0 : i32
      %gt3A_62 = arith.cmpi sgt, %while3A_45, %gt3A : i32
      %convert_element_type3A = arith.extui %gt3A_62 : i1 to i32
      %cond3A = arith.constant 0 : i32
      %cond3A_63 = arith.cmpi ne, %convert_element_type3A, %cond3A : i32
      scf.if %cond3A_63 {
        %sub3A_77 = arith.constant 1 : i32
        %sub3A_78 = arith.subi %while3A_45, %sub3A_77 : i32
        %mul3A_79 = arith.constant 32 : i32
        %mul3A_80 = arith.muli %sub3A_78, %mul3A_79 : i32
        %add3A_81 = arith.addi %mul3A_80, %add3A : i32
        %mul3A_82 = arith.constant 64 : i32
        %mul3A_83 = arith.muli %add3A_81, %mul3A_82 : i32
        %dma_wait3A_84 = arith.constant 0 : i32
        %dma_wait3A_85 = tpu.memref_slice %arg6[%mul3A_83, %dma_wait3A_84] : memref<160000x32xf32, #tpu.memory_space<hbm>> -> memref<64x32xf32, #tpu.memory_space<hbm>>
        %dma_wait3A_86 = arith.constant 0 : i32
        %dma_wait3A_87 = tpu.memref_slice %arg6[%mul3A_83, %dma_wait3A_86] : memref<160000x32xf32, #tpu.memory_space<hbm>> -> memref<64x32xf32, #tpu.memory_space<hbm>>
        tpu.wait_dma2 semaphore(%arg18 : memref<!tpu.dma_semaphore, #tpu.memory_space<semaphore_mem>>) src(%arg14 : memref<64x32xf32, #tpu.memory_space<vmem>>) dst(%dma_wait3A_87 : memref<64x32xf32, #tpu.memory_space<hbm>>)
        %dma_wait3A_88 = arith.constant 0 : i32
        %dma_wait3A_89 = tpu.memref_slice %arg7[%mul3A_83, %dma_wait3A_88] : memref<160000x32xf32, #tpu.memory_space<hbm>> -> memref<64x32xf32, #tpu.memory_space<hbm>>
        %dma_wait3A_90 = arith.constant 0 : i32
        %dma_wait3A_91 = tpu.memref_slice %arg7[%mul3A_83, %dma_wait3A_90] : memref<160000x32xf32, #tpu.memory_space<hbm>> -> memref<64x32xf32, #tpu.memory_space<hbm>>
        tpu.wait_dma2 semaphore(%arg19 : memref<!tpu.dma_semaphore, #tpu.memory_space<semaphore_mem>>) src(%arg15 : memref<64x32xf32, #tpu.memory_space<vmem>>) dst(%dma_wait3A_91 : memref<64x32xf32, #tpu.memory_space<hbm>>)
      } else {
      }
      %scan3A = arith.constant 0 : i32
      %scan3A_64 = arith.constant 0 : i32
      %scan3A_65 = arith.constant 16 : i32
      %scan3A_66 = arith.addi %scan3A_64, %scan3A_65 : i32
      %scan3A_67 = arith.constant 1 : i32
      scf.for %scan3A_77 = %scan3A_64 to %scan3A_66 step %scan3A_67  : i32 {
        %mul3A_78 = arith.constant 4 : i32
        %mul3A_79 = arith.muli %scan3A_77, %mul3A_78 : i32
        %add3A_80 = arith.constant 0 : i32
        %add3A_81 = arith.addi %mul3A_79, %add3A_80 : i32
        %get3A = arith.index_cast %add3A_81 : i32 to index
        %get3A_82 = arith.constant 0 : index
        %get3A_83 = tpu.vector_load %arg12[%get3A, %get3A_82] {strides = array<i32>} : memref<64x128xf32, #tpu.memory_space<vmem>>, vector<1x16xf32>,
        %get3A_84 = vector.shape_cast %get3A_83 : vector<1x16xf32> to vector<16xf32>
        %swap3A = arith.index_cast %add3A_81 : i32 to index
        %swap3A_85 = arith.constant 0 : index
        %swap3A_86 = tpu.vector_load %arg14[%swap3A, %swap3A_85] {strides = array<i32>} : memref<64x32xf32, #tpu.memory_space<vmem>>, vector<1x16xf32>,
        %swap3A_87 = vector.shape_cast %swap3A_86 : vector<1x16xf32> to vector<16xf32>
        %swap3A_88 = vector.shape_cast %get3A_84 : vector<16xf32> to vector<1x16xf32>
        tpu.vector_store %arg14[%swap3A, %swap3A_85], %swap3A_88 {strides = array<i32>} : memref<64x32xf32, #tpu.memory_space<vmem>>, vector<1x16xf32>,
        %get3A_89 = arith.index_cast %add3A_81 : i32 to index
        %get3A_90 = arith.constant 16 : index
        %get3A_91 = tpu.vector_load %arg12[%get3A_89, %get3A_90] {strides = array<i32>} : memref<64x128xf32, #tpu.memory_space<vmem>>, vector<1x16xf32>,
        %get3A_92 = vector.shape_cast %get3A_91 : vector<1x16xf32> to vector<16xf32>
        %swap3A_93 = arith.index_cast %add3A_81 : i32 to index
        %swap3A_94 = arith.constant 16 : index
        %swap3A_95 = tpu.vector_load %arg14[%swap3A_93, %swap3A_94] {strides = array<i32>} : memref<64x32xf32, #tpu.memory_space<vmem>>, vector<1x16xf32>,
        %swap3A_96 = vector.shape_cast %swap3A_95 : vector<1x16xf32> to vector<16xf32>
        %swap3A_97 = vector.shape_cast %get3A_92 : vector<16xf32> to vector<1x16xf32>
        tpu.vector_store %arg14[%swap3A_93, %swap3A_94], %swap3A_97 {strides = array<i32>} : memref<64x32xf32, #tpu.memory_space<vmem>>, vector<1x16xf32>,
        %get3A_98 = arith.index_cast %add3A_81 : i32 to index
        %get3A_99 = arith.constant 0 : index
        %get3A_100 = tpu.vector_load %arg13[%get3A_98, %get3A_99] {strides = array<i32>} : memref<64x128xf32, #tpu.memory_space<vmem>>, vector<1x16xf32>,
        %get3A_101 = vector.shape_cast %get3A_100 : vector<1x16xf32> to vector<16xf32>
        %swap3A_102 = arith.index_cast %add3A_81 : i32 to index
        %swap3A_103 = arith.constant 0 : index
        %swap3A_104 = tpu.vector_load %arg15[%swap3A_102, %swap3A_103] {strides = array<i32>} : memref<64x32xf32, #tpu.memory_space<vmem>>, vector<1x16xf32>,
        %swap3A_105 = vector.shape_cast %swap3A_104 : vector<1x16xf32> to vector<16xf32>
        %swap3A_106 = vector.shape_cast %get3A_101 : vector<16xf32> to vector<1x16xf32>
        tpu.vector_store %arg15[%swap3A_102, %swap3A_103], %swap3A_106 {strides = array<i32>} : memref<64x32xf32, #tpu.memory_space<vmem>>, vector<1x16xf32>,
        %get3A_107 = arith.index_cast %add3A_81 : i32 to index
        %get3A_108 = arith.constant 16 : index
        %get3A_109 = tpu.vector_load %arg13[%get3A_107, %get3A_108] {strides = array<i32>} : memref<64x128xf32, #tpu.memory_space<vmem>>, vector<1x16xf32>,
        %get3A_110 = vector.shape_cast %get3A_109 : vector<1x16xf32> to vector<16xf32>
        %swap3A_111 = arith.index_cast %add3A_81 : i32 to index
        %swap3A_112 = arith.constant 16 : index
        %swap3A_113 = tpu.vector_load %arg15[%swap3A_111, %swap3A_112] {strides = array<i32>} : memref<64x32xf32, #tpu.memory_space<vmem>>, vector<1x16xf32>,
        %swap3A_114 = vector.shape_cast %swap3A_113 : vector<1x16xf32> to vector<16xf32>
        %swap3A_115 = vector.shape_cast %get3A_110 : vector<16xf32> to vector<1x16xf32>
        tpu.vector_store %arg15[%swap3A_111, %swap3A_112], %swap3A_115 {strides = array<i32>} : memref<64x32xf32, #tpu.memory_space<vmem>>, vector<1x16xf32>,
        %mul3A_116 = arith.constant 4 : i32
        %mul3A_117 = arith.muli %scan3A_77, %mul3A_116 : i32
        %add3A_118 = arith.constant 1 : i32
        %add3A_119 = arith.addi %mul3A_117, %add3A_118 : i32
        %get3A_120 = arith.index_cast %add3A_119 : i32 to index
        %get3A_121 = arith.constant 0 : index
        %get3A_122 = tpu.vector_load %arg12[%get3A_120, %get3A_121] {strides = array<i32>} : memref<64x128xf32, #tpu.memory_space<vmem>>, vector<1x16xf32>,
        %get3A_123 = vector.shape_cast %get3A_122 : vector<1x16xf32> to vector<16xf32>
        %swap3A_124 = arith.index_cast %add3A_119 : i32 to index
        %swap3A_125 = arith.constant 0 : index
        %swap3A_126 = tpu.vector_load %arg14[%swap3A_124, %swap3A_125] {strides = array<i32>} : memref<64x32xf32, #tpu.memory_space<vmem>>, vector<1x16xf32>,
        %swap3A_127 = vector.shape_cast %swap3A_126 : vector<1x16xf32> to vector<16xf32>
        %swap3A_128 = vector.shape_cast %get3A_123 : vector<16xf32> to vector<1x16xf32>
        tpu.vector_store %arg14[%swap3A_124, %swap3A_125], %swap3A_128 {strides = array<i32>} : memref<64x32xf32, #tpu.memory_space<vmem>>, vector<1x16xf32>,
        %get3A_129 = arith.index_cast %add3A_119 : i32 to index
        %get3A_130 = arith.constant 16 : index
        %get3A_131 = tpu.vector_load %arg12[%get3A_129, %get3A_130] {strides = array<i32>} : memref<64x128xf32, #tpu.memory_space<vmem>>, vector<1x16xf32>,
        %get3A_132 = vector.shape_cast %get3A_131 : vector<1x16xf32> to vector<16xf32>
        %swap3A_133 = arith.index_cast %add3A_119 : i32 to index
        %swap3A_134 = arith.constant 16 : index
        %swap3A_135 = tpu.vector_load %arg14[%swap3A_133, %swap3A_134] {strides = array<i32>} : memref<64x32xf32, #tpu.memory_space<vmem>>, vector<1x16xf32>,
        %swap3A_136 = vector.shape_cast %swap3A_135 : vector<1x16xf32> to vector<16xf32>
        %swap3A_137 = vector.shape_cast %get3A_132 : vector<16xf32> to vector<1x16xf32>
        tpu.vector_store %arg14[%swap3A_133, %swap3A_134], %swap3A_137 {strides = array<i32>} : memref<64x32xf32, #tpu.memory_space<vmem>>, vector<1x16xf32>,
        %get3A_138 = arith.index_cast %add3A_119 : i32 to index
        %get3A_139 = arith.constant 0 : index
        %get3A_140 = tpu.vector_load %arg13[%get3A_138, %get3A_139] {strides = array<i32>} : memref<64x128xf32, #tpu.memory_space<vmem>>, vector<1x16xf32>,
        %get3A_141 = vector.shape_cast %get3A_140 : vector<1x16xf32> to vector<16xf32>
        %swap3A_142 = arith.index_cast %add3A_119 : i32 to index
        %swap3A_143 = arith.constant 0 : index
        %swap3A_144 = tpu.vector_load %arg15[%swap3A_142, %swap3A_143] {strides = array<i32>} : memref<64x32xf32, #tpu.memory_space<vmem>>, vector<1x16xf32>,
        %swap3A_145 = vector.shape_cast %swap3A_144 : vector<1x16xf32> to vector<16xf32>
        %swap3A_146 = vector.shape_cast %get3A_141 : vector<16xf32> to vector<1x16xf32>
        tpu.vector_store %arg15[%swap3A_142, %swap3A_143], %swap3A_146 {strides = array<i32>} : memref<64x32xf32, #tpu.memory_space<vmem>>, vector<1x16xf32>,
        %get3A_147 = arith.index_cast %add3A_119 : i32 to index
        %get3A_148 = arith.constant 16 : index
        %get3A_149 = tpu.vector_load %arg13[%get3A_147, %get3A_148] {strides = array<i32>} : memref<64x128xf32, #tpu.memory_space<vmem>>, vector<1x16xf32>,
        %get3A_150 = vector.shape_cast %get3A_149 : vector<1x16xf32> to vector<16xf32>
        %swap3A_151 = arith.index_cast %add3A_119 : i32 to index
        %swap3A_152 = arith.constant 16 : index
        %swap3A_153 = tpu.vector_load %arg15[%swap3A_151, %swap3A_152] {strides = array<i32>} : memref<64x32xf32, #tpu.memory_space<vmem>>, vector<1x16xf32>,
        %swap3A_154 = vector.shape_cast %swap3A_153 : vector<1x16xf32> to vector<16xf32>
        %swap3A_155 = vector.shape_cast %get3A_150 : vector<16xf32> to vector<1x16xf32>
        tpu.vector_store %arg15[%swap3A_151, %swap3A_152], %swap3A_155 {strides = array<i32>} : memref<64x32xf32, #tpu.memory_space<vmem>>, vector<1x16xf32>,
        %mul3A_156 = arith.constant 4 : i32
        %mul3A_157 = arith.muli %scan3A_77, %mul3A_156 : i32
        %add3A_158 = arith.constant 2 : i32
        %add3A_159 = arith.addi %mul3A_157, %add3A_158 : i32
        %get3A_160 = arith.index_cast %add3A_159 : i32 to index
        %get3A_161 = arith.constant 0 : index
        %get3A_162 = tpu.vector_load %arg12[%get3A_160, %get3A_161] {strides = array<i32>} : memref<64x128xf32, #tpu.memory_space<vmem>>, vector<1x16xf32>,
        %get3A_163 = vector.shape_cast %get3A_162 : vector<1x16xf32> to vector<16xf32>
        %swap3A_164 = arith.index_cast %add3A_159 : i32 to index
        %swap3A_165 = arith.constant 0 : index
        %swap3A_166 = tpu.vector_load %arg14[%swap3A_164, %swap3A_165] {strides = array<i32>} : memref<64x32xf32, #tpu.memory_space<vmem>>, vector<1x16xf32>,
        %swap3A_167 = vector.shape_cast %swap3A_166 : vector<1x16xf32> to vector<16xf32>
        %swap3A_168 = vector.shape_cast %get3A_163 : vector<16xf32> to vector<1x16xf32>
        tpu.vector_store %arg14[%swap3A_164, %swap3A_165], %swap3A_168 {strides = array<i32>} : memref<64x32xf32, #tpu.memory_space<vmem>>, vector<1x16xf32>,
        %get3A_169 = arith.index_cast %add3A_159 : i32 to index
        %get3A_170 = arith.constant 16 : index
        %get3A_171 = tpu.vector_load %arg12[%get3A_169, %get3A_170] {strides = array<i32>} : memref<64x128xf32, #tpu.memory_space<vmem>>, vector<1x16xf32>,
        %get3A_172 = vector.shape_cast %get3A_171 : vector<1x16xf32> to vector<16xf32>
        %swap3A_173 = arith.index_cast %add3A_159 : i32 to index
        %swap3A_174 = arith.constant 16 : index
        %swap3A_175 = tpu.vector_load %arg14[%swap3A_173, %swap3A_174] {strides = array<i32>} : memref<64x32xf32, #tpu.memory_space<vmem>>, vector<1x16xf32>,
        %swap3A_176 = vector.shape_cast %swap3A_175 : vector<1x16xf32> to vector<16xf32>
        %swap3A_177 = vector.shape_cast %get3A_172 : vector<16xf32> to vector<1x16xf32>
        tpu.vector_store %arg14[%swap3A_173, %swap3A_174], %swap3A_177 {strides = array<i32>} : memref<64x32xf32, #tpu.memory_space<vmem>>, vector<1x16xf32>,
        %get3A_178 = arith.index_cast %add3A_159 : i32 to index
        %get3A_179 = arith.constant 0 : index
        %get3A_180 = tpu.vector_load %arg13[%get3A_178, %get3A_179] {strides = array<i32>} : memref<64x128xf32, #tpu.memory_space<vmem>>, vector<1x16xf32>,
        %get3A_181 = vector.shape_cast %get3A_180 : vector<1x16xf32> to vector<16xf32>
        %swap3A_182 = arith.index_cast %add3A_159 : i32 to index
        %swap3A_183 = arith.constant 0 : index
        %swap3A_184 = tpu.vector_load %arg15[%swap3A_182, %swap3A_183] {strides = array<i32>} : memref<64x32xf32, #tpu.memory_space<vmem>>, vector<1x16xf32>,
        %swap3A_185 = vector.shape_cast %swap3A_184 : vector<1x16xf32> to vector<16xf32>
        %swap3A_186 = vector.shape_cast %get3A_181 : vector<16xf32> to vector<1x16xf32>
        tpu.vector_store %arg15[%swap3A_182, %swap3A_183], %swap3A_186 {strides = array<i32>} : memref<64x32xf32, #tpu.memory_space<vmem>>, vector<1x16xf32>,
        %get3A_187 = arith.index_cast %add3A_159 : i32 to index
        %get3A_188 = arith.constant 16 : index
        %get3A_189 = tpu.vector_load %arg13[%get3A_187, %get3A_188] {strides = array<i32>} : memref<64x128xf32, #tpu.memory_space<vmem>>, vector<1x16xf32>,
        %get3A_190 = vector.shape_cast %get3A_189 : vector<1x16xf32> to vector<16xf32>
        %swap3A_191 = arith.index_cast %add3A_159 : i32 to index
        %swap3A_192 = arith.constant 16 : index
        %swap3A_193 = tpu.vector_load %arg15[%swap3A_191, %swap3A_192] {strides = array<i32>} : memref<64x32xf32, #tpu.memory_space<vmem>>, vector<1x16xf32>,
        %swap3A_194 = vector.shape_cast %swap3A_193 : vector<1x16xf32> to vector<16xf32>
        %swap3A_195 = vector.shape_cast %get3A_190 : vector<16xf32> to vector<1x16xf32>
        tpu.vector_store %arg15[%swap3A_191, %swap3A_192], %swap3A_195 {strides = array<i32>} : memref<64x32xf32, #tpu.memory_space<vmem>>, vector<1x16xf32>,
        %mul3A_196 = arith.constant 4 : i32
        %mul3A_197 = arith.muli %scan3A_77, %mul3A_196 : i32
        %add3A_198 = arith.constant 3 : i32
        %add3A_199 = arith.addi %mul3A_197, %add3A_198 : i32
        %get3A_200 = arith.index_cast %add3A_199 : i32 to index
        %get3A_201 = arith.constant 0 : index
        %get3A_202 = tpu.vector_load %arg12[%get3A_200, %get3A_201] {strides = array<i32>} : memref<64x128xf32, #tpu.memory_space<vmem>>, vector<1x16xf32>,
        %get3A_203 = vector.shape_cast %get3A_202 : vector<1x16xf32> to vector<16xf32>
        %swap3A_204 = arith.index_cast %add3A_199 : i32 to index
        %swap3A_205 = arith.constant 0 : index
        %swap3A_206 = tpu.vector_load %arg14[%swap3A_204, %swap3A_205] {strides = array<i32>} : memref<64x32xf32, #tpu.memory_space<vmem>>, vector<1x16xf32>,
        %swap3A_207 = vector.shape_cast %swap3A_206 : vector<1x16xf32> to vector<16xf32>
        %swap3A_208 = vector.shape_cast %get3A_203 : vector<16xf32> to vector<1x16xf32>
        tpu.vector_store %arg14[%swap3A_204, %swap3A_205], %swap3A_208 {strides = array<i32>} : memref<64x32xf32, #tpu.memory_space<vmem>>, vector<1x16xf32>,
        %get3A_209 = arith.index_cast %add3A_199 : i32 to index
        %get3A_210 = arith.constant 16 : index
        %get3A_211 = tpu.vector_load %arg12[%get3A_209, %get3A_210] {strides = array<i32>} : memref<64x128xf32, #tpu.memory_space<vmem>>, vector<1x16xf32>,
        %get3A_212 = vector.shape_cast %get3A_211 : vector<1x16xf32> to vector<16xf32>
        %swap3A_213 = arith.index_cast %add3A_199 : i32 to index
        %swap3A_214 = arith.constant 16 : index
        %swap3A_215 = tpu.vector_load %arg14[%swap3A_213, %swap3A_214] {strides = array<i32>} : memref<64x32xf32, #tpu.memory_space<vmem>>, vector<1x16xf32>,
        %swap3A_216 = vector.shape_cast %swap3A_215 : vector<1x16xf32> to vector<16xf32>
        %swap3A_217 = vector.shape_cast %get3A_212 : vector<16xf32> to vector<1x16xf32>
        tpu.vector_store %arg14[%swap3A_213, %swap3A_214], %swap3A_217 {strides = array<i32>} : memref<64x32xf32, #tpu.memory_space<vmem>>, vector<1x16xf32>,
        %get3A_218 = arith.index_cast %add3A_199 : i32 to index
        %get3A_219 = arith.constant 0 : index
        %get3A_220 = tpu.vector_load %arg13[%get3A_218, %get3A_219] {strides = array<i32>} : memref<64x128xf32, #tpu.memory_space<vmem>>, vector<1x16xf32>,
        %get3A_221 = vector.shape_cast %get3A_220 : vector<1x16xf32> to vector<16xf32>
        %swap3A_222 = arith.index_cast %add3A_199 : i32 to index
        %swap3A_223 = arith.constant 0 : index
        %swap3A_224 = tpu.vector_load %arg15[%swap3A_222, %swap3A_223] {strides = array<i32>} : memref<64x32xf32, #tpu.memory_space<vmem>>, vector<1x16xf32>,
        %swap3A_225 = vector.shape_cast %swap3A_224 : vector<1x16xf32> to vector<16xf32>
        %swap3A_226 = vector.shape_cast %get3A_221 : vector<16xf32> to vector<1x16xf32>
        tpu.vector_store %arg15[%swap3A_222, %swap3A_223], %swap3A_226 {strides = array<i32>} : memref<64x32xf32, #tpu.memory_space<vmem>>, vector<1x16xf32>,
        %get3A_227 = arith.index_cast %add3A_199 : i32 to index
        %get3A_228 = arith.constant 16 : index
        %get3A_229 = tpu.vector_load %arg13[%get3A_227, %get3A_228] {strides = array<i32>} : memref<64x128xf32, #tpu.memory_space<vmem>>, vector<1x16xf32>,
        %get3A_230 = vector.shape_cast %get3A_229 : vector<1x16xf32> to vector<16xf32>
        %swap3A_231 = arith.index_cast %add3A_199 : i32 to index
        %swap3A_232 = arith.constant 16 : index
        %swap3A_233 = tpu.vector_load %arg15[%swap3A_231, %swap3A_232] {strides = array<i32>} : memref<64x32xf32, #tpu.memory_space<vmem>>, vector<1x16xf32>,
        %swap3A_234 = vector.shape_cast %swap3A_233 : vector<1x16xf32> to vector<16xf32>
        %swap3A_235 = vector.shape_cast %get3A_230 : vector<16xf32> to vector<1x16xf32>
        tpu.vector_store %arg15[%swap3A_231, %swap3A_232], %swap3A_235 {strides = array<i32>} : memref<64x32xf32, #tpu.memory_space<vmem>>, vector<1x16xf32>,
      }
      %scan3A_68 = arith.constant 16 : i32
      %dma_start3A_69 = arith.constant 0 : i32
      %dma_start3A_70 = tpu.memref_slice %arg6[%mul3A_50, %dma_start3A_69] : memref<160000x32xf32, #tpu.memory_space<hbm>> -> memref<64x32xf32, #tpu.memory_space<hbm>>
      %dma_start3A_71 = arith.constant 0 : i32
      %dma_start3A_72 = tpu.memref_slice %arg6[%mul3A_50, %dma_start3A_71] : memref<160000x32xf32, #tpu.memory_space<hbm>> -> memref<64x32xf32, #tpu.memory_space<hbm>>
      tpu.enqueue_dma source(%arg14 : memref<64x32xf32, #tpu.memory_space<vmem>>) target(%dma_start3A_72 : memref<64x32xf32, #tpu.memory_space<hbm>>) target_semaphore(%arg18 : memref<!tpu.dma_semaphore, #tpu.memory_space<semaphore_mem>>)
      %dma_start3A_73 = arith.constant 0 : i32
      %dma_start3A_74 = tpu.memref_slice %arg7[%mul3A_50, %dma_start3A_73] : memref<160000x32xf32, #tpu.memory_space<hbm>> -> memref<64x32xf32, #tpu.memory_space<hbm>>
      %dma_start3A_75 = arith.constant 0 : i32
      %dma_start3A_76 = tpu.memref_slice %arg7[%mul3A_50, %dma_start3A_75] : memref<160000x32xf32, #tpu.memory_space<hbm>> -> memref<64x32xf32, #tpu.memory_space<hbm>>
      tpu.enqueue_dma source(%arg15 : memref<64x32xf32, #tpu.memory_space<vmem>>) target(%dma_start3A_76 : memref<64x32xf32, #tpu.memory_space<hbm>>) target_semaphore(%arg19 : memref<!tpu.dma_semaphore, #tpu.memory_space<semaphore_mem>>)
    }
    %sub3A = arith.constant 1 : i32
    %sub3A_32 = arith.subi %select_n3A, %sub3A : i32
    %mul3A_33 = arith.constant 32 : i32
    %mul3A_34 = arith.muli %sub3A_32, %mul3A_33 : i32
    %add3A_35 = arith.addi %mul3A_34, %add3A : i32
    %mul3A_36 = arith.constant 64 : i32
    %mul3A_37 = arith.muli %add3A_35, %mul3A_36 : i32
    %dma_wait3A = arith.constant 0 : i32
    %dma_wait3A_38 = tpu.memref_slice %arg6[%mul3A_37, %dma_wait3A] : memref<160000x32xf32, #tpu.memory_space<hbm>> -> memref<64x32xf32, #tpu.memory_space<hbm>>
    %dma_wait3A_39 = arith.constant 0 : i32
    %dma_wait3A_40 = tpu.memref_slice %arg6[%mul3A_37, %dma_wait3A_39] : memref<160000x32xf32, #tpu.memory_space<hbm>> -> memref<64x32xf32, #tpu.memory_space<hbm>>
    tpu.wait_dma2 semaphore(%arg18 : memref<!tpu.dma_semaphore, #tpu.memory_space<semaphore_mem>>) src(%arg14 : memref<64x32xf32, #tpu.memory_space<vmem>>) dst(%dma_wait3A_40 : memref<64x32xf32, #tpu.memory_space<hbm>>)
    %dma_wait3A_41 = arith.constant 0 : i32
    %dma_wait3A_42 = tpu.memref_slice %arg7[%mul3A_37, %dma_wait3A_41] : memref<160000x32xf32, #tpu.memory_space<hbm>> -> memref<64x32xf32, #tpu.memory_space<hbm>>
    %dma_wait3A_43 = arith.constant 0 : i32
    %dma_wait3A_44 = tpu.memref_slice %arg7[%mul3A_37, %dma_wait3A_43] : memref<160000x32xf32, #tpu.memory_space<hbm>> -> memref<64x32xf32, #tpu.memory_space<hbm>>
    tpu.wait_dma2 semaphore(%arg19 : memref<!tpu.dma_semaphore, #tpu.memory_space<semaphore_mem>>) src(%arg15 : memref<64x32xf32, #tpu.memory_space<vmem>>) dst(%dma_wait3A_44 : memref<64x32xf32, #tpu.memory_space<hbm>>)
    return
  }
}

#map = affine_map<(d0, d1) -> (0, 0)>
#map1 = affine_map<(d0, d1) -> (0)>
#map2 = affine_map<(d0, d1) -> (0, 0, 0)>
module attributes {stable_mosaic.version = 14 : i64} {
  func.func @_scatter_body(%arg0: i32, %arg1: i32, %arg2: memref<160000x32xf32, #tpu.memory_space<hbm>>, %arg3: memref<160000xi32, #tpu.memory_space<hbm>>, %arg4: memref<160000xi32, #tpu.memory_space<hbm>>, %arg5: memref<2x5120x128xf32, #tpu.memory_space<hbm>>, %arg6: memref<2x5120x128xf32, #tpu.memory_space<hbm>>, %arg7: memref<128x128xf32, #tpu.memory_space<vmem>>, %arg8: memref<128x32xf32, #tpu.memory_space<vmem>>, %arg9: memref<128xi32, #tpu.memory_space<vmem>>, %arg10: memref<128xi32, #tpu.memory_space<vmem>>, %arg11: memref<5120x128xf32, #tpu.memory_space<vmem_shared>>, %arg12: memref<5120x128xf32, #tpu.memory_space<vmem_shared>>, %arg13: memref<!tpu.dma_semaphore, #tpu.memory_space<semaphore_mem>>) attributes {dimension_semantics = [#tpu.dimension_semantics<core_parallel>, #tpu.dimension_semantics<subcore_parallel>], iteration_bounds = array<i64: 2, 16>, scalar_prefetch = 0 : i64, scratch_operands = 7 : i64, tpu.core_type = #tpu.core_type<sc_vector_subcore>, window_params = [{transform_indices = #map}, {transform_indices = #map1}, {transform_indices = #map1}, {transform_indices = #map2}, {transform_indices = #map2}]} {
    %mul3A = arith.constant 2 : i32
    %mul3A_0 = arith.muli %arg1, %mul3A : i32
    %add3A = arith.addi %mul3A_0, %arg0 : i32
    %lt3A = arith.constant 2 : i32
    %lt3A_1 = arith.cmpi slt, %add3A, %lt3A : i32
    %jit3A = arith.constant 40 : i32
    %jit3A_2 = arith.constant 39 : i32
    %select_n3A = arith.select %lt3A_1, %jit3A, %jit3A_2 : i32
    %scan3A = arith.constant 0 : i32
    %scan3A_3 = arith.constant 0 : i32
    %scan3A_4 = arith.constant 128 : i32
    %scan3A_5 = arith.addi %scan3A_3, %scan3A_4 : i32
    %scan3A_6 = arith.constant 1 : i32
    scf.for %scan3A_40 = %scan3A_3 to %scan3A_5 step %scan3A_6  : i32 {
      %broadcast_in_dim3A = arith.constant 0.000000e+00 : f32
      %broadcast_in_dim3A_41 = vector.broadcast %broadcast_in_dim3A : f32 to vector<16xf32>
      %swap3A = arith.index_cast %scan3A_40 : i32 to index
      %swap3A_42 = arith.constant 0 : index
      %swap3A_43 = tpu.vector_load %arg7[%swap3A, %swap3A_42] {strides = array<i32>} : memref<128x128xf32, #tpu.memory_space<vmem>>, vector<1x16xf32>,
      %swap3A_44 = vector.shape_cast %swap3A_43 : vector<1x16xf32> to vector<16xf32>
      %swap3A_45 = vector.shape_cast %broadcast_in_dim3A_41 : vector<16xf32> to vector<1x16xf32>
      tpu.vector_store %arg7[%swap3A, %swap3A_42], %swap3A_45 {strides = array<i32>} : memref<128x128xf32, #tpu.memory_space<vmem>>, vector<1x16xf32>,
      %broadcast_in_dim3A_46 = arith.constant 0.000000e+00 : f32
      %broadcast_in_dim3A_47 = vector.broadcast %broadcast_in_dim3A_46 : f32 to vector<16xf32>
      %swap3A_48 = arith.index_cast %scan3A_40 : i32 to index
      %swap3A_49 = arith.constant 16 : index
      %swap3A_50 = tpu.vector_load %arg7[%swap3A_48, %swap3A_49] {strides = array<i32>} : memref<128x128xf32, #tpu.memory_space<vmem>>, vector<1x16xf32>,
      %swap3A_51 = vector.shape_cast %swap3A_50 : vector<1x16xf32> to vector<16xf32>
      %swap3A_52 = vector.shape_cast %broadcast_in_dim3A_47 : vector<16xf32> to vector<1x16xf32>
      tpu.vector_store %arg7[%swap3A_48, %swap3A_49], %swap3A_52 {strides = array<i32>} : memref<128x128xf32, #tpu.memory_space<vmem>>, vector<1x16xf32>,
      %broadcast_in_dim3A_53 = arith.constant 0.000000e+00 : f32
      %broadcast_in_dim3A_54 = vector.broadcast %broadcast_in_dim3A_53 : f32 to vector<16xf32>
      %swap3A_55 = arith.index_cast %scan3A_40 : i32 to index
      %swap3A_56 = arith.constant 32 : index
      %swap3A_57 = tpu.vector_load %arg7[%swap3A_55, %swap3A_56] {strides = array<i32>} : memref<128x128xf32, #tpu.memory_space<vmem>>, vector<1x16xf32>,
      %swap3A_58 = vector.shape_cast %swap3A_57 : vector<1x16xf32> to vector<16xf32>
      %swap3A_59 = vector.shape_cast %broadcast_in_dim3A_54 : vector<16xf32> to vector<1x16xf32>
      tpu.vector_store %arg7[%swap3A_55, %swap3A_56], %swap3A_59 {strides = array<i32>} : memref<128x128xf32, #tpu.memory_space<vmem>>, vector<1x16xf32>,
      %broadcast_in_dim3A_60 = arith.constant 0.000000e+00 : f32
      %broadcast_in_dim3A_61 = vector.broadcast %broadcast_in_dim3A_60 : f32 to vector<16xf32>
      %swap3A_62 = arith.index_cast %scan3A_40 : i32 to index
      %swap3A_63 = arith.constant 48 : index
      %swap3A_64 = tpu.vector_load %arg7[%swap3A_62, %swap3A_63] {strides = array<i32>} : memref<128x128xf32, #tpu.memory_space<vmem>>, vector<1x16xf32>,
      %swap3A_65 = vector.shape_cast %swap3A_64 : vector<1x16xf32> to vector<16xf32>
      %swap3A_66 = vector.shape_cast %broadcast_in_dim3A_61 : vector<16xf32> to vector<1x16xf32>
      tpu.vector_store %arg7[%swap3A_62, %swap3A_63], %swap3A_66 {strides = array<i32>} : memref<128x128xf32, #tpu.memory_space<vmem>>, vector<1x16xf32>,
      %broadcast_in_dim3A_67 = arith.constant 0.000000e+00 : f32
      %broadcast_in_dim3A_68 = vector.broadcast %broadcast_in_dim3A_67 : f32 to vector<16xf32>
      %swap3A_69 = arith.index_cast %scan3A_40 : i32 to index
      %swap3A_70 = arith.constant 64 : index
      %swap3A_71 = tpu.vector_load %arg7[%swap3A_69, %swap3A_70] {strides = array<i32>} : memref<128x128xf32, #tpu.memory_space<vmem>>, vector<1x16xf32>,
      %swap3A_72 = vector.shape_cast %swap3A_71 : vector<1x16xf32> to vector<16xf32>
      %swap3A_73 = vector.shape_cast %broadcast_in_dim3A_68 : vector<16xf32> to vector<1x16xf32>
      tpu.vector_store %arg7[%swap3A_69, %swap3A_70], %swap3A_73 {strides = array<i32>} : memref<128x128xf32, #tpu.memory_space<vmem>>, vector<1x16xf32>,
      %broadcast_in_dim3A_74 = arith.constant 0.000000e+00 : f32
      %broadcast_in_dim3A_75 = vector.broadcast %broadcast_in_dim3A_74 : f32 to vector<16xf32>
      %swap3A_76 = arith.index_cast %scan3A_40 : i32 to index
      %swap3A_77 = arith.constant 80 : index
      %swap3A_78 = tpu.vector_load %arg7[%swap3A_76, %swap3A_77] {strides = array<i32>} : memref<128x128xf32, #tpu.memory_space<vmem>>, vector<1x16xf32>,
      %swap3A_79 = vector.shape_cast %swap3A_78 : vector<1x16xf32> to vector<16xf32>
      %swap3A_80 = vector.shape_cast %broadcast_in_dim3A_75 : vector<16xf32> to vector<1x16xf32>
      tpu.vector_store %arg7[%swap3A_76, %swap3A_77], %swap3A_80 {strides = array<i32>} : memref<128x128xf32, #tpu.memory_space<vmem>>, vector<1x16xf32>,
      %broadcast_in_dim3A_81 = arith.constant 0.000000e+00 : f32
      %broadcast_in_dim3A_82 = vector.broadcast %broadcast_in_dim3A_81 : f32 to vector<16xf32>
      %swap3A_83 = arith.index_cast %scan3A_40 : i32 to index
      %swap3A_84 = arith.constant 96 : index
      %swap3A_85 = tpu.vector_load %arg7[%swap3A_83, %swap3A_84] {strides = array<i32>} : memref<128x128xf32, #tpu.memory_space<vmem>>, vector<1x16xf32>,
      %swap3A_86 = vector.shape_cast %swap3A_85 : vector<1x16xf32> to vector<16xf32>
      %swap3A_87 = vector.shape_cast %broadcast_in_dim3A_82 : vector<16xf32> to vector<1x16xf32>
      tpu.vector_store %arg7[%swap3A_83, %swap3A_84], %swap3A_87 {strides = array<i32>} : memref<128x128xf32, #tpu.memory_space<vmem>>, vector<1x16xf32>,
      %broadcast_in_dim3A_88 = arith.constant 0.000000e+00 : f32
      %broadcast_in_dim3A_89 = vector.broadcast %broadcast_in_dim3A_88 : f32 to vector<16xf32>
      %swap3A_90 = arith.index_cast %scan3A_40 : i32 to index
      %swap3A_91 = arith.constant 112 : index
      %swap3A_92 = tpu.vector_load %arg7[%swap3A_90, %swap3A_91] {strides = array<i32>} : memref<128x128xf32, #tpu.memory_space<vmem>>, vector<1x16xf32>,
      %swap3A_93 = vector.shape_cast %swap3A_92 : vector<1x16xf32> to vector<16xf32>
      %swap3A_94 = vector.shape_cast %broadcast_in_dim3A_89 : vector<16xf32> to vector<1x16xf32>
      tpu.vector_store %arg7[%swap3A_90, %swap3A_91], %swap3A_94 {strides = array<i32>} : memref<128x128xf32, #tpu.memory_space<vmem>>, vector<1x16xf32>,
    }
    %scan3A_7 = arith.constant 128 : i32
    %mul3A_8 = arith.constant 320 : i32
    %mul3A_9 = arith.muli %arg1, %mul3A_8 : i32
    "tpu.region"() ({
      %run_scoped3A = tpu.sem_alloc : memref<!tpu.dma_semaphore, #tpu.memory_space<semaphore_mem>>
      %dma_start3A = arith.constant 0 : i32
      %dma_start3A_40 = tpu.memref_slice %arg11[%mul3A_9, %dma_start3A] : memref<5120x128xf32, #tpu.memory_space<vmem_shared>> -> memref<128x128xf32, #tpu.memory_space<vmem_shared>>
      %dma_start3A_41 = arith.constant 0 : i32
      %dma_start3A_42 = tpu.memref_slice %arg11[%mul3A_9, %dma_start3A_41] : memref<5120x128xf32, #tpu.memory_space<vmem_shared>> -> memref<128x128xf32, #tpu.memory_space<vmem_shared>>
      tpu.enqueue_dma source(%arg7 : memref<128x128xf32, #tpu.memory_space<vmem>>) target(%dma_start3A_42 : memref<128x128xf32, #tpu.memory_space<vmem_shared>>) target_semaphore(%run_scoped3A : memref<!tpu.dma_semaphore, #tpu.memory_space<semaphore_mem>>)
      %dma_wait3A = arith.constant 0 : i32
      %dma_wait3A_43 = tpu.memref_slice %arg11[%mul3A_9, %dma_wait3A] : memref<5120x128xf32, #tpu.memory_space<vmem_shared>> -> memref<128x128xf32, #tpu.memory_space<vmem_shared>>
      %dma_wait3A_44 = arith.constant 0 : i32
      %dma_wait3A_45 = tpu.memref_slice %arg11[%mul3A_9, %dma_wait3A_44] : memref<5120x128xf32, #tpu.memory_space<vmem_shared>> -> memref<128x128xf32, #tpu.memory_space<vmem_shared>>
      tpu.wait_dma2 semaphore(%run_scoped3A : memref<!tpu.dma_semaphore, #tpu.memory_space<semaphore_mem>>) src(%arg7 : memref<128x128xf32, #tpu.memory_space<vmem>>) dst(%dma_wait3A_45 : memref<128x128xf32, #tpu.memory_space<vmem_shared>>)
      tpu.yield
    }) : () -> ()
    %mul3A_10 = arith.constant 320 : i32
    %mul3A_11 = arith.muli %arg1, %mul3A_10 : i32
    %add3A_12 = arith.constant 128 : i32
    %add3A_13 = arith.addi %mul3A_11, %add3A_12 : i32
    "tpu.region"() ({
      %run_scoped3A = tpu.sem_alloc : memref<!tpu.dma_semaphore, #tpu.memory_space<semaphore_mem>>
      %dma_start3A = arith.constant 0 : i32
      %dma_start3A_40 = tpu.memref_slice %arg11[%add3A_13, %dma_start3A] : memref<5120x128xf32, #tpu.memory_space<vmem_shared>> -> memref<128x128xf32, #tpu.memory_space<vmem_shared>>
      %dma_start3A_41 = arith.constant 0 : i32
      %dma_start3A_42 = tpu.memref_slice %arg11[%add3A_13, %dma_start3A_41] : memref<5120x128xf32, #tpu.memory_space<vmem_shared>> -> memref<128x128xf32, #tpu.memory_space<vmem_shared>>
      tpu.enqueue_dma source(%arg7 : memref<128x128xf32, #tpu.memory_space<vmem>>) target(%dma_start3A_42 : memref<128x128xf32, #tpu.memory_space<vmem_shared>>) target_semaphore(%run_scoped3A : memref<!tpu.dma_semaphore, #tpu.memory_space<semaphore_mem>>)
      %dma_wait3A = arith.constant 0 : i32
      %dma_wait3A_43 = tpu.memref_slice %arg11[%add3A_13, %dma_wait3A] : memref<5120x128xf32, #tpu.memory_space<vmem_shared>> -> memref<128x128xf32, #tpu.memory_space<vmem_shared>>
      %dma_wait3A_44 = arith.constant 0 : i32
      %dma_wait3A_45 = tpu.memref_slice %arg11[%add3A_13, %dma_wait3A_44] : memref<5120x128xf32, #tpu.memory_space<vmem_shared>> -> memref<128x128xf32, #tpu.memory_space<vmem_shared>>
      tpu.wait_dma2 semaphore(%run_scoped3A : memref<!tpu.dma_semaphore, #tpu.memory_space<semaphore_mem>>) src(%arg7 : memref<128x128xf32, #tpu.memory_space<vmem>>) dst(%dma_wait3A_45 : memref<128x128xf32, #tpu.memory_space<vmem_shared>>)
      tpu.yield
    }) : () -> ()
    %mul3A_14 = arith.constant 320 : i32
    %mul3A_15 = arith.muli %arg1, %mul3A_14 : i32
    %add3A_16 = arith.constant 256 : i32
    %add3A_17 = arith.addi %mul3A_15, %add3A_16 : i32
    "tpu.region"() ({
      %run_scoped3A = tpu.sem_alloc : memref<!tpu.dma_semaphore, #tpu.memory_space<semaphore_mem>>
      %dma_start3A = arith.constant 0 : i32
      %dma_start3A_40 = arith.constant 0 : i32
      %dma_start3A_41 = tpu.memref_slice %arg7[%dma_start3A, %dma_start3A_40] : memref<128x128xf32, #tpu.memory_space<vmem>> -> memref<64x128xf32, #tpu.memory_space<vmem>>
      %dma_start3A_42 = arith.constant 0 : i32
      %dma_start3A_43 = tpu.memref_slice %arg11[%add3A_17, %dma_start3A_42] : memref<5120x128xf32, #tpu.memory_space<vmem_shared>> -> memref<64x128xf32, #tpu.memory_space<vmem_shared>>
      %dma_start3A_44 = arith.constant 0 : i32
      %dma_start3A_45 = tpu.memref_slice %arg11[%add3A_17, %dma_start3A_44] : memref<5120x128xf32, #tpu.memory_space<vmem_shared>> -> memref<64x128xf32, #tpu.memory_space<vmem_shared>>
      %dma_start3A_46 = arith.constant 0 : i32
      %dma_start3A_47 = arith.constant 0 : i32
      %dma_start3A_48 = tpu.memref_slice %arg7[%dma_start3A_46, %dma_start3A_47] : memref<128x128xf32, #tpu.memory_space<vmem>> -> memref<64x128xf32, #tpu.memory_space<vmem>>
      tpu.enqueue_dma source(%dma_start3A_48 : memref<64x128xf32, #tpu.memory_space<vmem>>) target(%dma_start3A_45 : memref<64x128xf32, #tpu.memory_space<vmem_shared>>) target_semaphore(%run_scoped3A : memref<!tpu.dma_semaphore, #tpu.memory_space<semaphore_mem>>)
      %dma_wait3A = arith.constant 0 : i32
      %dma_wait3A_49 = arith.constant 0 : i32
      %dma_wait3A_50 = tpu.memref_slice %arg7[%dma_wait3A, %dma_wait3A_49] : memref<128x128xf32, #tpu.memory_space<vmem>> -> memref<64x128xf32, #tpu.memory_space<vmem>>
      %dma_wait3A_51 = arith.constant 0 : i32
      %dma_wait3A_52 = tpu.memref_slice %arg11[%add3A_17, %dma_wait3A_51] : memref<5120x128xf32, #tpu.memory_space<vmem_shared>> -> memref<64x128xf32, #tpu.memory_space<vmem_shared>>
      %dma_wait3A_53 = arith.constant 0 : i32
      %dma_wait3A_54 = tpu.memref_slice %arg11[%add3A_17, %dma_wait3A_53] : memref<5120x128xf32, #tpu.memory_space<vmem_shared>> -> memref<64x128xf32, #tpu.memory_space<vmem_shared>>
      %dma_wait3A_55 = arith.constant 0 : i32
      %dma_wait3A_56 = arith.constant 0 : i32
      %dma_wait3A_57 = tpu.memref_slice %arg7[%dma_wait3A_55, %dma_wait3A_56] : memref<128x128xf32, #tpu.memory_space<vmem>> -> memref<64x128xf32, #tpu.memory_space<vmem>>
      tpu.wait_dma2 semaphore(%run_scoped3A : memref<!tpu.dma_semaphore, #tpu.memory_space<semaphore_mem>>) src(%dma_wait3A_57 : memref<64x128xf32, #tpu.memory_space<vmem>>) dst(%dma_wait3A_54 : memref<64x128xf32, #tpu.memory_space<vmem_shared>>)
      tpu.yield
    }) : () -> ()
    %mul3A_18 = arith.constant 320 : i32
    %mul3A_19 = arith.muli %arg1, %mul3A_18 : i32
    "tpu.region"() ({
      %run_scoped3A = tpu.sem_alloc : memref<!tpu.dma_semaphore, #tpu.memory_space<semaphore_mem>>
      %dma_start3A = arith.constant 0 : i32
      %dma_start3A_40 = tpu.memref_slice %arg12[%mul3A_19, %dma_start3A] : memref<5120x128xf32, #tpu.memory_space<vmem_shared>> -> memref<128x128xf32, #tpu.memory_space<vmem_shared>>
      %dma_start3A_41 = arith.constant 0 : i32
      %dma_start3A_42 = tpu.memref_slice %arg12[%mul3A_19, %dma_start3A_41] : memref<5120x128xf32, #tpu.memory_space<vmem_shared>> -> memref<128x128xf32, #tpu.memory_space<vmem_shared>>
      tpu.enqueue_dma source(%arg7 : memref<128x128xf32, #tpu.memory_space<vmem>>) target(%dma_start3A_42 : memref<128x128xf32, #tpu.memory_space<vmem_shared>>) target_semaphore(%run_scoped3A : memref<!tpu.dma_semaphore, #tpu.memory_space<semaphore_mem>>)
      %dma_wait3A = arith.constant 0 : i32
      %dma_wait3A_43 = tpu.memref_slice %arg12[%mul3A_19, %dma_wait3A] : memref<5120x128xf32, #tpu.memory_space<vmem_shared>> -> memref<128x128xf32, #tpu.memory_space<vmem_shared>>
      %dma_wait3A_44 = arith.constant 0 : i32
      %dma_wait3A_45 = tpu.memref_slice %arg12[%mul3A_19, %dma_wait3A_44] : memref<5120x128xf32, #tpu.memory_space<vmem_shared>> -> memref<128x128xf32, #tpu.memory_space<vmem_shared>>
      tpu.wait_dma2 semaphore(%run_scoped3A : memref<!tpu.dma_semaphore, #tpu.memory_space<semaphore_mem>>) src(%arg7 : memref<128x128xf32, #tpu.memory_space<vmem>>) dst(%dma_wait3A_45 : memref<128x128xf32, #tpu.memory_space<vmem_shared>>)
      tpu.yield
    }) : () -> ()
    %mul3A_20 = arith.constant 320 : i32
    %mul3A_21 = arith.muli %arg1, %mul3A_20 : i32
    %add3A_22 = arith.constant 128 : i32
    %add3A_23 = arith.addi %mul3A_21, %add3A_22 : i32
    "tpu.region"() ({
      %run_scoped3A = tpu.sem_alloc : memref<!tpu.dma_semaphore, #tpu.memory_space<semaphore_mem>>
      %dma_start3A = arith.constant 0 : i32
      %dma_start3A_40 = tpu.memref_slice %arg12[%add3A_23, %dma_start3A] : memref<5120x128xf32, #tpu.memory_space<vmem_shared>> -> memref<128x128xf32, #tpu.memory_space<vmem_shared>>
      %dma_start3A_41 = arith.constant 0 : i32
      %dma_start3A_42 = tpu.memref_slice %arg12[%add3A_23, %dma_start3A_41] : memref<5120x128xf32, #tpu.memory_space<vmem_shared>> -> memref<128x128xf32, #tpu.memory_space<vmem_shared>>
      tpu.enqueue_dma source(%arg7 : memref<128x128xf32, #tpu.memory_space<vmem>>) target(%dma_start3A_42 : memref<128x128xf32, #tpu.memory_space<vmem_shared>>) target_semaphore(%run_scoped3A : memref<!tpu.dma_semaphore, #tpu.memory_space<semaphore_mem>>)
      %dma_wait3A = arith.constant 0 : i32
      %dma_wait3A_43 = tpu.memref_slice %arg12[%add3A_23, %dma_wait3A] : memref<5120x128xf32, #tpu.memory_space<vmem_shared>> -> memref<128x128xf32, #tpu.memory_space<vmem_shared>>
      %dma_wait3A_44 = arith.constant 0 : i32
      %dma_wait3A_45 = tpu.memref_slice %arg12[%add3A_23, %dma_wait3A_44] : memref<5120x128xf32, #tpu.memory_space<vmem_shared>> -> memref<128x128xf32, #tpu.memory_space<vmem_shared>>
      tpu.wait_dma2 semaphore(%run_scoped3A : memref<!tpu.dma_semaphore, #tpu.memory_space<semaphore_mem>>) src(%arg7 : memref<128x128xf32, #tpu.memory_space<vmem>>) dst(%dma_wait3A_45 : memref<128x128xf32, #tpu.memory_space<vmem_shared>>)
      tpu.yield
    }) : () -> ()
    %mul3A_24 = arith.constant 320 : i32
    %mul3A_25 = arith.muli %arg1, %mul3A_24 : i32
    %add3A_26 = arith.constant 256 : i32
    %add3A_27 = arith.addi %mul3A_25, %add3A_26 : i32
    "tpu.region"() ({
      %run_scoped3A = tpu.sem_alloc : memref<!tpu.dma_semaphore, #tpu.memory_space<semaphore_mem>>
      %dma_start3A = arith.constant 0 : i32
      %dma_start3A_40 = arith.constant 0 : i32
      %dma_start3A_41 = tpu.memref_slice %arg7[%dma_start3A, %dma_start3A_40] : memref<128x128xf32, #tpu.memory_space<vmem>> -> memref<64x128xf32, #tpu.memory_space<vmem>>
      %dma_start3A_42 = arith.constant 0 : i32
      %dma_start3A_43 = tpu.memref_slice %arg12[%add3A_27, %dma_start3A_42] : memref<5120x128xf32, #tpu.memory_space<vmem_shared>> -> memref<64x128xf32, #tpu.memory_space<vmem_shared>>
      %dma_start3A_44 = arith.constant 0 : i32
      %dma_start3A_45 = tpu.memref_slice %arg12[%add3A_27, %dma_start3A_44] : memref<5120x128xf32, #tpu.memory_space<vmem_shared>> -> memref<64x128xf32, #tpu.memory_space<vmem_shared>>
      %dma_start3A_46 = arith.constant 0 : i32
      %dma_start3A_47 = arith.constant 0 : i32
      %dma_start3A_48 = tpu.memref_slice %arg7[%dma_start3A_46, %dma_start3A_47] : memref<128x128xf32, #tpu.memory_space<vmem>> -> memref<64x128xf32, #tpu.memory_space<vmem>>
      tpu.enqueue_dma source(%dma_start3A_48 : memref<64x128xf32, #tpu.memory_space<vmem>>) target(%dma_start3A_45 : memref<64x128xf32, #tpu.memory_space<vmem_shared>>) target_semaphore(%run_scoped3A : memref<!tpu.dma_semaphore, #tpu.memory_space<semaphore_mem>>)
      %dma_wait3A = arith.constant 0 : i32
      %dma_wait3A_49 = arith.constant 0 : i32
      %dma_wait3A_50 = tpu.memref_slice %arg7[%dma_wait3A, %dma_wait3A_49] : memref<128x128xf32, #tpu.memory_space<vmem>> -> memref<64x128xf32, #tpu.memory_space<vmem>>
      %dma_wait3A_51 = arith.constant 0 : i32
      %dma_wait3A_52 = tpu.memref_slice %arg12[%add3A_27, %dma_wait3A_51] : memref<5120x128xf32, #tpu.memory_space<vmem_shared>> -> memref<64x128xf32, #tpu.memory_space<vmem_shared>>
      %dma_wait3A_53 = arith.constant 0 : i32
      %dma_wait3A_54 = tpu.memref_slice %arg12[%add3A_27, %dma_wait3A_53] : memref<5120x128xf32, #tpu.memory_space<vmem_shared>> -> memref<64x128xf32, #tpu.memory_space<vmem_shared>>
      %dma_wait3A_55 = arith.constant 0 : i32
      %dma_wait3A_56 = arith.constant 0 : i32
      %dma_wait3A_57 = tpu.memref_slice %arg7[%dma_wait3A_55, %dma_wait3A_56] : memref<128x128xf32, #tpu.memory_space<vmem>> -> memref<64x128xf32, #tpu.memory_space<vmem>>
      tpu.wait_dma2 semaphore(%run_scoped3A : memref<!tpu.dma_semaphore, #tpu.memory_space<semaphore_mem>>) src(%dma_wait3A_57 : memref<64x128xf32, #tpu.memory_space<vmem>>) dst(%dma_wait3A_54 : memref<64x128xf32, #tpu.memory_space<vmem_shared>>)
      tpu.yield
    }) : () -> ()
    %barrier3A = arith.constant 0 : index
    tpu.barrier barrier_id(%barrier3A)
    %while3A = arith.constant 0 : i32
    %while3A_28 = arith.constant 0 : i32
    %while3A_29 = arith.subi %select_n3A, %while3A_28 : i32
    %while3A_30 = arith.addi %while3A_28, %while3A_29 : i32
    %while3A_31 = arith.constant 1 : i32
    %while3A_32 = arith.divsi %while3A_29, %while3A_31 : i32
    %while3A_33 = arith.muli %while3A_32, %while3A_31 : i32
    %while3A_34 = arith.addi %while3A_28, %while3A_33 : i32
    %while3A_35 = arith.constant 1 : i32
    scf.for %while3A_40 = %while3A_28 to %while3A_34 step %while3A_35  : i32 {
      %mul3A_41 = arith.constant 32 : i32
      %mul3A_42 = arith.muli %while3A_40, %mul3A_41 : i32
      %add3A_43 = arith.addi %mul3A_42, %add3A : i32
      %mul3A_44 = arith.constant 128 : i32
      %mul3A_45 = arith.muli %add3A_43, %mul3A_44 : i32
      %dma_start3A = arith.constant 0 : i32
      %dma_start3A_46 = tpu.memref_slice %arg2[%mul3A_45, %dma_start3A] : memref<160000x32xf32, #tpu.memory_space<hbm>> -> memref<128x32xf32, #tpu.memory_space<hbm>>
      %dma_start3A_47 = arith.constant 0 : i32
      %dma_start3A_48 = tpu.memref_slice %arg2[%mul3A_45, %dma_start3A_47] : memref<160000x32xf32, #tpu.memory_space<hbm>> -> memref<128x32xf32, #tpu.memory_space<hbm>>
      tpu.enqueue_dma source(%dma_start3A_48 : memref<128x32xf32, #tpu.memory_space<hbm>>) target(%arg8 : memref<128x32xf32, #tpu.memory_space<vmem>>) target_semaphore(%arg13 : memref<!tpu.dma_semaphore, #tpu.memory_space<semaphore_mem>>)
      "tpu.region"() ({
        %run_scoped3A = tpu.sem_alloc : memref<!tpu.dma_semaphore, #tpu.memory_space<semaphore_mem>>
        %dma_start3A_58 = tpu.memref_slice %arg3[%mul3A_45] : memref<160000xi32, #tpu.memory_space<hbm>> -> memref<128xi32, #tpu.memory_space<hbm>>
        %dma_start3A_59 = tpu.memref_slice %arg3[%mul3A_45] : memref<160000xi32, #tpu.memory_space<hbm>> -> memref<128xi32, #tpu.memory_space<hbm>>
        tpu.enqueue_dma source(%dma_start3A_59 : memref<128xi32, #tpu.memory_space<hbm>>) target(%arg9 : memref<128xi32, #tpu.memory_space<vmem>>) target_semaphore(%run_scoped3A : memref<!tpu.dma_semaphore, #tpu.memory_space<semaphore_mem>>)
        %dma_wait3A_60 = tpu.memref_slice %arg3[%mul3A_45] : memref<160000xi32, #tpu.memory_space<hbm>> -> memref<128xi32, #tpu.memory_space<hbm>>
        %dma_wait3A_61 = tpu.memref_slice %arg3[%mul3A_45] : memref<160000xi32, #tpu.memory_space<hbm>> -> memref<128xi32, #tpu.memory_space<hbm>>
        tpu.wait_dma2 semaphore(%run_scoped3A : memref<!tpu.dma_semaphore, #tpu.memory_space<semaphore_mem>>) src(%dma_wait3A_61 : memref<128xi32, #tpu.memory_space<hbm>>) dst(%arg9 : memref<128xi32, #tpu.memory_space<vmem>>)
        tpu.yield
      }) : () -> ()
      "tpu.region"() ({
        %run_scoped3A = tpu.sem_alloc : memref<!tpu.dma_semaphore, #tpu.memory_space<semaphore_mem>>
        %dma_start3A_58 = tpu.memref_slice %arg4[%mul3A_45] : memref<160000xi32, #tpu.memory_space<hbm>> -> memref<128xi32, #tpu.memory_space<hbm>>
        %dma_start3A_59 = tpu.memref_slice %arg4[%mul3A_45] : memref<160000xi32, #tpu.memory_space<hbm>> -> memref<128xi32, #tpu.memory_space<hbm>>
        tpu.enqueue_dma source(%dma_start3A_59 : memref<128xi32, #tpu.memory_space<hbm>>) target(%arg10 : memref<128xi32, #tpu.memory_space<vmem>>) target_semaphore(%run_scoped3A : memref<!tpu.dma_semaphore, #tpu.memory_space<semaphore_mem>>)
        %dma_wait3A_60 = tpu.memref_slice %arg4[%mul3A_45] : memref<160000xi32, #tpu.memory_space<hbm>> -> memref<128xi32, #tpu.memory_space<hbm>>
        %dma_wait3A_61 = tpu.memref_slice %arg4[%mul3A_45] : memref<160000xi32, #tpu.memory_space<hbm>> -> memref<128xi32, #tpu.memory_space<hbm>>
        tpu.wait_dma2 semaphore(%run_scoped3A : memref<!tpu.dma_semaphore, #tpu.memory_space<semaphore_mem>>) src(%dma_wait3A_61 : memref<128xi32, #tpu.memory_space<hbm>>) dst(%arg10 : memref<128xi32, #tpu.memory_space<vmem>>)
        tpu.yield
      }) : () -> ()
      %dma_wait3A = arith.constant 0 : i32
      %dma_wait3A_49 = tpu.memref_slice %arg2[%mul3A_45, %dma_wait3A] : memref<160000x32xf32, #tpu.memory_space<hbm>> -> memref<128x32xf32, #tpu.memory_space<hbm>>
      %dma_wait3A_50 = arith.constant 0 : i32
      %dma_wait3A_51 = tpu.memref_slice %arg2[%mul3A_45, %dma_wait3A_50] : memref<160000x32xf32, #tpu.memory_space<hbm>> -> memref<128x32xf32, #tpu.memory_space<hbm>>
      tpu.wait_dma2 semaphore(%arg13 : memref<!tpu.dma_semaphore, #tpu.memory_space<semaphore_mem>>) src(%dma_wait3A_51 : memref<128x32xf32, #tpu.memory_space<hbm>>) dst(%arg8 : memref<128x32xf32, #tpu.memory_space<vmem>>)
      %scan3A_52 = arith.constant 0 : i32
      %scan3A_53 = arith.constant 0 : i32
      %scan3A_54 = arith.constant 32 : i32
      %scan3A_55 = arith.addi %scan3A_53, %scan3A_54 : i32
      %scan3A_56 = arith.constant 1 : i32
      scf.for %scan3A_58 = %scan3A_53 to %scan3A_55 step %scan3A_56  : i32 {
        %mul3A_59 = arith.constant 4 : i32
        %mul3A_60 = arith.muli %scan3A_58, %mul3A_59 : i32
        %add3A_61 = arith.constant 0 : i32
        %add3A_62 = arith.addi %mul3A_60, %add3A_61 : i32
        %get3A = arith.index_cast %add3A_62 : i32 to index
        %get3A_63 = arith.constant 0 : index
        %get3A_64 = tpu.vector_load %arg8[%get3A, %get3A_63] {strides = array<i32>} : memref<128x32xf32, #tpu.memory_space<vmem>>, vector<1x16xf32>,
        %get3A_65 = vector.shape_cast %get3A_64 : vector<1x16xf32> to vector<16xf32>
        %swap3A = arith.index_cast %add3A_62 : i32 to index
        %swap3A_66 = arith.constant 0 : index
        %swap3A_67 = tpu.vector_load %arg7[%swap3A, %swap3A_66] {strides = array<i32>} : memref<128x128xf32, #tpu.memory_space<vmem>>, vector<1x16xf32>,
        %swap3A_68 = vector.shape_cast %swap3A_67 : vector<1x16xf32> to vector<16xf32>
        %swap3A_69 = vector.shape_cast %get3A_65 : vector<16xf32> to vector<1x16xf32>
        tpu.vector_store %arg7[%swap3A, %swap3A_66], %swap3A_69 {strides = array<i32>} : memref<128x128xf32, #tpu.memory_space<vmem>>, vector<1x16xf32>,
        %get3A_70 = arith.index_cast %add3A_62 : i32 to index
        %get3A_71 = arith.constant 16 : index
        %get3A_72 = tpu.vector_load %arg8[%get3A_70, %get3A_71] {strides = array<i32>} : memref<128x32xf32, #tpu.memory_space<vmem>>, vector<1x16xf32>,
        %get3A_73 = vector.shape_cast %get3A_72 : vector<1x16xf32> to vector<16xf32>
        %swap3A_74 = arith.index_cast %add3A_62 : i32 to index
        %swap3A_75 = arith.constant 16 : index
        %swap3A_76 = tpu.vector_load %arg7[%swap3A_74, %swap3A_75] {strides = array<i32>} : memref<128x128xf32, #tpu.memory_space<vmem>>, vector<1x16xf32>,
        %swap3A_77 = vector.shape_cast %swap3A_76 : vector<1x16xf32> to vector<16xf32>
        %swap3A_78 = vector.shape_cast %get3A_73 : vector<16xf32> to vector<1x16xf32>
        tpu.vector_store %arg7[%swap3A_74, %swap3A_75], %swap3A_78 {strides = array<i32>} : memref<128x128xf32, #tpu.memory_space<vmem>>, vector<1x16xf32>,
        %mul3A_79 = arith.constant 4 : i32
        %mul3A_80 = arith.muli %scan3A_58, %mul3A_79 : i32
        %add3A_81 = arith.constant 1 : i32
        %add3A_82 = arith.addi %mul3A_80, %add3A_81 : i32
        %get3A_83 = arith.index_cast %add3A_82 : i32 to index
        %get3A_84 = arith.constant 0 : index
        %get3A_85 = tpu.vector_load %arg8[%get3A_83, %get3A_84] {strides = array<i32>} : memref<128x32xf32, #tpu.memory_space<vmem>>, vector<1x16xf32>,
        %get3A_86 = vector.shape_cast %get3A_85 : vector<1x16xf32> to vector<16xf32>
        %swap3A_87 = arith.index_cast %add3A_82 : i32 to index
        %swap3A_88 = arith.constant 0 : index
        %swap3A_89 = tpu.vector_load %arg7[%swap3A_87, %swap3A_88] {strides = array<i32>} : memref<128x128xf32, #tpu.memory_space<vmem>>, vector<1x16xf32>,
        %swap3A_90 = vector.shape_cast %swap3A_89 : vector<1x16xf32> to vector<16xf32>
        %swap3A_91 = vector.shape_cast %get3A_86 : vector<16xf32> to vector<1x16xf32>
        tpu.vector_store %arg7[%swap3A_87, %swap3A_88], %swap3A_91 {strides = array<i32>} : memref<128x128xf32, #tpu.memory_space<vmem>>, vector<1x16xf32>,
        %get3A_92 = arith.index_cast %add3A_82 : i32 to index
        %get3A_93 = arith.constant 16 : index
        %get3A_94 = tpu.vector_load %arg8[%get3A_92, %get3A_93] {strides = array<i32>} : memref<128x32xf32, #tpu.memory_space<vmem>>, vector<1x16xf32>,
        %get3A_95 = vector.shape_cast %get3A_94 : vector<1x16xf32> to vector<16xf32>
        %swap3A_96 = arith.index_cast %add3A_82 : i32 to index
        %swap3A_97 = arith.constant 16 : index
        %swap3A_98 = tpu.vector_load %arg7[%swap3A_96, %swap3A_97] {strides = array<i32>} : memref<128x128xf32, #tpu.memory_space<vmem>>, vector<1x16xf32>,
        %swap3A_99 = vector.shape_cast %swap3A_98 : vector<1x16xf32> to vector<16xf32>
        %swap3A_100 = vector.shape_cast %get3A_95 : vector<16xf32> to vector<1x16xf32>
        tpu.vector_store %arg7[%swap3A_96, %swap3A_97], %swap3A_100 {strides = array<i32>} : memref<128x128xf32, #tpu.memory_space<vmem>>, vector<1x16xf32>,
        %mul3A_101 = arith.constant 4 : i32
        %mul3A_102 = arith.muli %scan3A_58, %mul3A_101 : i32
        %add3A_103 = arith.constant 2 : i32
        %add3A_104 = arith.addi %mul3A_102, %add3A_103 : i32
        %get3A_105 = arith.index_cast %add3A_104 : i32 to index
        %get3A_106 = arith.constant 0 : index
        %get3A_107 = tpu.vector_load %arg8[%get3A_105, %get3A_106] {strides = array<i32>} : memref<128x32xf32, #tpu.memory_space<vmem>>, vector<1x16xf32>,
        %get3A_108 = vector.shape_cast %get3A_107 : vector<1x16xf32> to vector<16xf32>
        %swap3A_109 = arith.index_cast %add3A_104 : i32 to index
        %swap3A_110 = arith.constant 0 : index
        %swap3A_111 = tpu.vector_load %arg7[%swap3A_109, %swap3A_110] {strides = array<i32>} : memref<128x128xf32, #tpu.memory_space<vmem>>, vector<1x16xf32>,
        %swap3A_112 = vector.shape_cast %swap3A_111 : vector<1x16xf32> to vector<16xf32>
        %swap3A_113 = vector.shape_cast %get3A_108 : vector<16xf32> to vector<1x16xf32>
        tpu.vector_store %arg7[%swap3A_109, %swap3A_110], %swap3A_113 {strides = array<i32>} : memref<128x128xf32, #tpu.memory_space<vmem>>, vector<1x16xf32>,
        %get3A_114 = arith.index_cast %add3A_104 : i32 to index
        %get3A_115 = arith.constant 16 : index
        %get3A_116 = tpu.vector_load %arg8[%get3A_114, %get3A_115] {strides = array<i32>} : memref<128x32xf32, #tpu.memory_space<vmem>>, vector<1x16xf32>,
        %get3A_117 = vector.shape_cast %get3A_116 : vector<1x16xf32> to vector<16xf32>
        %swap3A_118 = arith.index_cast %add3A_104 : i32 to index
        %swap3A_119 = arith.constant 16 : index
        %swap3A_120 = tpu.vector_load %arg7[%swap3A_118, %swap3A_119] {strides = array<i32>} : memref<128x128xf32, #tpu.memory_space<vmem>>, vector<1x16xf32>,
        %swap3A_121 = vector.shape_cast %swap3A_120 : vector<1x16xf32> to vector<16xf32>
        %swap3A_122 = vector.shape_cast %get3A_117 : vector<16xf32> to vector<1x16xf32>
        tpu.vector_store %arg7[%swap3A_118, %swap3A_119], %swap3A_122 {strides = array<i32>} : memref<128x128xf32, #tpu.memory_space<vmem>>, vector<1x16xf32>,
        %mul3A_123 = arith.constant 4 : i32
        %mul3A_124 = arith.muli %scan3A_58, %mul3A_123 : i32
        %add3A_125 = arith.constant 3 : i32
        %add3A_126 = arith.addi %mul3A_124, %add3A_125 : i32
        %get3A_127 = arith.index_cast %add3A_126 : i32 to index
        %get3A_128 = arith.constant 0 : index
        %get3A_129 = tpu.vector_load %arg8[%get3A_127, %get3A_128] {strides = array<i32>} : memref<128x32xf32, #tpu.memory_space<vmem>>, vector<1x16xf32>,
        %get3A_130 = vector.shape_cast %get3A_129 : vector<1x16xf32> to vector<16xf32>
        %swap3A_131 = arith.index_cast %add3A_126 : i32 to index
        %swap3A_132 = arith.constant 0 : index
        %swap3A_133 = tpu.vector_load %arg7[%swap3A_131, %swap3A_132] {strides = array<i32>} : memref<128x128xf32, #tpu.memory_space<vmem>>, vector<1x16xf32>,
        %swap3A_134 = vector.shape_cast %swap3A_133 : vector<1x16xf32> to vector<16xf32>
        %swap3A_135 = vector.shape_cast %get3A_130 : vector<16xf32> to vector<1x16xf32>
        tpu.vector_store %arg7[%swap3A_131, %swap3A_132], %swap3A_135 {strides = array<i32>} : memref<128x128xf32, #tpu.memory_space<vmem>>, vector<1x16xf32>,
        %get3A_136 = arith.index_cast %add3A_126 : i32 to index
        %get3A_137 = arith.constant 16 : index
        %get3A_138 = tpu.vector_load %arg8[%get3A_136, %get3A_137] {strides = array<i32>} : memref<128x32xf32, #tpu.memory_space<vmem>>, vector<1x16xf32>,
        %get3A_139 = vector.shape_cast %get3A_138 : vector<1x16xf32> to vector<16xf32>
        %swap3A_140 = arith.index_cast %add3A_126 : i32 to index
        %swap3A_141 = arith.constant 16 : index
        %swap3A_142 = tpu.vector_load %arg7[%swap3A_140, %swap3A_141] {strides = array<i32>} : memref<128x128xf32, #tpu.memory_space<vmem>>, vector<1x16xf32>,
        %swap3A_143 = vector.shape_cast %swap3A_142 : vector<1x16xf32> to vector<16xf32>
        %swap3A_144 = vector.shape_cast %get3A_139 : vector<16xf32> to vector<1x16xf32>
        tpu.vector_store %arg7[%swap3A_140, %swap3A_141], %swap3A_144 {strides = array<i32>} : memref<128x128xf32, #tpu.memory_space<vmem>>, vector<1x16xf32>,
      }
      %scan3A_57 = arith.constant 32 : i32
      "tpu.region"() ({
        %run_scoped3A = tpu.sem_alloc : memref<!tpu.dma_semaphore, #tpu.memory_space<semaphore_mem>>
        %dma_start3A_58 = arith.constant 0 : i32
        %dma_start3A_59 = arith.constant 0 : i32
        %dma_start3A_60 = tpu.memref_slice %arg11[%dma_start3A_58, %dma_start3A_59] : memref<5120x128xf32, #tpu.memory_space<vmem_shared>> -> memref<5120x128xf32, #tpu.memory_space<vmem_shared>>
        tpu.enqueue_indirect_dma source(%arg7 : memref<128x128xf32, #tpu.memory_space<vmem>>) target(%dma_start3A_60 : memref<5120x128xf32, #tpu.memory_space<vmem_shared>>) offsets(%arg9 : memref<128xi32, #tpu.memory_space<vmem>>) semaphore(%run_scoped3A : memref<!tpu.dma_semaphore, #tpu.memory_space<semaphore_mem>>) {add = true}
        %dma_wait3A_61 = arith.constant 0 : i32
        %dma_wait3A_62 = arith.constant 0 : i32
        %dma_wait3A_63 = tpu.memref_slice %arg11[%dma_wait3A_61, %dma_wait3A_62] : memref<5120x128xf32, #tpu.memory_space<vmem_shared>> -> memref<5120x128xf32, #tpu.memory_space<vmem_shared>>
        tpu.wait_indirect_dma semaphore(%run_scoped3A : memref<!tpu.dma_semaphore, #tpu.memory_space<semaphore_mem>>) src(%arg7 : memref<128x128xf32, #tpu.memory_space<vmem>>) dst(%dma_wait3A_63 : memref<5120x128xf32, #tpu.memory_space<vmem_shared>>)
        tpu.yield
      }) : () -> ()
      "tpu.region"() ({
        %run_scoped3A = tpu.sem_alloc : memref<!tpu.dma_semaphore, #tpu.memory_space<semaphore_mem>>
        %dma_start3A_58 = arith.constant 0 : i32
        %dma_start3A_59 = arith.constant 0 : i32
        %dma_start3A_60 = tpu.memref_slice %arg12[%dma_start3A_58, %dma_start3A_59] : memref<5120x128xf32, #tpu.memory_space<vmem_shared>> -> memref<5120x128xf32, #tpu.memory_space<vmem_shared>>
        tpu.enqueue_indirect_dma source(%arg7 : memref<128x128xf32, #tpu.memory_space<vmem>>) target(%dma_start3A_60 : memref<5120x128xf32, #tpu.memory_space<vmem_shared>>) offsets(%arg10 : memref<128xi32, #tpu.memory_space<vmem>>) semaphore(%run_scoped3A : memref<!tpu.dma_semaphore, #tpu.memory_space<semaphore_mem>>) {add = true}
        %dma_wait3A_61 = arith.constant 0 : i32
        %dma_wait3A_62 = arith.constant 0 : i32
        %dma_wait3A_63 = tpu.memref_slice %arg12[%dma_wait3A_61, %dma_wait3A_62] : memref<5120x128xf32, #tpu.memory_space<vmem_shared>> -> memref<5120x128xf32, #tpu.memory_space<vmem_shared>>
        tpu.wait_indirect_dma semaphore(%run_scoped3A : memref<!tpu.dma_semaphore, #tpu.memory_space<semaphore_mem>>) src(%arg7 : memref<128x128xf32, #tpu.memory_space<vmem>>) dst(%dma_wait3A_63 : memref<5120x128xf32, #tpu.memory_space<vmem_shared>>)
        tpu.yield
      }) : () -> ()
    }
    %while3A_36 = arith.constant 1 : i32
    scf.for %while3A_40 = %while3A_34 to %while3A_30 step %while3A_36  : i32 {
      %mul3A_41 = arith.constant 32 : i32
      %mul3A_42 = arith.muli %while3A_40, %mul3A_41 : i32
      %add3A_43 = arith.addi %mul3A_42, %add3A : i32
      %mul3A_44 = arith.constant 128 : i32
      %mul3A_45 = arith.muli %add3A_43, %mul3A_44 : i32
      %dma_start3A = arith.constant 0 : i32
      %dma_start3A_46 = tpu.memref_slice %arg2[%mul3A_45, %dma_start3A] : memref<160000x32xf32, #tpu.memory_space<hbm>> -> memref<128x32xf32, #tpu.memory_space<hbm>>
      %dma_start3A_47 = arith.constant 0 : i32
      %dma_start3A_48 = tpu.memref_slice %arg2[%mul3A_45, %dma_start3A_47] : memref<160000x32xf32, #tpu.memory_space<hbm>> -> memref<128x32xf32, #tpu.memory_space<hbm>>
      tpu.enqueue_dma source(%dma_start3A_48 : memref<128x32xf32, #tpu.memory_space<hbm>>) target(%arg8 : memref<128x32xf32, #tpu.memory_space<vmem>>) target_semaphore(%arg13 : memref<!tpu.dma_semaphore, #tpu.memory_space<semaphore_mem>>)
      "tpu.region"() ({
        %run_scoped3A = tpu.sem_alloc : memref<!tpu.dma_semaphore, #tpu.memory_space<semaphore_mem>>
        %dma_start3A_58 = tpu.memref_slice %arg3[%mul3A_45] : memref<160000xi32, #tpu.memory_space<hbm>> -> memref<128xi32, #tpu.memory_space<hbm>>
        %dma_start3A_59 = tpu.memref_slice %arg3[%mul3A_45] : memref<160000xi32, #tpu.memory_space<hbm>> -> memref<128xi32, #tpu.memory_space<hbm>>
        tpu.enqueue_dma source(%dma_start3A_59 : memref<128xi32, #tpu.memory_space<hbm>>) target(%arg9 : memref<128xi32, #tpu.memory_space<vmem>>) target_semaphore(%run_scoped3A : memref<!tpu.dma_semaphore, #tpu.memory_space<semaphore_mem>>)
        %dma_wait3A_60 = tpu.memref_slice %arg3[%mul3A_45] : memref<160000xi32, #tpu.memory_space<hbm>> -> memref<128xi32, #tpu.memory_space<hbm>>
        %dma_wait3A_61 = tpu.memref_slice %arg3[%mul3A_45] : memref<160000xi32, #tpu.memory_space<hbm>> -> memref<128xi32, #tpu.memory_space<hbm>>
        tpu.wait_dma2 semaphore(%run_scoped3A : memref<!tpu.dma_semaphore, #tpu.memory_space<semaphore_mem>>) src(%dma_wait3A_61 : memref<128xi32, #tpu.memory_space<hbm>>) dst(%arg9 : memref<128xi32, #tpu.memory_space<vmem>>)
        tpu.yield
      }) : () -> ()
      "tpu.region"() ({
        %run_scoped3A = tpu.sem_alloc : memref<!tpu.dma_semaphore, #tpu.memory_space<semaphore_mem>>
        %dma_start3A_58 = tpu.memref_slice %arg4[%mul3A_45] : memref<160000xi32, #tpu.memory_space<hbm>> -> memref<128xi32, #tpu.memory_space<hbm>>
        %dma_start3A_59 = tpu.memref_slice %arg4[%mul3A_45] : memref<160000xi32, #tpu.memory_space<hbm>> -> memref<128xi32, #tpu.memory_space<hbm>>
        tpu.enqueue_dma source(%dma_start3A_59 : memref<128xi32, #tpu.memory_space<hbm>>) target(%arg10 : memref<128xi32, #tpu.memory_space<vmem>>) target_semaphore(%run_scoped3A : memref<!tpu.dma_semaphore, #tpu.memory_space<semaphore_mem>>)
        %dma_wait3A_60 = tpu.memref_slice %arg4[%mul3A_45] : memref<160000xi32, #tpu.memory_space<hbm>> -> memref<128xi32, #tpu.memory_space<hbm>>
        %dma_wait3A_61 = tpu.memref_slice %arg4[%mul3A_45] : memref<160000xi32, #tpu.memory_space<hbm>> -> memref<128xi32, #tpu.memory_space<hbm>>
        tpu.wait_dma2 semaphore(%run_scoped3A : memref<!tpu.dma_semaphore, #tpu.memory_space<semaphore_mem>>) src(%dma_wait3A_61 : memref<128xi32, #tpu.memory_space<hbm>>) dst(%arg10 : memref<128xi32, #tpu.memory_space<vmem>>)
        tpu.yield
      }) : () -> ()
      %dma_wait3A = arith.constant 0 : i32
      %dma_wait3A_49 = tpu.memref_slice %arg2[%mul3A_45, %dma_wait3A] : memref<160000x32xf32, #tpu.memory_space<hbm>> -> memref<128x32xf32, #tpu.memory_space<hbm>>
      %dma_wait3A_50 = arith.constant 0 : i32
      %dma_wait3A_51 = tpu.memref_slice %arg2[%mul3A_45, %dma_wait3A_50] : memref<160000x32xf32, #tpu.memory_space<hbm>> -> memref<128x32xf32, #tpu.memory_space<hbm>>
      tpu.wait_dma2 semaphore(%arg13 : memref<!tpu.dma_semaphore, #tpu.memory_space<semaphore_mem>>) src(%dma_wait3A_51 : memref<128x32xf32, #tpu.memory_space<hbm>>) dst(%arg8 : memref<128x32xf32, #tpu.memory_space<vmem>>)
      %scan3A_52 = arith.constant 0 : i32
      %scan3A_53 = arith.constant 0 : i32
      %scan3A_54 = arith.constant 32 : i32
      %scan3A_55 = arith.addi %scan3A_53, %scan3A_54 : i32
      %scan3A_56 = arith.constant 1 : i32
      scf.for %scan3A_58 = %scan3A_53 to %scan3A_55 step %scan3A_56  : i32 {
        %mul3A_59 = arith.constant 4 : i32
        %mul3A_60 = arith.muli %scan3A_58, %mul3A_59 : i32
        %add3A_61 = arith.constant 0 : i32
        %add3A_62 = arith.addi %mul3A_60, %add3A_61 : i32
        %get3A = arith.index_cast %add3A_62 : i32 to index
        %get3A_63 = arith.constant 0 : index
        %get3A_64 = tpu.vector_load %arg8[%get3A, %get3A_63] {strides = array<i32>} : memref<128x32xf32, #tpu.memory_space<vmem>>, vector<1x16xf32>,
        %get3A_65 = vector.shape_cast %get3A_64 : vector<1x16xf32> to vector<16xf32>
        %swap3A = arith.index_cast %add3A_62 : i32 to index
        %swap3A_66 = arith.constant 0 : index
        %swap3A_67 = tpu.vector_load %arg7[%swap3A, %swap3A_66] {strides = array<i32>} : memref<128x128xf32, #tpu.memory_space<vmem>>, vector<1x16xf32>,
        %swap3A_68 = vector.shape_cast %swap3A_67 : vector<1x16xf32> to vector<16xf32>
        %swap3A_69 = vector.shape_cast %get3A_65 : vector<16xf32> to vector<1x16xf32>
        tpu.vector_store %arg7[%swap3A, %swap3A_66], %swap3A_69 {strides = array<i32>} : memref<128x128xf32, #tpu.memory_space<vmem>>, vector<1x16xf32>,
        %get3A_70 = arith.index_cast %add3A_62 : i32 to index
        %get3A_71 = arith.constant 16 : index
        %get3A_72 = tpu.vector_load %arg8[%get3A_70, %get3A_71] {strides = array<i32>} : memref<128x32xf32, #tpu.memory_space<vmem>>, vector<1x16xf32>,
        %get3A_73 = vector.shape_cast %get3A_72 : vector<1x16xf32> to vector<16xf32>
        %swap3A_74 = arith.index_cast %add3A_62 : i32 to index
        %swap3A_75 = arith.constant 16 : index
        %swap3A_76 = tpu.vector_load %arg7[%swap3A_74, %swap3A_75] {strides = array<i32>} : memref<128x128xf32, #tpu.memory_space<vmem>>, vector<1x16xf32>,
        %swap3A_77 = vector.shape_cast %swap3A_76 : vector<1x16xf32> to vector<16xf32>
        %swap3A_78 = vector.shape_cast %get3A_73 : vector<16xf32> to vector<1x16xf32>
        tpu.vector_store %arg7[%swap3A_74, %swap3A_75], %swap3A_78 {strides = array<i32>} : memref<128x128xf32, #tpu.memory_space<vmem>>, vector<1x16xf32>,
        %mul3A_79 = arith.constant 4 : i32
        %mul3A_80 = arith.muli %scan3A_58, %mul3A_79 : i32
        %add3A_81 = arith.constant 1 : i32
        %add3A_82 = arith.addi %mul3A_80, %add3A_81 : i32
        %get3A_83 = arith.index_cast %add3A_82 : i32 to index
        %get3A_84 = arith.constant 0 : index
        %get3A_85 = tpu.vector_load %arg8[%get3A_83, %get3A_84] {strides = array<i32>} : memref<128x32xf32, #tpu.memory_space<vmem>>, vector<1x16xf32>,
        %get3A_86 = vector.shape_cast %get3A_85 : vector<1x16xf32> to vector<16xf32>
        %swap3A_87 = arith.index_cast %add3A_82 : i32 to index
        %swap3A_88 = arith.constant 0 : index
        %swap3A_89 = tpu.vector_load %arg7[%swap3A_87, %swap3A_88] {strides = array<i32>} : memref<128x128xf32, #tpu.memory_space<vmem>>, vector<1x16xf32>,
        %swap3A_90 = vector.shape_cast %swap3A_89 : vector<1x16xf32> to vector<16xf32>
        %swap3A_91 = vector.shape_cast %get3A_86 : vector<16xf32> to vector<1x16xf32>
        tpu.vector_store %arg7[%swap3A_87, %swap3A_88], %swap3A_91 {strides = array<i32>} : memref<128x128xf32, #tpu.memory_space<vmem>>, vector<1x16xf32>,
        %get3A_92 = arith.index_cast %add3A_82 : i32 to index
        %get3A_93 = arith.constant 16 : index
        %get3A_94 = tpu.vector_load %arg8[%get3A_92, %get3A_93] {strides = array<i32>} : memref<128x32xf32, #tpu.memory_space<vmem>>, vector<1x16xf32>,
        %get3A_95 = vector.shape_cast %get3A_94 : vector<1x16xf32> to vector<16xf32>
        %swap3A_96 = arith.index_cast %add3A_82 : i32 to index
        %swap3A_97 = arith.constant 16 : index
        %swap3A_98 = tpu.vector_load %arg7[%swap3A_96, %swap3A_97] {strides = array<i32>} : memref<128x128xf32, #tpu.memory_space<vmem>>, vector<1x16xf32>,
        %swap3A_99 = vector.shape_cast %swap3A_98 : vector<1x16xf32> to vector<16xf32>
        %swap3A_100 = vector.shape_cast %get3A_95 : vector<16xf32> to vector<1x16xf32>
        tpu.vector_store %arg7[%swap3A_96, %swap3A_97], %swap3A_100 {strides = array<i32>} : memref<128x128xf32, #tpu.memory_space<vmem>>, vector<1x16xf32>,
        %mul3A_101 = arith.constant 4 : i32
        %mul3A_102 = arith.muli %scan3A_58, %mul3A_101 : i32
        %add3A_103 = arith.constant 2 : i32
        %add3A_104 = arith.addi %mul3A_102, %add3A_103 : i32
        %get3A_105 = arith.index_cast %add3A_104 : i32 to index
        %get3A_106 = arith.constant 0 : index
        %get3A_107 = tpu.vector_load %arg8[%get3A_105, %get3A_106] {strides = array<i32>} : memref<128x32xf32, #tpu.memory_space<vmem>>, vector<1x16xf32>,
        %get3A_108 = vector.shape_cast %get3A_107 : vector<1x16xf32> to vector<16xf32>
        %swap3A_109 = arith.index_cast %add3A_104 : i32 to index
        %swap3A_110 = arith.constant 0 : index
        %swap3A_111 = tpu.vector_load %arg7[%swap3A_109, %swap3A_110] {strides = array<i32>} : memref<128x128xf32, #tpu.memory_space<vmem>>, vector<1x16xf32>,
        %swap3A_112 = vector.shape_cast %swap3A_111 : vector<1x16xf32> to vector<16xf32>
        %swap3A_113 = vector.shape_cast %get3A_108 : vector<16xf32> to vector<1x16xf32>
        tpu.vector_store %arg7[%swap3A_109, %swap3A_110], %swap3A_113 {strides = array<i32>} : memref<128x128xf32, #tpu.memory_space<vmem>>, vector<1x16xf32>,
        %get3A_114 = arith.index_cast %add3A_104 : i32 to index
        %get3A_115 = arith.constant 16 : index
        %get3A_116 = tpu.vector_load %arg8[%get3A_114, %get3A_115] {strides = array<i32>} : memref<128x32xf32, #tpu.memory_space<vmem>>, vector<1x16xf32>,
        %get3A_117 = vector.shape_cast %get3A_116 : vector<1x16xf32> to vector<16xf32>
        %swap3A_118 = arith.index_cast %add3A_104 : i32 to index
        %swap3A_119 = arith.constant 16 : index
        %swap3A_120 = tpu.vector_load %arg7[%swap3A_118, %swap3A_119] {strides = array<i32>} : memref<128x128xf32, #tpu.memory_space<vmem>>, vector<1x16xf32>,
        %swap3A_121 = vector.shape_cast %swap3A_120 : vector<1x16xf32> to vector<16xf32>
        %swap3A_122 = vector.shape_cast %get3A_117 : vector<16xf32> to vector<1x16xf32>
        tpu.vector_store %arg7[%swap3A_118, %swap3A_119], %swap3A_122 {strides = array<i32>} : memref<128x128xf32, #tpu.memory_space<vmem>>, vector<1x16xf32>,
        %mul3A_123 = arith.constant 4 : i32
        %mul3A_124 = arith.muli %scan3A_58, %mul3A_123 : i32
        %add3A_125 = arith.constant 3 : i32
        %add3A_126 = arith.addi %mul3A_124, %add3A_125 : i32
        %get3A_127 = arith.index_cast %add3A_126 : i32 to index
        %get3A_128 = arith.constant 0 : index
        %get3A_129 = tpu.vector_load %arg8[%get3A_127, %get3A_128] {strides = array<i32>} : memref<128x32xf32, #tpu.memory_space<vmem>>, vector<1x16xf32>,
        %get3A_130 = vector.shape_cast %get3A_129 : vector<1x16xf32> to vector<16xf32>
        %swap3A_131 = arith.index_cast %add3A_126 : i32 to index
        %swap3A_132 = arith.constant 0 : index
        %swap3A_133 = tpu.vector_load %arg7[%swap3A_131, %swap3A_132] {strides = array<i32>} : memref<128x128xf32, #tpu.memory_space<vmem>>, vector<1x16xf32>,
        %swap3A_134 = vector.shape_cast %swap3A_133 : vector<1x16xf32> to vector<16xf32>
        %swap3A_135 = vector.shape_cast %get3A_130 : vector<16xf32> to vector<1x16xf32>
        tpu.vector_store %arg7[%swap3A_131, %swap3A_132], %swap3A_135 {strides = array<i32>} : memref<128x128xf32, #tpu.memory_space<vmem>>, vector<1x16xf32>,
        %get3A_136 = arith.index_cast %add3A_126 : i32 to index
        %get3A_137 = arith.constant 16 : index
        %get3A_138 = tpu.vector_load %arg8[%get3A_136, %get3A_137] {strides = array<i32>} : memref<128x32xf32, #tpu.memory_space<vmem>>, vector<1x16xf32>,
        %get3A_139 = vector.shape_cast %get3A_138 : vector<1x16xf32> to vector<16xf32>
        %swap3A_140 = arith.index_cast %add3A_126 : i32 to index
        %swap3A_141 = arith.constant 16 : index
        %swap3A_142 = tpu.vector_load %arg7[%swap3A_140, %swap3A_141] {strides = array<i32>} : memref<128x128xf32, #tpu.memory_space<vmem>>, vector<1x16xf32>,
        %swap3A_143 = vector.shape_cast %swap3A_142 : vector<1x16xf32> to vector<16xf32>
        %swap3A_144 = vector.shape_cast %get3A_139 : vector<16xf32> to vector<1x16xf32>
        tpu.vector_store %arg7[%swap3A_140, %swap3A_141], %swap3A_144 {strides = array<i32>} : memref<128x128xf32, #tpu.memory_space<vmem>>, vector<1x16xf32>,
      }
      %scan3A_57 = arith.constant 32 : i32
      "tpu.region"() ({
        %run_scoped3A = tpu.sem_alloc : memref<!tpu.dma_semaphore, #tpu.memory_space<semaphore_mem>>
        %dma_start3A_58 = arith.constant 0 : i32
        %dma_start3A_59 = arith.constant 0 : i32
        %dma_start3A_60 = tpu.memref_slice %arg11[%dma_start3A_58, %dma_start3A_59] : memref<5120x128xf32, #tpu.memory_space<vmem_shared>> -> memref<5120x128xf32, #tpu.memory_space<vmem_shared>>
        tpu.enqueue_indirect_dma source(%arg7 : memref<128x128xf32, #tpu.memory_space<vmem>>) target(%dma_start3A_60 : memref<5120x128xf32, #tpu.memory_space<vmem_shared>>) offsets(%arg9 : memref<128xi32, #tpu.memory_space<vmem>>) semaphore(%run_scoped3A : memref<!tpu.dma_semaphore, #tpu.memory_space<semaphore_mem>>) {add = true}
        %dma_wait3A_61 = arith.constant 0 : i32
        %dma_wait3A_62 = arith.constant 0 : i32
        %dma_wait3A_63 = tpu.memref_slice %arg11[%dma_wait3A_61, %dma_wait3A_62] : memref<5120x128xf32, #tpu.memory_space<vmem_shared>> -> memref<5120x128xf32, #tpu.memory_space<vmem_shared>>
        tpu.wait_indirect_dma semaphore(%run_scoped3A : memref<!tpu.dma_semaphore, #tpu.memory_space<semaphore_mem>>) src(%arg7 : memref<128x128xf32, #tpu.memory_space<vmem>>) dst(%dma_wait3A_63 : memref<5120x128xf32, #tpu.memory_space<vmem_shared>>)
        tpu.yield
      }) : () -> ()
      "tpu.region"() ({
        %run_scoped3A = tpu.sem_alloc : memref<!tpu.dma_semaphore, #tpu.memory_space<semaphore_mem>>
        %dma_start3A_58 = arith.constant 0 : i32
        %dma_start3A_59 = arith.constant 0 : i32
        %dma_start3A_60 = tpu.memref_slice %arg12[%dma_start3A_58, %dma_start3A_59] : memref<5120x128xf32, #tpu.memory_space<vmem_shared>> -> memref<5120x128xf32, #tpu.memory_space<vmem_shared>>
        tpu.enqueue_indirect_dma source(%arg7 : memref<128x128xf32, #tpu.memory_space<vmem>>) target(%dma_start3A_60 : memref<5120x128xf32, #tpu.memory_space<vmem_shared>>) offsets(%arg10 : memref<128xi32, #tpu.memory_space<vmem>>) semaphore(%run_scoped3A : memref<!tpu.dma_semaphore, #tpu.memory_space<semaphore_mem>>) {add = true}
        %dma_wait3A_61 = arith.constant 0 : i32
        %dma_wait3A_62 = arith.constant 0 : i32
        %dma_wait3A_63 = tpu.memref_slice %arg12[%dma_wait3A_61, %dma_wait3A_62] : memref<5120x128xf32, #tpu.memory_space<vmem_shared>> -> memref<5120x128xf32, #tpu.memory_space<vmem_shared>>
        tpu.wait_indirect_dma semaphore(%run_scoped3A : memref<!tpu.dma_semaphore, #tpu.memory_space<semaphore_mem>>) src(%arg7 : memref<128x128xf32, #tpu.memory_space<vmem>>) dst(%dma_wait3A_63 : memref<5120x128xf32, #tpu.memory_space<vmem_shared>>)
        tpu.yield
      }) : () -> ()
    }
    %barrier3A_37 = arith.constant 0 : index
    tpu.barrier barrier_id(%barrier3A_37)
    %mul3A_38 = arith.constant 320 : i32
    %mul3A_39 = arith.muli %arg1, %mul3A_38 : i32
    "tpu.region"() ({
      %run_scoped3A = tpu.sem_alloc : memref<!tpu.dma_semaphore, #tpu.memory_space<semaphore_mem>>
      %dma_start3A = arith.constant 0 : i32
      %dma_start3A_40 = tpu.memref_slice %arg5[%arg0, %mul3A_39, %dma_start3A] : memref<2x5120x128xf32, #tpu.memory_space<hbm>> -> memref<1x320x128xf32, #tpu.memory_space<hbm>>
      %dma_start3A_41 = tpu.memref_squeeze %dma_start3A_40 : memref<1x320x128xf32, #tpu.memory_space<hbm>> -> memref<320x128xf32, #tpu.memory_space<hbm>>
      %dma_start3A_42 = arith.constant 0 : i32
      %dma_start3A_43 = tpu.memref_slice %arg11[%mul3A_39, %dma_start3A_42] : memref<5120x128xf32, #tpu.memory_space<vmem_shared>> -> memref<320x128xf32, #tpu.memory_space<vmem_shared>>
      tpu.enqueue_dma source(%dma_start3A_43 : memref<320x128xf32, #tpu.memory_space<vmem_shared>>) target(%dma_start3A_41 : memref<320x128xf32, #tpu.memory_space<hbm>>) target_semaphore(%run_scoped3A : memref<!tpu.dma_semaphore, #tpu.memory_space<semaphore_mem>>)
      %dma_wait3A = arith.constant 0 : i32
      %dma_wait3A_44 = tpu.memref_slice %arg5[%arg0, %mul3A_39, %dma_wait3A] : memref<2x5120x128xf32, #tpu.memory_space<hbm>> -> memref<1x320x128xf32, #tpu.memory_space<hbm>>
      %dma_wait3A_45 = tpu.memref_squeeze %dma_wait3A_44 : memref<1x320x128xf32, #tpu.memory_space<hbm>> -> memref<320x128xf32, #tpu.memory_space<hbm>>
      %dma_wait3A_46 = arith.constant 0 : i32
      %dma_wait3A_47 = tpu.memref_slice %arg11[%mul3A_39, %dma_wait3A_46] : memref<5120x128xf32, #tpu.memory_space<vmem_shared>> -> memref<320x128xf32, #tpu.memory_space<vmem_shared>>
      tpu.wait_dma2 semaphore(%run_scoped3A : memref<!tpu.dma_semaphore, #tpu.memory_space<semaphore_mem>>) src(%dma_wait3A_47 : memref<320x128xf32, #tpu.memory_space<vmem_shared>>) dst(%dma_wait3A_45 : memref<320x128xf32, #tpu.memory_space<hbm>>)
      tpu.yield
    }) : () -> ()
    "tpu.region"() ({
      %run_scoped3A = tpu.sem_alloc : memref<!tpu.dma_semaphore, #tpu.memory_space<semaphore_mem>>
      %dma_start3A = arith.constant 0 : i32
      %dma_start3A_40 = tpu.memref_slice %arg6[%arg0, %mul3A_39, %dma_start3A] : memref<2x5120x128xf32, #tpu.memory_space<hbm>> -> memref<1x320x128xf32, #tpu.memory_space<hbm>>
      %dma_start3A_41 = tpu.memref_squeeze %dma_start3A_40 : memref<1x320x128xf32, #tpu.memory_space<hbm>> -> memref<320x128xf32, #tpu.memory_space<hbm>>
      %dma_start3A_42 = arith.constant 0 : i32
      %dma_start3A_43 = tpu.memref_slice %arg12[%mul3A_39, %dma_start3A_42] : memref<5120x128xf32, #tpu.memory_space<vmem_shared>> -> memref<320x128xf32, #tpu.memory_space<vmem_shared>>
      tpu.enqueue_dma source(%dma_start3A_43 : memref<320x128xf32, #tpu.memory_space<vmem_shared>>) target(%dma_start3A_41 : memref<320x128xf32, #tpu.memory_space<hbm>>) target_semaphore(%run_scoped3A : memref<!tpu.dma_semaphore, #tpu.memory_space<semaphore_mem>>)
      %dma_wait3A = arith.constant 0 : i32
      %dma_wait3A_44 = tpu.memref_slice %arg6[%arg0, %mul3A_39, %dma_wait3A] : memref<2x5120x128xf32, #tpu.memory_space<hbm>> -> memref<1x320x128xf32, #tpu.memory_space<hbm>>
      %dma_wait3A_45 = tpu.memref_squeeze %dma_wait3A_44 : memref<1x320x128xf32, #tpu.memory_space<hbm>> -> memref<320x128xf32, #tpu.memory_space<hbm>>
      %dma_wait3A_46 = arith.constant 0 : i32
      %dma_wait3A_47 = tpu.memref_slice %arg12[%mul3A_39, %dma_wait3A_46] : memref<5120x128xf32, #tpu.memory_space<vmem_shared>> -> memref<320x128xf32, #tpu.memory_space<vmem_shared>>
      tpu.wait_dma2 semaphore(%run_scoped3A : memref<!tpu.dma_semaphore, #tpu.memory_space<semaphore_mem>>) src(%dma_wait3A_47 : memref<320x128xf32, #tpu.memory_space<vmem_shared>>) dst(%dma_wait3A_45 : memref<320x128xf32, #tpu.memory_space<hbm>>)
      tpu.yield
    }) : () -> ()
    return
  }
}

module attributes {stable_mosaic.version = 14 : i64} {
  func.func @_dense_body(%arg0: i32, %arg1: i32, %arg2: memref<1280x32xf32, #tpu.memory_space<vmem>>, %arg3: memref<1280x32xf32, #tpu.memory_space<vmem>>, %arg4: memref<1x1x1280xi32, #tpu.memory_space<vmem>>, %arg5: memref<4x32x32xf32, #tpu.memory_space<vmem>>, %arg6: memref<1280x64xf32, #tpu.memory_space<vmem>>, %arg7: memref<1280x32xf32, #tpu.memory_space<vmem>>, %arg8: memref<32x160000xf32, #tpu.memory_space<vmem>>, %arg9: memref<32x64xf32, #tpu.memory_space<vmem>>, %arg10: memref<32x64xf32, #tpu.memory_space<vmem>>, %arg11: memref<32x1280xf32, #tpu.memory_space<vmem>>) attributes {dimension_semantics = [#tpu.dimension_semantics<arbitrary>, #tpu.dimension_semantics<arbitrary>], iteration_bounds = array<i64: 3, 125>, scalar_prefetch = 0 : i64, scratch_operands = 4 : i64, tpu.core_type = #tpu.core_type<tc>, window_params = [{transform_indices = @transform_0, window_bounds = array<i64: 1280, 32>}, {transform_indices = @transform_1, window_bounds = array<i64: 1280, 32>}, {transform_indices = @transform_2, window_bounds = array<i64: 1, 1, 1280>}, {pipeline_mode = #tpu.pipeline_mode<synchronous>, transform_indices = @transform_3, window_bounds = array<i64: 4, 32, 32>}, {transform_indices = @transform_4, window_bounds = array<i64: 1280, 64>}, {transform_indices = @transform_5, window_bounds = array<i64: 1280, 32>}]} {
    %eq3A = arith.constant 0 : i32
    %eq3A_0 = arith.cmpi eq, %arg1, %eq3A : i32
    %convert_element_type3A = arith.extui %eq3A_0 : i1 to i32
    %cond3A = arith.constant 0 : i32
    %cond3A_1 = arith.cmpi ne, %convert_element_type3A, %cond3A : i32
    scf.if %cond3A_1 {
      %get3A_25 = arith.constant 0 : index
      %get3A_26 = arith.constant 0 : index
      %get3A_27 = vector.load %arg9[%get3A_25, %get3A_26] : memref<32x64xf32, #tpu.memory_space<vmem>>, vector<32x64xf32>
      %jit3A = arith.constant 5.000000e-01 : f32
      %ge3A = arith.constant 0.000000e+00 : f32
      %ge3A_28 = vector.broadcast %ge3A : f32 to vector<32x64xf32>
      %ge3A_29 = arith.cmpf oge, %get3A_27, %ge3A_28 : vector<32x64xf32>
      %mul3A = vector.broadcast %jit3A : f32 to vector<32x64xf32>
      %mul3A_30 = arith.mulf %mul3A, %get3A_27 : vector<32x64xf32>
      %select_n3A = arith.select %ge3A_29, %get3A_27, %mul3A_30 : vector<32x64xi1>, vector<32x64xf32>
      %swap3A = arith.constant 0 : index
      %swap3A_31 = arith.constant 0 : index
      %swap3A_32 = vector.load %arg10[%swap3A, %swap3A_31] : memref<32x64xf32, #tpu.memory_space<vmem>>, vector<32x64xf32>
      tpu.vector_store %arg10[%swap3A, %swap3A_31], %select_n3A {strides = array<i32>} : memref<32x64xf32, #tpu.memory_space<vmem>>, vector<32x64xf32>,
      %broadcast_in_dim3A = arith.constant 0.000000e+00 : f32
      %broadcast_in_dim3A_33 = vector.broadcast %broadcast_in_dim3A : f32 to vector<32x64xf32>
      %swap3A_34 = arith.constant 0 : index
      %swap3A_35 = arith.constant 0 : index
      %swap3A_36 = vector.load %arg9[%swap3A_34, %swap3A_35] : memref<32x64xf32, #tpu.memory_space<vmem>>, vector<32x64xf32>
      tpu.vector_store %arg9[%swap3A_34, %swap3A_35], %broadcast_in_dim3A_33 {strides = array<i32>} : memref<32x64xf32, #tpu.memory_space<vmem>>, vector<32x64xf32>,
    } else {
    }
    %get3A = arith.constant 0 : index
    %get3A_2 = arith.constant 0 : index
    %get3A_3 = vector.load %arg6[%get3A, %get3A_2] : memref<1280x64xf32, #tpu.memory_space<vmem>>, vector<1280x64xf32>
    %eq3A_4 = arith.constant 0 : i32
    %eq3A_5 = arith.cmpi eq, %arg0, %eq3A_4 : i32
    %convert_element_type3A_6 = arith.extui %eq3A_5 : i1 to i32
    %cond3A_7 = arith.constant 0 : i32
    %cond3A_8 = arith.cmpi ne, %convert_element_type3A_6, %cond3A_7 : i32
    scf.if %cond3A_8 {
      %get3A_25 = arith.constant 0 : index
      %get3A_26 = arith.constant 0 : index
      %get3A_27 = vector.load %arg2[%get3A_25, %get3A_26] : memref<1280x32xf32, #tpu.memory_space<vmem>>, vector<1280x32xf32>
      %get3A_28 = arith.constant 0 : index
      %get3A_29 = arith.constant 0 : index
      %get3A_30 = arith.constant 0 : index
      %get3A_31 = vector.load %arg4[%get3A_28, %get3A_29, %get3A_30] : memref<1x1x1280xi32, #tpu.memory_space<vmem>>, vector<1x1x1280xi32>
      %get3A_32 = vector.shape_cast %get3A_31 : vector<1x1x1280xi32> to vector<1280xi32>
      %broadcast_in_dim3A = arith.constant 0.000000e+00 : f32
      %broadcast_in_dim3A_33 = vector.broadcast %broadcast_in_dim3A : f32 to vector<1280x32xf32>
      %get3A_34 = arith.constant 0 : index
      %get3A_35 = arith.constant 0 : index
      %get3A_36 = arith.constant 0 : index
      %get3A_37 = vector.load %arg5[%get3A_34, %get3A_35, %get3A_36] : memref<4x32x32xf32, #tpu.memory_space<vmem>>, vector<1x32x32xf32>
      %get3A_38 = vector.shape_cast %get3A_37 : vector<1x32x32xf32> to vector<32x32xf32>
      %dot_general3A = arith.constant dense<0.000000e+00> : vector<1280x32xf32>
      %dot_general3A_39 = tpu.matmul %get3A_27, %get3A_38, %dot_general3A {dimension_numbers = #tpu.dot_dimension_numbers<[1], [0], [0], [1], [0, 0, 1, 1], [], []>, transpose_lhs_hint = false} : vector<1280x32xf32>, vector<32x32xf32>, vector<1280x32xf32> -> vector<1280x32xf32>
      %eq3A_40 = arith.constant 0 : i32
      %eq3A_41 = vector.broadcast %eq3A_40 : i32 to vector<1280xi32>
      %eq3A_42 = arith.cmpi eq, %get3A_32, %eq3A_41 : vector<1280xi32>
      %convert_element_type3A_43 = arith.extui %eq3A_42 : vector<1280xi1> to vector<1280xi32>
      %convert_element_type3A_44 = arith.sitofp %convert_element_type3A_43 : vector<1280xi32> to vector<1280xf32>
      %broadcast_in_dim3A_45 = vector.shape_cast %convert_element_type3A_44 : vector<1280xf32> to vector<1280x1xf32>
      %mul3A = vector.broadcast %broadcast_in_dim3A_45 : vector<1280x1xf32> to vector<1280x32xf32>
      %mul3A_46 = arith.mulf %mul3A, %dot_general3A_39 : vector<1280x32xf32>
      %add3A = arith.addf %broadcast_in_dim3A_33, %mul3A_46 : vector<1280x32xf32>
      %get3A_47 = arith.constant 1 : index
      %get3A_48 = arith.constant 0 : index
      %get3A_49 = arith.constant 0 : index
      %get3A_50 = vector.load %arg5[%get3A_47, %get3A_48, %get3A_49] : memref<4x32x32xf32, #tpu.memory_space<vmem>>, vector<1x32x32xf32>
      %get3A_51 = vector.shape_cast %get3A_50 : vector<1x32x32xf32> to vector<32x32xf32>
      %dot_general3A_52 = arith.constant dense<0.000000e+00> : vector<1280x32xf32>
      %dot_general3A_53 = tpu.matmul %get3A_27, %get3A_51, %dot_general3A_52 {dimension_numbers = #tpu.dot_dimension_numbers<[1], [0], [0], [1], [0, 0, 1, 1], [], []>, transpose_lhs_hint = false} : vector<1280x32xf32>, vector<32x32xf32>, vector<1280x32xf32> -> vector<1280x32xf32>
      %eq3A_54 = arith.constant 1 : i32
      %eq3A_55 = vector.broadcast %eq3A_54 : i32 to vector<1280xi32>
      %eq3A_56 = arith.cmpi eq, %get3A_32, %eq3A_55 : vector<1280xi32>
      %convert_element_type3A_57 = arith.extui %eq3A_56 : vector<1280xi1> to vector<1280xi32>
      %convert_element_type3A_58 = arith.sitofp %convert_element_type3A_57 : vector<1280xi32> to vector<1280xf32>
      %broadcast_in_dim3A_59 = vector.shape_cast %convert_element_type3A_58 : vector<1280xf32> to vector<1280x1xf32>
      %mul3A_60 = vector.broadcast %broadcast_in_dim3A_59 : vector<1280x1xf32> to vector<1280x32xf32>
      %mul3A_61 = arith.mulf %mul3A_60, %dot_general3A_53 : vector<1280x32xf32>
      %add3A_62 = arith.addf %add3A, %mul3A_61 : vector<1280x32xf32>
      %get3A_63 = arith.constant 2 : index
      %get3A_64 = arith.constant 0 : index
      %get3A_65 = arith.constant 0 : index
      %get3A_66 = vector.load %arg5[%get3A_63, %get3A_64, %get3A_65] : memref<4x32x32xf32, #tpu.memory_space<vmem>>, vector<1x32x32xf32>
      %get3A_67 = vector.shape_cast %get3A_66 : vector<1x32x32xf32> to vector<32x32xf32>
      %dot_general3A_68 = arith.constant dense<0.000000e+00> : vector<1280x32xf32>
      %dot_general3A_69 = tpu.matmul %get3A_27, %get3A_67, %dot_general3A_68 {dimension_numbers = #tpu.dot_dimension_numbers<[1], [0], [0], [1], [0, 0, 1, 1], [], []>, transpose_lhs_hint = false} : vector<1280x32xf32>, vector<32x32xf32>, vector<1280x32xf32> -> vector<1280x32xf32>
      %eq3A_70 = arith.constant 2 : i32
      %eq3A_71 = vector.broadcast %eq3A_70 : i32 to vector<1280xi32>
      %eq3A_72 = arith.cmpi eq, %get3A_32, %eq3A_71 : vector<1280xi32>
      %convert_element_type3A_73 = arith.extui %eq3A_72 : vector<1280xi1> to vector<1280xi32>
      %convert_element_type3A_74 = arith.sitofp %convert_element_type3A_73 : vector<1280xi32> to vector<1280xf32>
      %broadcast_in_dim3A_75 = vector.shape_cast %convert_element_type3A_74 : vector<1280xf32> to vector<1280x1xf32>
      %mul3A_76 = vector.broadcast %broadcast_in_dim3A_75 : vector<1280x1xf32> to vector<1280x32xf32>
      %mul3A_77 = arith.mulf %mul3A_76, %dot_general3A_69 : vector<1280x32xf32>
      %add3A_78 = arith.addf %add3A_62, %mul3A_77 : vector<1280x32xf32>
      %get3A_79 = arith.constant 3 : index
      %get3A_80 = arith.constant 0 : index
      %get3A_81 = arith.constant 0 : index
      %get3A_82 = vector.load %arg5[%get3A_79, %get3A_80, %get3A_81] : memref<4x32x32xf32, #tpu.memory_space<vmem>>, vector<1x32x32xf32>
      %get3A_83 = vector.shape_cast %get3A_82 : vector<1x32x32xf32> to vector<32x32xf32>
      %dot_general3A_84 = arith.constant dense<0.000000e+00> : vector<1280x32xf32>
      %dot_general3A_85 = tpu.matmul %get3A_27, %get3A_83, %dot_general3A_84 {dimension_numbers = #tpu.dot_dimension_numbers<[1], [0], [0], [1], [0, 0, 1, 1], [], []>, transpose_lhs_hint = false} : vector<1280x32xf32>, vector<32x32xf32>, vector<1280x32xf32> -> vector<1280x32xf32>
      %eq3A_86 = arith.constant 3 : i32
      %eq3A_87 = vector.broadcast %eq3A_86 : i32 to vector<1280xi32>
      %eq3A_88 = arith.cmpi eq, %get3A_32, %eq3A_87 : vector<1280xi32>
      %convert_element_type3A_89 = arith.extui %eq3A_88 : vector<1280xi1> to vector<1280xi32>
      %convert_element_type3A_90 = arith.sitofp %convert_element_type3A_89 : vector<1280xi32> to vector<1280xf32>
      %broadcast_in_dim3A_91 = vector.shape_cast %convert_element_type3A_90 : vector<1280xf32> to vector<1280x1xf32>
      %mul3A_92 = vector.broadcast %broadcast_in_dim3A_91 : vector<1280x1xf32> to vector<1280x32xf32>
      %mul3A_93 = arith.mulf %mul3A_92, %dot_general3A_85 : vector<1280x32xf32>
      %add3A_94 = arith.addf %add3A_78, %mul3A_93 : vector<1280x32xf32>
      %get3A_95 = arith.constant 0 : index
      %get3A_96 = arith.constant 0 : index
      %get3A_97 = vector.load %arg3[%get3A_95, %get3A_96] : memref<1280x32xf32, #tpu.memory_space<vmem>>, vector<1280x32xf32>
      %mul3A_98 = arith.mulf %add3A_94, %get3A_97 : vector<1280x32xf32>
      %transpose3A = tpu.transpose %mul3A_98, [1, 0] : vector<1280x32xf32> -> vector<32x1280xf32>
      %swap3A = arith.constant 0 : index
      %swap3A_99 = arith.constant 0 : index
      %swap3A_100 = vector.load %arg11[%swap3A, %swap3A_99] : memref<32x1280xf32, #tpu.memory_space<vmem>>, vector<32x1280xf32>
      tpu.vector_store %arg11[%swap3A, %swap3A_99], %transpose3A {strides = array<i32>} : memref<32x1280xf32, #tpu.memory_space<vmem>>, vector<32x1280xf32>,
    } else {
    }
    %gt3A = arith.constant 0 : i32
    %gt3A_9 = arith.cmpi sgt, %arg0, %gt3A : i32
    %convert_element_type3A_10 = arith.extui %gt3A_9 : i1 to i32
    %cond3A_11 = arith.constant 0 : i32
    %cond3A_12 = arith.cmpi ne, %convert_element_type3A_10, %cond3A_11 : i32
    scf.if %cond3A_12 {
      %get3A_25 = arith.constant 0 : index
      %get3A_26 = arith.constant 0 : index
      %get3A_27 = vector.load %arg10[%get3A_25, %get3A_26] : memref<32x64xf32, #tpu.memory_space<vmem>>, vector<32x64xf32>
      %dot_general3A = arith.constant dense<0.000000e+00> : vector<32x1280xf32>
      %dot_general3A_28 = tpu.matmul %get3A_27, %get3A_3, %dot_general3A {dimension_numbers = #tpu.dot_dimension_numbers<[1], [1], [0], [0], [0, 0, 1, 0], [], []>, transpose_lhs_hint = false} : vector<32x64xf32>, vector<1280x64xf32>, vector<32x1280xf32> -> vector<32x1280xf32>
      %jit3A = arith.constant 5.000000e-01 : f32
      %ge3A = arith.constant 0.000000e+00 : f32
      %ge3A_29 = vector.broadcast %ge3A : f32 to vector<32x1280xf32>
      %ge3A_30 = arith.cmpf oge, %dot_general3A_28, %ge3A_29 : vector<32x1280xf32>
      %mul3A = vector.broadcast %jit3A : f32 to vector<32x1280xf32>
      %mul3A_31 = arith.mulf %mul3A, %dot_general3A_28 : vector<32x1280xf32>
      %select_n3A = arith.select %ge3A_30, %dot_general3A_28, %mul3A_31 : vector<32x1280xi1>, vector<32x1280xf32>
      %mul3A_32 = arith.constant 1280 : i32
      %mul3A_33 = arith.muli %arg1, %mul3A_32 : i32
      %get3A_34 = arith.constant 0 : index
      %get3A_35 = arith.index_cast %mul3A_33 : i32 to index
      %get3A_36 = vector.load %arg8[%get3A_34, %get3A_35] : memref<32x160000xf32, #tpu.memory_space<vmem>>, vector<32x1280xf32>
      %add3A = arith.addf %select_n3A, %get3A_36 : vector<32x1280xf32>
      %swap3A = arith.constant 0 : index
      %swap3A_37 = arith.constant 0 : index
      %swap3A_38 = vector.load %arg11[%swap3A, %swap3A_37] : memref<32x1280xf32, #tpu.memory_space<vmem>>, vector<32x1280xf32>
      tpu.vector_store %arg11[%swap3A, %swap3A_37], %add3A {strides = array<i32>} : memref<32x1280xf32, #tpu.memory_space<vmem>>, vector<32x1280xf32>,
    } else {
    }
    %get3A_13 = arith.constant 0 : index
    %get3A_14 = arith.constant 0 : index
    %get3A_15 = vector.load %arg11[%get3A_13, %get3A_14] : memref<32x1280xf32, #tpu.memory_space<vmem>>, vector<32x1280xf32>
    %lt3A = arith.constant 2 : i32
    %lt3A_16 = arith.cmpi slt, %arg0, %lt3A : i32
    %convert_element_type3A_17 = arith.extui %lt3A_16 : i1 to i32
    %cond3A_18 = arith.constant 0 : i32
    %cond3A_19 = arith.cmpi ne, %convert_element_type3A_17, %cond3A_18 : i32
    scf.if %cond3A_19 {
      %mul3A = arith.constant 1280 : i32
      %mul3A_25 = arith.muli %arg1, %mul3A : i32
      %swap3A = arith.constant 0 : index
      %swap3A_26 = arith.index_cast %mul3A_25 : i32 to index
      %swap3A_27 = vector.load %arg8[%swap3A, %swap3A_26] : memref<32x160000xf32, #tpu.memory_space<vmem>>, vector<32x1280xf32>
      tpu.vector_store %arg8[%swap3A, %swap3A_26], %get3A_15 {strides = array<i32>} : memref<32x160000xf32, #tpu.memory_space<vmem>>, vector<32x1280xf32>,
      %get3A_28 = arith.constant 0 : index
      %get3A_29 = arith.constant 0 : index
      %get3A_30 = vector.load %arg9[%get3A_28, %get3A_29] : memref<32x64xf32, #tpu.memory_space<vmem>>, vector<32x64xf32>
      %dot_general3A = arith.constant dense<0.000000e+00> : vector<32x64xf32>
      %dot_general3A_31 = tpu.matmul %get3A_15, %get3A_3, %dot_general3A {dimension_numbers = #tpu.dot_dimension_numbers<[1], [0], [0], [1], [0, 0, 1, 1], [], []>, transpose_lhs_hint = false} : vector<32x1280xf32>, vector<1280x64xf32>, vector<32x64xf32> -> vector<32x64xf32>
      %add3A = arith.addf %get3A_30, %dot_general3A_31 : vector<32x64xf32>
      %swap3A_32 = arith.constant 0 : index
      %swap3A_33 = arith.constant 0 : index
      %swap3A_34 = vector.load %arg9[%swap3A_32, %swap3A_33] : memref<32x64xf32, #tpu.memory_space<vmem>>, vector<32x64xf32>
      tpu.vector_store %arg9[%swap3A_32, %swap3A_33], %add3A {strides = array<i32>} : memref<32x64xf32, #tpu.memory_space<vmem>>, vector<32x64xf32>,
    } else {
    }
    %eq3A_20 = arith.constant 2 : i32
    %eq3A_21 = arith.cmpi eq, %arg0, %eq3A_20 : i32
    %convert_element_type3A_22 = arith.extui %eq3A_21 : i1 to i32
    %cond3A_23 = arith.constant 0 : i32
    %cond3A_24 = arith.cmpi ne, %convert_element_type3A_22, %cond3A_23 : i32
    scf.if %cond3A_24 {
      %transpose3A = tpu.transpose %get3A_15, [1, 0] : vector<32x1280xf32> -> vector<1280x32xf32>
      %swap3A = arith.constant 0 : index
      %swap3A_25 = arith.constant 0 : index
      %swap3A_26 = vector.load %arg7[%swap3A, %swap3A_25] : memref<1280x32xf32, #tpu.memory_space<vmem>>, vector<1280x32xf32>
      tpu.vector_store %arg7[%swap3A, %swap3A_25], %transpose3A {strides = array<i32>} : memref<1280x32xf32, #tpu.memory_space<vmem>>, vector<1280x32xf32>,
    } else {
    }
    return
  }
  func.func @transform_0(%arg0: i32, %arg1: i32) -> (i32, i32) {
    %eq3A = arith.constant 0 : i32
    %eq3A_0 = arith.cmpi eq, %arg0, %eq3A : i32
    %jit3A = arith.constant 0 : i32
    %select_n3A = arith.select %eq3A_0, %arg1, %jit3A : i32
    %c0_i32 = arith.constant 0 : i32
    %c0_i32_1 = arith.constant 0 : i32
    return %select_n3A, %c0_i32 : i32, i32
  }
  func.func @transform_1(%arg0: i32, %arg1: i32) -> (i32, i32) {
    %eq3A = arith.constant 0 : i32
    %eq3A_0 = arith.cmpi eq, %arg0, %eq3A : i32
    %jit3A = arith.constant 0 : i32
    %select_n3A = arith.select %eq3A_0, %arg1, %jit3A : i32
    %c0_i32 = arith.constant 0 : i32
    %c0_i32_1 = arith.constant 0 : i32
    return %select_n3A, %c0_i32 : i32, i32
  }
  func.func @transform_2(%arg0: i32, %arg1: i32) -> (i32, i32, i32) {
    %eq3A = arith.constant 0 : i32
    %eq3A_0 = arith.cmpi eq, %arg0, %eq3A : i32
    %jit3A = arith.constant 0 : i32
    %select_n3A = arith.select %eq3A_0, %arg1, %jit3A : i32
    %c0_i32 = arith.constant 0 : i32
    %c0_i32_1 = arith.constant 0 : i32
    %c0_i32_2 = arith.constant 0 : i32
    return %select_n3A, %c0_i32, %c0_i32_1 : i32, i32, i32
  }
  func.func @transform_3(%arg0: i32, %arg1: i32) -> (i32, i32, i32) {
    %c0_i32 = arith.constant 0 : i32
    %c0_i32_0 = arith.constant 0 : i32
    %c0_i32_1 = arith.constant 0 : i32
    %c0_i32_2 = arith.constant 0 : i32
    return %c0_i32, %c0_i32_0, %c0_i32_1 : i32, i32, i32
  }
  func.func @transform_4(%arg0: i32, %arg1: i32) -> (i32, i32) {
    %c0_i32 = arith.constant 0 : i32
    %c0_i32_0 = arith.constant 0 : i32
    return %arg1, %c0_i32 : i32, i32
  }
  func.func @transform_5(%arg0: i32, %arg1: i32) -> (i32, i32) {
    %eq3A = arith.constant 2 : i32
    %eq3A_0 = arith.cmpi eq, %arg0, %eq3A : i32
    %jit3A = arith.constant 0 : i32
    %select_n3A = arith.select %eq3A_0, %arg1, %jit3A : i32
    %c0_i32 = arith.constant 0 : i32
    %c0_i32_1 = arith.constant 0 : i32
    return %select_n3A, %c0_i32 : i32, i32
  }
}

</mosaic_0001>

<sc_bundles>
// kernel: kernel.5.cloned.1.call-start
scs
__scs_entry_jumppad:
0x0: {  	(pc) =	sbr.rel $0x88, $3  }
0x1: {  	(tag) =	ssettag $0x0;
	lr =	simm.s32 $0x1  }
0x2: {  	[smem:$0x3F9A] =	sst lr;
	_ =	strace $0xD0000000  }
0x3: {  	_ = 	snop  }
0x4: {  	_ = 	snop  }
0x5: {  	_ = 	snop  }
0x6: {  	_ = 	snop  }
0x7: {  	_ = 	snop  }
__scs_overlays_trampoline_lowered:
0x8: {  	[smem:$0x3FA9] =	sst s0  }
0x9: {  	[smem:$0x3FAA] =	sst s1  }
0xa: {  	[smem:$0x3FAB] =	sst s2  }
0xb: {  	[smem:$0x3FAC] =	sst s3  }
0xc: {  	[smem:$0x3FAD] =	sst s4  }
0xd: {  	[smem:$0x3FAE] =	sst s5  }
0xe: {  	[smem:$0x3FAF] =	sst s6  }
0xf: {  	[smem:$0x3FB0] =	sst s7  }
0x10: {  	[smem:$0x3FB1] =	sst s8  }
0x11: {  	[smem:$0x3FB2] =	sst s9;
	s0 =	simm.s32 @!p0 $0x0  }
0x12: {  	s1 =	sld [smem:$0x3F98];
	s0 =	simm.s32 @p0 $0x1  }
0x13: {  	[smem:$0x3FB3] =	sst s0;
	s0 =	simm.s32 @!p1 $0x0  }
0x14: {  	s2 =	sld [smem:$0x3F97];
	s0 =	simm.s32 @p1 $0x1  }
0x15: {  	[smem:$0x3FB4] =	sst s0;
	s0 =	simm.s32 @!p2 $0x0  }
0x16: {  	s3 =	sld [smem:$0x3FDB];
	s0 =	simm.s32 @p2 $0x1  }
0x17: {  	s4 =	simm.s32 $0x1BF5;
	[smem:$0x3FB6] =	sst s0  }
0x18: {  	s0 =	sld [smem:$0x3F99];
	_ =	swait.ge [sflag:s4], $0x0  }
0x19: {  	s7 =	sld [smem:$0x3F9A]  }
0x1a: {  	s8 =	sadd.s32 $0xFFFFE003, lr  }
0x1b: {  	s9 =	sadd.s32 $0xFFFFFEF7, lr;
	s5 =	simm.s32 $0xFFFFFFFF;
	p2 =	slt.u32 s8, $0xFFFFF086  }
0x1c: {  	p1 =	slt.u32 s9, $0xF7A;
	s5 =	simm.s32 @!p2 $0x0  }
0x1d: {  	s5 =	simm.s32 @p1 $0x1;
	p0 =	seq.s32 s7, s2  }
0x1e: {  	s7 =	smul.u32 @!p0 $0xF7A, s2;
	p2 =	seq.s32 @!p0 s5, $0x0  }
0x1f: {  	s9 =	smul.u32 $0xF7A, s1;
	s8 =	simm.s32 @!p0 $0x1BF5;
	p2 =	por !p2, p0  }
0x20: {  	[sflag:s8] =	ssyncset.s32 @!p0 $0xFFFFF086;
	s6 =	sadd.s32 @!p0 s3, s7;
	s7 =	simm.s32 @!p0 $0x108  }
0x21: {  	s3 =	sadd.s32 s3, s9;
	s6 =	sadd.s32 @!p0 $0x88, s6;
	s7 =	simm.s32 @p2 $0x1082  }
0x22: {  	[simem:s7], [sflag:s8] =	dma.local @!p0 [hbm:s6], $0xF7A  }
0x23: {  	s9 =	sor.u32 $0xD0000000, s2;
	s6 =	simm.s32 $0x108;
	_ =	swait.ge @!p0 [sflag:s8], $0x0  }
0x24: {  	s3 =	sadd.s32 $0x88, s3;
	s6 =	simm.s32 @!p1 $0x1082;
	[sflag:s4] =	ssyncset.s32 $0xFFFFF086  }
0x25: {  	[simem:s6], [sflag:s4] =	dma.local [hbm:s3], $0xF7A  }
0x26: {  	[smem:$0x3F9A] =	sst s1;
	(tag) =	ssettag s2;
	_ =	strace s9  }
0x27: {  	s1 =	sld [smem:$0x3FAA]  }
0x28: {  	s2 =	sld [smem:$0x3FAB]  }
0x29: {  	s4 =	sld [smem:$0x3FAD]  }
0x2a: {  	p0 =	seq.s32 s5, $0x0;
	s5 =	sld [smem:$0x3FAE]  }
0x2b: {  	s6 =	sld [smem:$0x3FAF]  }
0x2c: {  	s7 =	sld [smem:$0x3FB0]  }
0x2d: {  	s3 =	simm.s32 $0x108;
	s8 =	sld [smem:$0x3FB1]  }
0x2e: {  	s3 =	simm.s32 @!p0 $0x1082;
	s9 =	sld [smem:$0x3FB2]  }
0x2f: {  	lr =	sadd.s32 s0, s3;
	s0 =	sld [smem:$0x3FA9]  }
0x30: {  	s3 =	sld [smem:$0x3FAC]  }
0x31: {  	[smem:$0x3FB5] =	sst s10  }
0x32: {  	s10 =	sld [smem:$0x3FB3];
	_ =	sdelay $0x3  }
0x33: {  	p0 =	seq.s32 s10, $0x1;
	s10 =	sld [smem:$0x3FB5];
	_ =	sdelay $0x3  }
0x34: {  	[smem:$0x3FB5] =	sst s10  }
0x35: {  	s10 =	sld [smem:$0x3FB4];
	_ =	sdelay $0x3  }
0x36: {  	p1 =	seq.s32 s10, $0x1;
	s10 =	sld [smem:$0x3FB5];
	_ =	sdelay $0x3  }
0x37: {  	[smem:$0x3FB5] =	sst s10  }
0x38: {  	s10 =	sld [smem:$0x3FB6]  }
0x39: {  	_ = 	snop;
	(pc) =	sbr.ind lr, $3  }
0x3a: {  	_ = 	snop  }
0x3b: {  	_ = 	snop  }
0x3c: {  	p2 =	seq.s32 s10, $0x1;
	s10 =	sld [smem:$0x3FB5]  }
0x3d: {  	_ =	shalt  }
0x3e: {  	_ =	shalt  }
0x3f: {  	_ =	shalt  }
0x40: {  	_ =	shalt  }
0x41: {  	_ =	shalt  }
0x42: {  	_ =	shalt  }
0x43: {  	_ =	shalt  }
0x44: {  	_ =	shalt  }
0x45: {  	_ =	shalt  }
0x46: {  	_ =	shalt  }
0x47: {  	_ =	shalt  }
0x48: {  	_ =	shalt  }
0x49: {  	_ =	shalt  }
0x4a: {  	_ =	shalt  }
0x4b: {  	_ =	shalt  }
0x4c: {  	_ =	shalt  }
0x4d: {  	_ =	shalt  }
0x4e: {  	_ =	shalt  }
0x4f: {  	_ =	shalt  }
0x50: {  	_ =	shalt  }
0x51: {  	_ =	shalt  }
0x52: {  	_ =	shalt  }
0x53: {  	_ =	shalt  }
0x54: {  	_ =	shalt  }
0x55: {  	_ =	shalt  }
0x56: {  	_ =	shalt  }
0x57: {  	_ =	shalt  }
0x58: {  	_ =	shalt  }
0x59: {  	_ =	shalt  }
0x5a: {  	_ =	shalt  }
0x5b: {  	_ =	shalt  }
0x5c: {  	_ =	shalt  }
0x5d: {  	_ =	shalt  }
0x5e: {  	_ =	shalt  }
0x5f: {  	_ =	shalt  }
0x60: {  	_ =	shalt  }
0x61: {  	_ =	shalt  }
0x62: {  	_ =	shalt  }
0x63: {  	_ =	shalt  }
0x64: {  	_ =	shalt  }
0x65: {  	_ =	shalt  }
0x66: {  	_ =	shalt  }
0x67: {  	_ =	shalt  }
0x68: {  	_ =	shalt  }
0x69: {  	_ =	shalt  }
0x6a: {  	_ =	shalt  }
0x6b: {  	_ =	shalt  }
0x6c: {  	_ =	shalt  }
0x6d: {  	_ =	shalt  }
0x6e: {  	_ =	shalt  }
0x6f: {  	_ =	shalt  }
0x70: {  	_ =	shalt  }
0x71: {  	_ =	shalt  }
0x72: {  	_ =	shalt  }
0x73: {  	_ =	shalt  }
0x74: {  	_ =	shalt  }
0x75: {  	_ =	shalt  }
0x76: {  	_ =	shalt  }
0x77: {  	_ =	shalt  }
0x78: {  	_ =	shalt  }
0x79: {  	_ =	shalt  }
0x7a: {  	_ =	shalt  }
0x7b: {  	_ =	shalt  }
0x7c: {  	_ =	shalt  }
0x7d: {  	_ =	shalt  }
0x7e: {  	_ =	shalt  }
0x7f: {  	_ =	shalt  }
0x80: {  	_ =	shalt  }
0x81: {  	_ =	shalt  }
0x82: {  	_ =	shalt  }
0x83: {  	_ =	shalt  }
0x84: {  	_ =	shalt  }
0x85: {  	_ =	shalt  }
0x86: {  	_ =	shalt  }
0x87: {  	_ =	shalt  }
.Lfunc_end0:
.L_simem_size_0:
called_computation_lowered:
.L_overlay_start_0:
0x88: {  	s2 =	sld [smem:$0x3FD9]  }
0x89: {  	s3 =	sld [smem:$0x3FFE];
	_ =	sdelay $0x1  }
0x8a: {  	s1 =	srdreg.scid  }
0x8b: {  	s0 =	sand.u32 $0x1, s1  }
0x8c: {  	s17 =	sshll.u32 s0, $0xA;
	s2 =	sadd.s32 s3, s2  }
0x8d: {  	s2 =	sadd.s32 s2, s17  }
0x8e: {  	[smem:$0x3FC1] =	sst s2  }
0x8f: {  	_ = 	snop  }
0x90: {  	s2 =	sld [smem:$0x3FC9]  }
0x91: {  	s18 =	sld [smem:$0x3FC8];
	(tm) =	ssettm $0x1  }
0x92: {  	s4 =	sld [smem:$0x3FFB];
	_ =	sdelay $0x3  }
0x93: {  	_ =	strace s4  }
0x94: {  	s4 =	sld [smem:$0x3FFC];
	_ =	sdelay $0x3  }
0x95: {  	_ =	strace s4  }
0x96: {  	s4 =	sld [smem:$0x3FFD];
	_ =	sdelay $0x3  }
0x97: {  	_ =	strace s4  }
0x98: {  	_ =	strace $0x8FFFFFFF  }
0x99: {  	s19 =	sld [smem:$0x3FDB];
	_ =	sdelay $0x1  }
0x9a: {  	s5 =	simm.s32 $_scs_section_size  }
0x9b: {  	s6 =	simm.s32 $_size__tile_overlayer_lowered;
	s7 =	simm.s32 $_tile_overlayer_lowered  }
0x9c: {  	s22 =	simm.s32 $0x1BFF;
	s21 =	sshll.u32 s7, $0x1;
	s4 =	sadd.s32 s5, s19  }
0x9d: {  	s8 =	simm.s32 $0x0;
	s20 =	sshll.u32 s6, $0x1;
	s6 =	sadd.s32 s21, s4  }
0x9e: {  	[timem:s8], [sflag:s22] =	dma.local [hbm:s6], s20  }
0x9f: {  	_ =	swait.ge [sflag:s22], s20  }
0xa0: {  	s5 =	ssub.s32 $0x0, s20;
	[sflag:s22] =	ssyncset.done $0x0  }
0xa1: {  	[sflag:s22] =	ssyncadd.s32 s5;
	_ =	sdelay $0x1  }
0xa2: {  	s23 =	simm.s32 $0x1B8B  }
0xa3: {  	_ =	swait.ge [sflag:s23], $0x1  }
0xa4: {  	[sflag:s23] =	ssyncset.done $0x0  }
0xa5: {  	s25 =	simm.s32 $0x1B8E;
	s24 =	sld [smem:$0x3FFE];
	[sflag:s23] =	ssyncadd.s32 $0xFFFFFFFF  }
0xa6: {  	s26 =	simm.s32 $execute0_lowered;
	[smem:$0x3FD2] =	sst s25  }
0xa7: {  	s6 =	sshll.u32 s26, $0x1;
	_ =	strace $0x80000046;
	[dreg:$0x1] =	wrdreg $0xFFFFFFFF  }
0xa8: {  	s28 =	simm.s32 $_size_execute0_lowered;
	s4 =	sadd.s32 s4, s6;
	[dreg:$0x0] =	wrdreg $0x0  }
0xa9: {  	s6 =	sshll.u32 s28, $0x1;
	[dreg:$0x2] =	wrdreg s4  }
0xaa: {  	[dreg:$0x3] =	wrdreg s6  }
0xab: {  	[dreg:$0x4] =	wrdreg $0xC0  }
0xac: {  	_ =	task [dreg:s8], $0x5FFFF  }
0xad: {  	[dreg:$0x1] =	wrdreg $0xFFFFFFFF  }
0xae: {  	[dreg:$0x0] =	wrdreg $0x60  }
0xaf: {  	[dreg:$0x2] =	wrdreg s24  }
0xb0: {  	[dreg:$0x3] =	wrdreg s2  }
0xb1: {  	[dreg:$0x4] =	wrdreg s18  }
0xb2: {  	[dreg:$0x5] =	wrdreg $0x0  }
0xb3: {  	[dreg:$0x6] =	wrdreg $0xA0000  }
0xb4: {  	[dreg:$0x7] =	wrdreg $0x9  }
0xb5: {  	_ =	task.clear_ibuf [dreg:s8], $0x8FFFF;
	_ =	strace $0x90000046  }
0xb6: {  	s29 =	simm.s32 $0x9;
	_ =	strace $0x80000048  }
0xb7: {  	_ =	swait.ge [sflag:s29], $0x1  }
0xb8: {  	[sflag:s29] =	ssyncadd.s32 $0xFFFFFFFF  }
0xb9: {  	_ =	strace $0x90000048  }
0xba: {  	_ =	sfence  }
0xbb: {  	s30 =	sld [smem:$0x0];
	_ =	sdelay $0x2  }
0xbc: {  	s31 =	sshll.u32 s1, $0xD;
	s1 =	sshrl.u32 s1, $0x2  }
0xbd: {  	s3 =	sand.u32 $0x4000, s31;
	s1 =	sadd.s32 s1, s30  }
0xbe: {  	s0 =	sor.u32 s3, s0;
	s1 =	sshll.u32 s1, $0x11  }
0xbf: {  	s0 =	sor.u32 s1, s0  }
0xc0: {  	s0 =	sadd.s32 $0x8F2B, s0  }
0xc1: {  	[sflag:s0] =	ssyncadd.remote.s32 $0x1  }
0xc2: {  	_ =	sfence.sel $0xFFFF  }
0xc3: {  	[dreg:$0x0] =	wrdreg $0xFFFFFFFF;
	(pc) =	sbr.abs _section_cstart, $3  }
0xc4: {  	[dreg:$0x1] =	wrdreg $0xFFFFFFFF  }
0xc5: {  	_ =	task.clear_ibuf [dreg:s8], $0x2FFFF;
	_ =	strace $0x9FFFFFFF  }
0xc6: {  	(tm) =	ssettm $0x7FFFFFFF  }
0xc7: {  	_ =	shalt  }
tec
execute0_lowered:
.L_overlay_start_1:
0x0: {  	(tag) =	ssettag $0x1  }
0x1: {  	s0 =	rddreg [dreg:$0x0]  }
0x2: {  	s1 =	rddreg [dreg:$0x1]  }
0x3: {  	s2 =	rddreg [dreg:$0x2]  }
0x4: {  	s3 =	rddreg [dreg:$0x3]  }
0x5: {  	s4 =	rddreg [dreg:$0x4];
	s6 =	simm.s32 $0x0  }
0x6: {  	s5 =	srdreg.scid;
	s15 =	stileid.u32;
	s19 =	simm.s32 $0x4F  }
0x7: {  	[smem:$0x7FF] =	sst s6;
	s5 =	sand.u32 $0x1, s5;
	s8 =	smul.u32 $0x140, s15  }
0x8: {  	s9 =	sadd.s32 $0x2000, s0;
	s11 =	smul.u32 $0x1400, s15;
	s12 =	sadd.s32 $0x16000, s0  }
0x9: {  	s26 =	sshll.u32 s15, $0x7;
	s28 =	smul.u32 $0xA000, s15;
	s18 =	sadd.s32 $0x2A000, s0  }
0xa: {  	p0 =	slt.u32 s15, $0x2;
	_ =	strace $0x80000047;
	s7 =	ssub.s32 $0x2, s5  }
0xb: {  	s5 =	sshll.u32 s5, $0x6;
	s19 =	simm.s32 @!p0 $0x4E;
	s10 =	sshrl.u32 s7, $0x1  }
0xc: {  	s13 =	sadd.s32 s9, s11;
	s14 =	sadd.s32 $0x80, s8;
	s11 =	sadd.s32 s12, s11  }
0xd: {  	s17 =	sor.u32 s5, s26;
	s15 =	sadd.s32 s28, s4;
	[dreg:$0x6] =	wrdreg s13  }
0xe: {  	s7 =	ssub.s32 s7, s10;
	[dreg:$0x7] =	wrdreg s11;
	s22 =	sshll.u32 s14, $0x4  }
0xf: {  	s10 =	sadd.s32 $0x40, s8;
	[dreg:$0x11] =	wrdreg s15;
	s23 =	sadd.s32 s9, s22  }
0x10: {  	s20 =	sshll.u32 s10, $0x4;
	s11 =	sadd.s32 s12, s22;
	[dreg:$0xa] =	wrdreg s23  }
0x11: {  	s5 =	simm.s32 $0x14100;
	s21 =	sadd.s32 s9, s20;
	[dreg:$0xb] =	wrdreg s11  }
0x12: {  	s15 =	simm.s32 $0x1A100;
	s13 =	sadd.s32 s12, s20;
	[dreg:$0x8] =	wrdreg s21  }
0x13: {  	s20 =	sadd.s32 $0x29B000, s0;
	[dreg:$0x9] =	wrdreg s13;
	s13 =	sadd.s32 $0xC0, s8  }
0x14: {  	s8 =	sadd.s32 $0x100, s8;
	s21 =	sshll.u32 s14, $0x7;
	s14 =	simm.s32 $0x18100  }
0x15: {  	s24 =	sshll.u32 s13, $0x4;
	s25 =	sshll.u32 s8, $0x4;
	s23 =	sadd.s32 s21, s3  }
0x16: {  	s26 =	sshll.u32 s8, $0x7;
	s8 =	simm.s32 $0x16100;
	s16 =	sadd.s32 s9, s24  }
0x17: {  	s11 =	sadd.s32 s12, s24;
	s9 =	sadd.s32 s9, s25;
	[dreg:$0x14] =	wrdreg s23  }
0x18: {  	s24 =	sadd.s32 s21, s4;
	s30 =	sadd.s32 s26, s3;
	[dreg:$0xc] =	wrdreg s16  }
0x19: {  	s31 =	sadd.s32 s26, s4;
	s21 =	simm.s32 $0x4;
	[dreg:$0xd] =	wrdreg s11  }
0x1a: {  	[dreg:$0xe] =	wrdreg s9;
	s11 =	sadd.s32 s12, s25;
	s12 =	sadd.s32 s28, s3  }
0x1b: {  	s16 =	sshll.u32 s10, $0x7;
	[dreg:$0x15] =	wrdreg s24;
	s25 =	sshll.u32 s13, $0x7  }
0x1c: {  	s9 =	simm.s32 $0x14000;
	s10 =	simm.s32 $0x14080;
	[dreg:$0xf] =	wrdreg s11  }
0x1d: {  	s13 =	simm.s32 $0x2;
	[dreg:$0x10] =	wrdreg s12;
	s22 =	sadd.s32 s16, s3  }
0x1e: {  	s0 =	sadd.s32 s16, s4;
	s28 =	sadd.s32 s25, s3;
	[dreg:$0x12] =	wrdreg s22  }
0x1f: {  	s29 =	sadd.s32 s25, s4;
	s11 =	simm.s32 $0x40;
	[dreg:$0x13] =	wrdreg s0  }
0x20: {  	s12 =	simm.s32 $0x1;
	s16 =	simm.s32 $0x3;
	[dreg:$0x16] =	wrdreg s28  }
0x21: {  	s0 =	smax.u32 s7, $0x1;
	s7 =	simm.s32 $0x5;
	s22 =	simm.s32 $0x0  }
.LBB2_1:
0x22: {  	s23 =	rddreg [dreg:$0x6]  }
0x23: {  	[tilespmem:s5], [sflag:$0x5] =	stream.linear.gather [hbm4b:s23+s6], $0x2000, $0x38;
	[tilespmem:$0x1C100] =	vst v63  }
0x24: {  	_ =	swait.ge [sflag:s7], $0x2000  }
0x25: {  	[sflag:s7] =	ssyncset.done $0x0  }
0x26: {  	s24 =	rddreg [dreg:$0x10];
	[sflag:s7] =	ssyncadd.s32 $0xFFFFE000  }
0x27: {  	[spmem:s24] =	stream.linear.scatter [tilespmem:s5], [sflag:$0x5], $0x2000, $0x38;
	[tilespmem:$0x1C100] =	vst v63  }
0x28: {  	_ =	swait.ge [sflag:s7], $0x2000  }
0x29: {  	[sflag:s7] =	ssyncset.done $0x0  }
0x2a: {  	s25 =	rddreg [dreg:$0x7];
	[sflag:s7] =	ssyncadd.s32 $0xFFFFE000  }
0x2b: {  	[tilespmem:s8], [sflag:$0x5] =	stream.linear.gather [hbm4b:s25+s6], $0x2000, $0x38;
	[tilespmem:$0x1C100] =	vst v63  }
0x2c: {  	_ =	swait.ge [sflag:s7], $0x2000  }
0x2d: {  	[sflag:s7] =	ssyncset.done $0x0  }
0x2e: {  	s26 =	rddreg [dreg:$0x11];
	[sflag:s7] =	ssyncadd.s32 $0xFFFFE000  }
0x2f: {  	[spmem:s26] =	stream.linear.scatter [tilespmem:s8], [sflag:$0x5], $0x2000, $0x38;
	[tilespmem:$0x1C100] =	vst v63  }
0x30: {  	_ =	swait.ge [sflag:s7], $0x2000  }
0x31: {  	[sflag:s7] =	ssyncset.done $0x0  }
0x32: {  	s28 =	rddreg [dreg:$0x8];
	[sflag:s7] =	ssyncadd.s32 $0xFFFFE000  }
0x33: {  	[tilespmem:s5], [sflag:$0x5] =	stream.linear.gather [hbm4b:s28+s6], $0x2000, $0x38;
	[tilespmem:$0x1C100] =	vst v63  }
0x34: {  	_ =	swait.ge [sflag:s7], $0x2000  }
0x35: {  	[sflag:s7] =	ssyncset.done $0x0  }
0x36: {  	s24 =	rddreg [dreg:$0x12];
	[sflag:s7] =	ssyncadd.s32 $0xFFFFE000  }
0x37: {  	[spmem:s24] =	stream.linear.scatter [tilespmem:s5], [sflag:$0x5], $0x2000, $0x38;
	[tilespmem:$0x1C100] =	vst v63  }
0x38: {  	_ =	swait.ge [sflag:s7], $0x2000  }
0x39: {  	[sflag:s7] =	ssyncset.done $0x0  }
0x3a: {  	s25 =	rddreg [dreg:$0x9];
	[sflag:s7] =	ssyncadd.s32 $0xFFFFE000  }
0x3b: {  	[tilespmem:s8], [sflag:$0x5] =	stream.linear.gather [hbm4b:s25+s6], $0x2000, $0x38;
	[tilespmem:$0x1C100] =	vst v63  }
0x3c: {  	_ =	swait.ge [sflag:s7], $0x2000  }
0x3d: {  	[sflag:s7] =	ssyncset.done $0x0  }
0x3e: {  	s26 =	rddreg [dreg:$0x13];
	[sflag:s7] =	ssyncadd.s32 $0xFFFFE000  }
0x3f: {  	[spmem:s26] =	stream.linear.scatter [tilespmem:s8], [sflag:$0x5], $0x2000, $0x38;
	[tilespmem:$0x1C100] =	vst v63  }
0x40: {  	_ =	swait.ge [sflag:s7], $0x2000  }
0x41: {  	[sflag:s7] =	ssyncset.done $0x0  }
0x42: {  	s28 =	rddreg [dreg:$0xa];
	[sflag:s7] =	ssyncadd.s32 $0xFFFFE000  }
0x43: {  	[tilespmem:s5], [sflag:$0x5] =	stream.linear.gather [hbm4b:s28+s6], $0x2000, $0x38;
	[tilespmem:$0x1C100] =	vst v63  }
0x44: {  	_ =	swait.ge [sflag:s7], $0x2000  }
0x45: {  	[sflag:s7] =	ssyncset.done $0x0  }
0x46: {  	s24 =	rddreg [dreg:$0x14];
	[sflag:s7] =	ssyncadd.s32 $0xFFFFE000  }
0x47: {  	[spmem:s24] =	stream.linear.scatter [tilespmem:s5], [sflag:$0x5], $0x2000, $0x38;
	[tilespmem:$0x1C100] =	vst v63  }
0x48: {  	_ =	swait.ge [sflag:s7], $0x2000  }
0x49: {  	[sflag:s7] =	ssyncset.done $0x0  }
0x4a: {  	s25 =	rddreg [dreg:$0xb];
	[sflag:s7] =	ssyncadd.s32 $0xFFFFE000  }
0x4b: {  	[tilespmem:s8], [sflag:$0x5] =	stream.linear.gather [hbm4b:s25+s6], $0x2000, $0x38;
	[tilespmem:$0x1C100] =	vst v63  }
0x4c: {  	_ =	swait.ge [sflag:s7], $0x2000  }
0x4d: {  	[sflag:s7] =	ssyncset.done $0x0  }
0x4e: {  	s26 =	rddreg [dreg:$0x15];
	[sflag:s7] =	ssyncadd.s32 $0xFFFFE000  }
0x4f: {  	[spmem:s26] =	stream.linear.scatter [tilespmem:s8], [sflag:$0x5], $0x2000, $0x38;
	[tilespmem:$0x1C100] =	vst v63  }
0x50: {  	_ =	swait.ge [sflag:s7], $0x2000  }
0x51: {  	[sflag:s7] =	ssyncset.done $0x0  }
0x52: {  	s28 =	rddreg [dreg:$0xc];
	[sflag:s7] =	ssyncadd.s32 $0xFFFFE000  }
0x53: {  	[tilespmem:s5], [sflag:$0x5] =	stream.linear.gather [hbm4b:s28+s6], $0x2000, $0x38;
	[tilespmem:$0x1C100] =	vst v63  }
0x54: {  	_ =	swait.ge [sflag:s7], $0x2000  }
0x55: {  	[sflag:s7] =	ssyncset.done $0x0  }
0x56: {  	s24 =	rddreg [dreg:$0x16];
	[sflag:s7] =	ssyncadd.s32 $0xFFFFE000  }
0x57: {  	[spmem:s24] =	stream.linear.scatter [tilespmem:s5], [sflag:$0x5], $0x2000, $0x38;
	[tilespmem:$0x1C100] =	vst v63  }
0x58: {  	_ =	swait.ge [sflag:s7], $0x2000  }
0x59: {  	[sflag:s7] =	ssyncset.done $0x0  }
0x5a: {  	s25 =	rddreg [dreg:$0xd];
	[sflag:s7] =	ssyncadd.s32 $0xFFFFE000  }
0x5b: {  	[tilespmem:s8], [sflag:$0x5] =	stream.linear.gather [hbm4b:s25+s6], $0x2000, $0x38;
	[tilespmem:$0x1C100] =	vst v63  }
0x5c: {  	_ =	swait.ge [sflag:s7], $0x2000  }
0x5d: {  	[sflag:s7] =	ssyncset.done $0x0  }
0x5e: {  	[sflag:s7] =	ssyncadd.s32 $0xFFFFE000  }
0x5f: {  	[spmem:s29] =	stream.linear.scatter [tilespmem:s8], [sflag:$0x5], $0x2000, $0x38;
	[tilespmem:$0x1C100] =	vst v63  }
0x60: {  	_ =	swait.ge [sflag:s7], $0x2000  }
0x61: {  	[sflag:s7] =	ssyncset.done $0x0  }
0x62: {  	s26 =	rddreg [dreg:$0xe];
	[sflag:s7] =	ssyncadd.s32 $0xFFFFE000  }
0x63: {  	[tilespmem:s5], [sflag:$0x5] =	stream.linear.gather [hbm4b:s26+s6], $0x2000, $0x38;
	[tilespmem:$0x1C100] =	vst v63  }
0x64: {  	_ =	swait.ge [sflag:s7], $0x2000  }
0x65: {  	[sflag:s7] =	ssyncset.done $0x0  }
0x66: {  	[sflag:s7] =	ssyncadd.s32 $0xFFFFE000  }
0x67: {  	[spmem:s30] =	stream.linear.scatter [tilespmem:s5], [sflag:$0x5], $0x2000, $0x38;
	[tilespmem:$0x1C100] =	vst v63  }
0x68: {  	_ =	swait.ge [sflag:s7], $0x2000  }
0x69: {  	[sflag:s7] =	ssyncset.done $0x0  }
0x6a: {  	s28 =	rddreg [dreg:$0xf];
	[sflag:s7] =	ssyncadd.s32 $0xFFFFE000  }
0x6b: {  	[tilespmem:s8], [sflag:$0x5] =	stream.linear.gather [hbm4b:s28+s6], $0x2000, $0x38;
	[tilespmem:$0x1C100] =	vst v63  }
0x6c: {  	_ =	swait.ge [sflag:s7], $0x2000  }
0x6d: {  	[sflag:s7] =	ssyncset.done $0x0  }
0x6e: {  	[sflag:s7] =	ssyncadd.s32 $0xFFFFE000  }
0x6f: {  	[spmem:s31] =	stream.linear.scatter [tilespmem:s8], [sflag:$0x5], $0x2000, $0x38;
	[tilespmem:$0x1C100] =	vst v63  }
0x70: {  	_ =	swait.ge [sflag:s7], $0x2000  }
0x71: {  	[sflag:s7] =	ssyncset.done $0x0  }
0x72: {  	[sflag:s7] =	ssyncadd.s32 $0xFFFFE000  }
0x73: {  	s23 =	simm.s32 $0x0;
	[bflag:$0x0] =	sbarrier.arrive $0xFFFF  }
.LBB2_2:
0x74: {  	s24 =	sshll.u32 s23, $0xB  }
0x75: {  	s24 =	sor.u32 s17, s24  }
0x76: {  	s25 =	sshrl.u32 s24, $0x3  }
0x77: {  	s26 =	sadd.s32 s1, s25  }
0x78: {  	[tilespmem:s9], [sflag:$0x5] =	stream.linear.gather [hbm4b:s26+s6], $0x40, $0x38;
	[tilespmem:$0x1C100] =	vst v63  }
0x79: {  	_ =	swait.ge [sflag:s7], $0x40  }
0x7a: {  	[sflag:s7] =	ssyncset.done $0x0  }
0x7b: {  	s25 =	sadd.s32 s2, s25;
	[sflag:s7] =	ssyncadd.s32 $0xFFFFFFC0  }
0x7c: {  	[tilespmem:s10], [sflag:$0x5] =	stream.linear.gather [hbm4b:s25+s6], $0x40, $0x38;
	[tilespmem:$0x1C100] =	vst v63  }
0x7d: {  	_ =	swait.ge [sflag:s7], $0x40  }
0x7e: {  	[sflag:s7] =	ssyncset.done $0x0  }
0x7f: {  	[sflag:s7] =	ssyncadd.s32 $0xFFFFFFC0  }
0x80: {  	[tilespmem:s5], [sflag:$0x1] =	stream.indirect.gather [spmem:s3], $0x80, s9, s11, $0xb8;
	[tilespmem:$0x1C100] =	vst v63  }
0x81: {  	_ = 	snop  }
0x82: {  	[tilespmem:s8], [sflag:$0x2] =	stream.indirect.gather [spmem:s4], $0x80, s10, s11, $0xb8;
	[tilespmem:$0x1C100] =	vst v63  }
0x83: {  	_ =	swait.ge [sflag:s12], $0x2000  }
0x84: {  	[sflag:s12] =	ssyncset.done $0x0  }
0x85: {  	[sflag:s12] =	ssyncadd.s32 $0xFFFFE000  }
0x86: {  	_ =	swait.ge [sflag:s13], $0x2000  }
0x87: {  	p0 =	seq.s32 s23, $0x0;
	[sflag:s13] =	ssyncset.done $0x0  }
0x88: {  	s25 =	simm.s32 @!p0 $0x3;
	[sflag:s13] =	ssyncadd.s32 $0xFFFFE000  }
0x89: {  	_ =	swait.ge @!p0 [sflag:s25], $0x2000  }
0x8a: {  	[sflag:s25] =	ssyncset.done @!p0 $0x0  }
0x8b: {  	[sflag:s25] =	ssyncadd.s32 @!p0 $0xFFFFE000;
	s25 =	simm.s32 @!p0 $0x4  }
0x8c: {  	_ =	swait.ge @!p0 [sflag:s25], $0x2000  }
0x8d: {  	[sflag:s25] =	ssyncset.done @!p0 $0x0  }
0x8e: {  	[sflag:s25] =	ssyncadd.s32 @!p0 $0xFFFFE000;
	s25 =	simm.s32 $0x0  }
0x8f: {  	v0 =	vld [tilespmem:s25+$0x16290]  }
0x90: {  	v1 =	vld [tilespmem:s25+$0x14100]  }
0x91: {  	v2 =	vld [tilespmem:s25+$0x14110]  }
0x92: {  	v3 =	vld [tilespmem:s25+$0x16100]  }
0x93: {  	v4 =	vld [tilespmem:s25+$0x16110]  }
0x94: {  	v5 =	vld [tilespmem:s25+$0x14180];
	[tilespmem:s25+$0x1A290] =	vst v0  }
0x95: {  	[tilespmem:s25+$0x18100] =	vst v1;
	v0 =	vld [tilespmem:s25+$0x14190]  }
0x96: {  	[tilespmem:s25+$0x18110] =	vst v2;
	v1 =	vld [tilespmem:s25+$0x16180]  }
0x97: {  	[tilespmem:s25+$0x1A100] =	vst v3;
	v2 =	vld [tilespmem:s25+$0x16190]  }
0x98: {  	[tilespmem:s25+$0x1A110] =	vst v4;
	v3 =	vld [tilespmem:s25+$0x14200]  }
0x99: {  	[tilespmem:s25+$0x18180] =	vst v5;
	v4 =	vld [tilespmem:s25+$0x14210]  }
0x9a: {  	[tilespmem:s25+$0x18190] =	vst v0;
	v0 =	vld [tilespmem:s25+$0x16200]  }
0x9b: {  	[tilespmem:s25+$0x1A180] =	vst v1;
	v1 =	vld [tilespmem:s25+$0x16210]  }
0x9c: {  	[tilespmem:s25+$0x1A190] =	vst v2;
	v2 =	vld [tilespmem:s25+$0x14280]  }
0x9d: {  	[tilespmem:s25+$0x18200] =	vst v3;
	v3 =	vld [tilespmem:s25+$0x14290]  }
0x9e: {  	s28 =	simm.s32 $0x1000;
	s26 =	simm.s32 $0x200;
	[tilespmem:s25+$0x18210] =	vst v4;
	v4 =	vld [tilespmem:s25+$0x16280]  }
.LBB2_3:
0x9f: {  	p0 =	sne.s32 s28, $0x7800;
	v5 =	vld [tilespmem:s26+$0x16290];
	[tilespmem:s25+$0x1A200] =	vst v0  }
0xa0: {  	v0 =	vld [tilespmem:s26+$0x14100];
	[tilespmem:s25+$0x1A210] =	vst v1  }
0xa1: {  	v1 =	vld [tilespmem:s26+$0x14110];
	[tilespmem:s25+$0x18280] =	vst v2  }
0xa2: {  	v2 =	vld [tilespmem:s26+$0x16100];
	[tilespmem:s25+$0x18290] =	vst v3  }
0xa3: {  	v3 =	vld [tilespmem:s26+$0x16110];
	[tilespmem:s25+$0x1A280] =	vst v4;
	s25 =	smov.u32 s26  }
0xa4: {  	v4 =	vld [tilespmem:s25+$0x14180];
	[tilespmem:s25+$0x1A290] =	vst v5  }
0xa5: {  	[tilespmem:s25+$0x18100] =	vst v0;
	v0 =	vld [tilespmem:s25+$0x14190]  }
0xa6: {  	[tilespmem:s25+$0x18110] =	vst v1;
	v1 =	vld [tilespmem:s25+$0x16180]  }
0xa7: {  	[tilespmem:s25+$0x1A100] =	vst v2;
	v2 =	vld [tilespmem:s25+$0x16190]  }
0xa8: {  	[tilespmem:s25+$0x1A110] =	vst v3;
	v3 =	vld [tilespmem:s25+$0x14200]  }
0xa9: {  	[tilespmem:s25+$0x18180] =	vst v4;
	v4 =	vld [tilespmem:s25+$0x14210]  }
.Ltmp0:
0xaa: {  	[tilespmem:s25+$0x18190] =	vst v0;
	v0 =	vld [tilespmem:s25+$0x16200];
	(pc) =	sbr.rel @p0 .LBB2_3-.Ltmp0, $4  }
0xab: {  	[tilespmem:s25+$0x1A180] =	vst v1;
	v1 =	vld [tilespmem:s25+$0x16210]  }
0xac: {  	[tilespmem:s25+$0x1A190] =	vst v2;
	v2 =	vld [tilespmem:s25+$0x14280]  }
0xad: {  	[tilespmem:s25+$0x18200] =	vst v3;
	v3 =	vld [tilespmem:s25+$0x14290]  }
0xae: {  	s26 =	sshra.s32 s28, $0x2;
	s28 =	sadd.s32 $0x800, s28;
	[tilespmem:s25+$0x18210] =	vst v4;
	v4 =	vld [tilespmem:s25+$0x16280]  }
0xaf: {  	v5 =	vld [tilespmem:s26+$0x16290];
	[tilespmem:s25+$0x1A200] =	vst v0  }
0xb0: {  	v0 =	vld [tilespmem:s26+$0x14100];
	[tilespmem:s25+$0x1A210] =	vst v1  }
0xb1: {  	v1 =	vld [tilespmem:s26+$0x14110];
	[tilespmem:s25+$0x18280] =	vst v2  }
0xb2: {  	v2 =	vld [tilespmem:s26+$0x16100];
	[tilespmem:s25+$0x18290] =	vst v3  }
0xb3: {  	v3 =	vld [tilespmem:s26+$0x16110];
	[tilespmem:s25+$0x1A280] =	vst v4  }
0xb4: {  	v4 =	vld [tilespmem:s26+$0x14180];
	[tilespmem:s26+$0x1A290] =	vst v5  }
0xb5: {  	v54 =	vld [tilespmem:s26+$0x14190];
	[tilespmem:s26+$0x18100] =	vst v0  }
0xb6: {  	v55 =	vld [tilespmem:s26+$0x16180];
	[tilespmem:s26+$0x18110] =	vst v1  }
0xb7: {  	v56 =	vld [tilespmem:s26+$0x16190];
	[tilespmem:s26+$0x1A100] =	vst v2  }
0xb8: {  	v57 =	vld [tilespmem:s26+$0x14200];
	[tilespmem:s26+$0x1A110] =	vst v3  }
0xb9: {  	v58 =	vld [tilespmem:s26+$0x14210];
	[tilespmem:s26+$0x18180] =	vst v4  }
0xba: {  	v59 =	vld [tilespmem:s26+$0x16200];
	[tilespmem:s26+$0x18190] =	vst v54  }
0xbb: {  	v60 =	vld [tilespmem:s26+$0x16210];
	[tilespmem:s26+$0x1A180] =	vst v55  }
0xbc: {  	v61 =	vld [tilespmem:s26+$0x14280];
	[tilespmem:s26+$0x1A190] =	vst v56  }
0xbd: {  	v62 =	vld [tilespmem:s26+$0x14290];
	[tilespmem:s26+$0x18200] =	vst v57  }
0xbe: {  	v63 =	vld [tilespmem:s26+$0x16280];
	[tilespmem:s26+$0x18210] =	vst v58  }
0xbf: {  	[tilespmem:s26+$0x1A200] =	vst v59  }
0xc0: {  	s23 =	sadd.s32 $0x1, s23;
	[tilespmem:s26+$0x1A210] =	vst v60  }
0xc1: {  	p0 =	sne.s32 s23, s19;
	[tilespmem:s26+$0x18280] =	vst v61  }
.Ltmp1:
0xc2: {  	s24 =	sshll.u32 s24, $0x4;
	[tilespmem:s26+$0x18290] =	vst v62;
	(pc) =	sbr.rel @p0 .LBB2_2-.Ltmp1, $4  }
0xc3: {  	s28 =	sadd.s32 s18, s24;
	[tilespmem:s26+$0x1A280] =	vst v63  }
0xc4: {  	[hbm4b:s28+s6] =	stream.linear.scatter [tilespmem:s14], [sflag:$0x3], $0x2000, $0x38;
	[tilespmem:$0x1C100] =	vst v63  }
0xc5: {  	s24 =	sadd.s32 s20, s24  }
0xc6: {  	[hbm4b:s24+s6] =	stream.linear.scatter [tilespmem:s15], [sflag:$0x4], $0x2000, $0x38;
	[tilespmem:$0x1C100] =	vst v63  }
0xc7: {  	s22 =	sadd.s32 $0x1, s22  }
0xc8: {  	_ =	swait.ge [sflag:s16], $0x2000;
	p0 =	sne.s32 s22, s0  }
.Ltmp2:
0xc9: {  	[sflag:s16] =	ssyncset.done $0x0;
	(pc) =	sbr.rel @p0 .LBB2_1-.Ltmp2, $4  }
0xca: {  	[sflag:s16] =	ssyncadd.s32 $0xFFFFE000  }
0xcb: {  	_ =	swait.ge [sflag:s21], $0x2000  }
0xcc: {  	[sflag:s21] =	ssyncset.done $0x0  }
0xcd: {  	[sflag:s21] =	ssyncadd.s32 $0xFFFFE000  }
0xce: {  	_ =	sfence.sel $0x180000  }
0xcf: {  	[bflag:$0x0] =	sbarrier.arrive $0xFFFF  }
0xd0: {  	_ =	strace $0x90000047  }
0xd1: {  	s0 =	stileid.u32;
	[bflag:$0x2] =	sbarrier.arrive $0xFFFF  }
0xd2: {  	p0 =	sne.s32 s0, $0x0;
	s0 =	rddreg [dreg:$0x5]  }
0xd3: {  	s0 =	sadd.s32 @!p0 $0x100000, s0  }
0xd4: {  	[sflag:s0] =	ssyncadd.tile.s32 @!p0 $0x1;
	_ =	shalt  }
.Lfunc_end2:
_tile_overlayer_lowered:
.L_overlay_start_2:
0xd5: {  	(tag) =	ssettag $0x2  }
0xd6: {  	s0 =	rddreg [dreg:$0x0];
	s2 =	stileid.u32  }
0xd7: {  	s1 =	rddreg [dreg:$0x1];
	p0 =	sne.s32 s2, $0x0  }
0xd8: {  	s3 =	rddreg [dreg:$0x2];
	[bflag:$0x3] =	sbarrier.arrive $0xFFFF;
	s2 =	simm.s32 @!p0 $0x1C05  }
0xd9: {  	[timem:s3], [sflag:s2] =	dma.local @!p0 [hbm:s0], s1  }
0xda: {  	s0 =	simm.s32 @!p0 $0x5  }
0xdb: {  	_ =	swait.ge @!p0 [sflag:s0], s1  }
0xdc: {  	s1 =	ssub.s32 @!p0 $0x0, s1;
	[sflag:s0] =	ssyncset.done @!p0 $0x0  }
0xdd: {  	[sflag:s0] =	ssyncadd.s32 @!p0 s1  }
0xde: {  	[bflag:$0x3] =	sbarrier.arrive $0xFFFF  }
0xdf: {  	_ =	shalt  }

// kernel: kernel.8.cloned.1.call-start
scs
__scs_entry_jumppad:
0x0: {  	(pc) =	sbr.rel $0x88, $3  }
0x1: {  	(tag) =	ssettag $0x0;
	lr =	simm.s32 $0x1  }
0x2: {  	[smem:$0x3F9A] =	sst lr;
	_ =	strace $0xD0000000  }
0x3: {  	_ = 	snop  }
0x4: {  	_ = 	snop  }
0x5: {  	_ = 	snop  }
0x6: {  	_ = 	snop  }
0x7: {  	_ = 	snop  }
__scs_overlays_trampoline_lowered:
0x8: {  	[smem:$0x3FA9] =	sst s0  }
0x9: {  	[smem:$0x3FAA] =	sst s1  }
0xa: {  	[smem:$0x3FAB] =	sst s2  }
0xb: {  	[smem:$0x3FAC] =	sst s3  }
0xc: {  	[smem:$0x3FAD] =	sst s4  }
0xd: {  	[smem:$0x3FAE] =	sst s5  }
0xe: {  	[smem:$0x3FAF] =	sst s6  }
0xf: {  	[smem:$0x3FB0] =	sst s7  }
0x10: {  	[smem:$0x3FB1] =	sst s8  }
0x11: {  	[smem:$0x3FB2] =	sst s9;
	s0 =	simm.s32 @!p0 $0x0  }
0x12: {  	s1 =	sld [smem:$0x3F98];
	s0 =	simm.s32 @p0 $0x1  }
0x13: {  	[smem:$0x3FB3] =	sst s0;
	s0 =	simm.s32 @!p1 $0x0  }
0x14: {  	s2 =	sld [smem:$0x3F97];
	s0 =	simm.s32 @p1 $0x1  }
0x15: {  	[smem:$0x3FB4] =	sst s0;
	s0 =	simm.s32 @!p2 $0x0  }
0x16: {  	s3 =	sld [smem:$0x3FDB];
	s0 =	simm.s32 @p2 $0x1  }
0x17: {  	s4 =	simm.s32 $0x1BF5;
	[smem:$0x3FB6] =	sst s0  }
0x18: {  	s0 =	sld [smem:$0x3F99];
	_ =	swait.ge [sflag:s4], $0x0  }
0x19: {  	s7 =	sld [smem:$0x3F9A]  }
0x1a: {  	s8 =	sadd.s32 $0xFFFFE003, lr  }
0x1b: {  	s9 =	sadd.s32 $0xFFFFFEF7, lr;
	s5 =	simm.s32 $0xFFFFFFFF;
	p2 =	slt.u32 s8, $0xFFFFF086  }
0x1c: {  	p1 =	slt.u32 s9, $0xF7A;
	s5 =	simm.s32 @!p2 $0x0  }
0x1d: {  	s5 =	simm.s32 @p1 $0x1;
	p0 =	seq.s32 s7, s2  }
0x1e: {  	s7 =	smul.u32 @!p0 $0xF7A, s2;
	p2 =	seq.s32 @!p0 s5, $0x0  }
0x1f: {  	s9 =	smul.u32 $0xF7A, s1;
	s8 =	simm.s32 @!p0 $0x1BF5;
	p2 =	por !p2, p0  }
0x20: {  	[sflag:s8] =	ssyncset.s32 @!p0 $0xFFFFF086;
	s6 =	sadd.s32 @!p0 s3, s7;
	s7 =	simm.s32 @!p0 $0x108  }
0x21: {  	s3 =	sadd.s32 s3, s9;
	s6 =	sadd.s32 @!p0 $0x88, s6;
	s7 =	simm.s32 @p2 $0x1082  }
0x22: {  	[simem:s7], [sflag:s8] =	dma.local @!p0 [hbm:s6], $0xF7A  }
0x23: {  	s9 =	sor.u32 $0xD0000000, s2;
	s6 =	simm.s32 $0x108;
	_ =	swait.ge @!p0 [sflag:s8], $0x0  }
0x24: {  	s3 =	sadd.s32 $0x88, s3;
	s6 =	simm.s32 @!p1 $0x1082;
	[sflag:s4] =	ssyncset.s32 $0xFFFFF086  }
0x25: {  	[simem:s6], [sflag:s4] =	dma.local [hbm:s3], $0xF7A  }
0x26: {  	[smem:$0x3F9A] =	sst s1;
	(tag) =	ssettag s2;
	_ =	strace s9  }
0x27: {  	s1 =	sld [smem:$0x3FAA]  }
0x28: {  	s2 =	sld [smem:$0x3FAB]  }
0x29: {  	s4 =	sld [smem:$0x3FAD]  }
0x2a: {  	p0 =	seq.s32 s5, $0x0;
	s5 =	sld [smem:$0x3FAE]  }
0x2b: {  	s6 =	sld [smem:$0x3FAF]  }
0x2c: {  	s7 =	sld [smem:$0x3FB0]  }
0x2d: {  	s3 =	simm.s32 $0x108;
	s8 =	sld [smem:$0x3FB1]  }
0x2e: {  	s3 =	simm.s32 @!p0 $0x1082;
	s9 =	sld [smem:$0x3FB2]  }
0x2f: {  	lr =	sadd.s32 s0, s3;
	s0 =	sld [smem:$0x3FA9]  }
0x30: {  	s3 =	sld [smem:$0x3FAC]  }
0x31: {  	[smem:$0x3FB5] =	sst s10  }
0x32: {  	s10 =	sld [smem:$0x3FB3];
	_ =	sdelay $0x3  }
0x33: {  	p0 =	seq.s32 s10, $0x1;
	s10 =	sld [smem:$0x3FB5];
	_ =	sdelay $0x3  }
0x34: {  	[smem:$0x3FB5] =	sst s10  }
0x35: {  	s10 =	sld [smem:$0x3FB4];
	_ =	sdelay $0x3  }
0x36: {  	p1 =	seq.s32 s10, $0x1;
	s10 =	sld [smem:$0x3FB5];
	_ =	sdelay $0x3  }
0x37: {  	[smem:$0x3FB5] =	sst s10  }
0x38: {  	s10 =	sld [smem:$0x3FB6]  }
0x39: {  	_ = 	snop;
	(pc) =	sbr.ind lr, $3  }
0x3a: {  	_ = 	snop  }
0x3b: {  	_ = 	snop  }
0x3c: {  	p2 =	seq.s32 s10, $0x1;
	s10 =	sld [smem:$0x3FB5]  }
0x3d: {  	_ =	shalt  }
0x3e: {  	_ =	shalt  }
0x3f: {  	_ =	shalt  }
0x40: {  	_ =	shalt  }
0x41: {  	_ =	shalt  }
0x42: {  	_ =	shalt  }
0x43: {  	_ =	shalt  }
0x44: {  	_ =	shalt  }
0x45: {  	_ =	shalt  }
0x46: {  	_ =	shalt  }
0x47: {  	_ =	shalt  }
0x48: {  	_ =	shalt  }
0x49: {  	_ =	shalt  }
0x4a: {  	_ =	shalt  }
0x4b: {  	_ =	shalt  }
0x4c: {  	_ =	shalt  }
0x4d: {  	_ =	shalt  }
0x4e: {  	_ =	shalt  }
0x4f: {  	_ =	shalt  }
0x50: {  	_ =	shalt  }
0x51: {  	_ =	shalt  }
0x52: {  	_ =	shalt  }
0x53: {  	_ =	shalt  }
0x54: {  	_ =	shalt  }
0x55: {  	_ =	shalt  }
0x56: {  	_ =	shalt  }
0x57: {  	_ =	shalt  }
0x58: {  	_ =	shalt  }
0x59: {  	_ =	shalt  }
0x5a: {  	_ =	shalt  }
0x5b: {  	_ =	shalt  }
0x5c: {  	_ =	shalt  }
0x5d: {  	_ =	shalt  }
0x5e: {  	_ =	shalt  }
0x5f: {  	_ =	shalt  }
0x60: {  	_ =	shalt  }
0x61: {  	_ =	shalt  }
0x62: {  	_ =	shalt  }
0x63: {  	_ =	shalt  }
0x64: {  	_ =	shalt  }
0x65: {  	_ =	shalt  }
0x66: {  	_ =	shalt  }
0x67: {  	_ =	shalt  }
0x68: {  	_ =	shalt  }
0x69: {  	_ =	shalt  }
0x6a: {  	_ =	shalt  }
0x6b: {  	_ =	shalt  }
0x6c: {  	_ =	shalt  }
0x6d: {  	_ =	shalt  }
0x6e: {  	_ =	shalt  }
0x6f: {  	_ =	shalt  }
0x70: {  	_ =	shalt  }
0x71: {  	_ =	shalt  }
0x72: {  	_ =	shalt  }
0x73: {  	_ =	shalt  }
0x74: {  	_ =	shalt  }
0x75: {  	_ =	shalt  }
0x76: {  	_ =	shalt  }
0x77: {  	_ =	shalt  }
0x78: {  	_ =	shalt  }
0x79: {  	_ =	shalt  }
0x7a: {  	_ =	shalt  }
0x7b: {  	_ =	shalt  }
0x7c: {  	_ =	shalt  }
0x7d: {  	_ =	shalt  }
0x7e: {  	_ =	shalt  }
0x7f: {  	_ =	shalt  }
0x80: {  	_ =	shalt  }
0x81: {  	_ =	shalt  }
0x82: {  	_ =	shalt  }
0x83: {  	_ =	shalt  }
0x84: {  	_ =	shalt  }
0x85: {  	_ =	shalt  }
0x86: {  	_ =	shalt  }
0x87: {  	_ =	shalt  }
.Lfunc_end0:
.L_simem_size_0:
called_computation.1_lowered:
.L_overlay_start_0:
0x88: {  	s2 =	sld [smem:$0x3FD9]  }
0x89: {  	s3 =	sld [smem:$0x3FFE];
	_ =	sdelay $0x1  }
0x8a: {  	s1 =	srdreg.scid  }
0x8b: {  	s0 =	sand.u32 $0x1, s1  }
0x8c: {  	s17 =	sshll.u32 s0, $0xA;
	s2 =	sadd.s32 s3, s2  }
0x8d: {  	s2 =	sadd.s32 s2, s17  }
0x8e: {  	[smem:$0x3FC1] =	sst s2  }
0x8f: {  	_ = 	snop  }
0x90: {  	s2 =	sld [smem:$0x3FC9]  }
0x91: {  	s18 =	sld [smem:$0x3FC8];
	(tm) =	ssettm $0x1  }
0x92: {  	s4 =	sld [smem:$0x3FFB];
	_ =	sdelay $0x3  }
0x93: {  	_ =	strace s4  }
0x94: {  	s4 =	sld [smem:$0x3FFC];
	_ =	sdelay $0x3  }
0x95: {  	_ =	strace s4  }
0x96: {  	s4 =	sld [smem:$0x3FFD];
	_ =	sdelay $0x3  }
0x97: {  	_ =	strace s4  }
0x98: {  	_ =	strace $0x8FFFFFFF  }
0x99: {  	s19 =	sld [smem:$0x3FDB];
	_ =	sdelay $0x1  }
0x9a: {  	s5 =	simm.s32 $_scs_section_size  }
0x9b: {  	s6 =	simm.s32 $_size__tile_overlayer_lowered;
	s7 =	simm.s32 $_tile_overlayer_lowered  }
0x9c: {  	s22 =	simm.s32 $0x1BFF;
	s21 =	sshll.u32 s7, $0x1;
	s4 =	sadd.s32 s5, s19  }
0x9d: {  	s8 =	simm.s32 $0x0;
	s20 =	sshll.u32 s6, $0x1;
	s6 =	sadd.s32 s21, s4  }
0x9e: {  	[timem:s8], [sflag:s22] =	dma.local [hbm:s6], s20  }
0x9f: {  	_ =	swait.ge [sflag:s22], s20  }
0xa0: {  	s5 =	ssub.s32 $0x0, s20;
	[sflag:s22] =	ssyncset.done $0x0  }
0xa1: {  	[sflag:s22] =	ssyncadd.s32 s5;
	_ =	sdelay $0x1  }
0xa2: {  	s23 =	simm.s32 $0x1B8B  }
0xa3: {  	_ =	swait.ge [sflag:s23], $0x1  }
0xa4: {  	[sflag:s23] =	ssyncset.done $0x0  }
0xa5: {  	s25 =	simm.s32 $0x1B8E;
	s24 =	sld [smem:$0x3FFE];
	[sflag:s23] =	ssyncadd.s32 $0xFFFFFFFF  }
0xa6: {  	s26 =	simm.s32 $execute0_lowered;
	[smem:$0x3FD2] =	sst s25  }
0xa7: {  	s6 =	sshll.u32 s26, $0x1;
	_ =	strace $0x80000049;
	[dreg:$0x1] =	wrdreg $0xFFFFFFFF  }
0xa8: {  	s28 =	simm.s32 $_size_execute0_lowered;
	s4 =	sadd.s32 s4, s6;
	[dreg:$0x0] =	wrdreg $0x0  }
0xa9: {  	s6 =	sshll.u32 s28, $0x1;
	[dreg:$0x2] =	wrdreg s4  }
0xaa: {  	[dreg:$0x3] =	wrdreg s6  }
0xab: {  	[dreg:$0x4] =	wrdreg $0xC0  }
0xac: {  	_ =	task [dreg:s8], $0x5FFFF  }
0xad: {  	[dreg:$0x1] =	wrdreg $0xFFFFFFFF  }
0xae: {  	[dreg:$0x0] =	wrdreg $0x60  }
0xaf: {  	[dreg:$0x2] =	wrdreg s24  }
0xb0: {  	[dreg:$0x3] =	wrdreg s2  }
0xb1: {  	[dreg:$0x4] =	wrdreg s18  }
0xb2: {  	[dreg:$0x5] =	wrdreg $0x81000  }
0xb3: {  	[dreg:$0x6] =	wrdreg $0x121000  }
0xb4: {  	[dreg:$0x7] =	wrdreg $0x9  }
0xb5: {  	_ =	task.clear_ibuf [dreg:s8], $0x8FFFF;
	_ =	strace $0x90000049  }
0xb6: {  	s29 =	simm.s32 $0x9;
	_ =	strace $0x8000004B  }
0xb7: {  	_ =	swait.ge [sflag:s29], $0x1  }
0xb8: {  	[sflag:s29] =	ssyncadd.s32 $0xFFFFFFFF  }
0xb9: {  	_ =	strace $0x9000004B  }
0xba: {  	_ =	sfence  }
0xbb: {  	s30 =	sld [smem:$0x0];
	_ =	sdelay $0x2  }
0xbc: {  	s31 =	sshll.u32 s1, $0xD;
	s1 =	sshrl.u32 s1, $0x2  }
0xbd: {  	s3 =	sand.u32 $0x4000, s31;
	s1 =	sadd.s32 s1, s30  }
0xbe: {  	s0 =	sor.u32 s3, s0;
	s1 =	sshll.u32 s1, $0x11  }
0xbf: {  	s0 =	sor.u32 s1, s0  }
0xc0: {  	s0 =	sadd.s32 $0x8F2B, s0  }
0xc1: {  	[sflag:s0] =	ssyncadd.remote.s32 $0x1  }
0xc2: {  	_ =	sfence.sel $0xFFFF  }
0xc3: {  	[dreg:$0x0] =	wrdreg $0xFFFFFFFF;
	(pc) =	sbr.abs _section_cstart, $3  }
0xc4: {  	[dreg:$0x1] =	wrdreg $0xFFFFFFFF  }
0xc5: {  	_ =	task.clear_ibuf [dreg:s8], $0x2FFFF;
	_ =	strace $0x9FFFFFFF  }
0xc6: {  	(tm) =	ssettm $0x7FFFFFFF  }
0xc7: {  	_ =	shalt  }
tec
execute0_lowered:
.L_overlay_start_1:
0x0: {  	(tag) =	ssettag $0x1  }
0x1: {  	s9 =	rddreg [dreg:$0x0]  }
0x2: {  	s0 =	rddreg [dreg:$0x1]  }
0x3: {  	s2 =	rddreg [dreg:$0x2]  }
0x4: {  	s4 =	rddreg [dreg:$0x3]  }
0x5: {  	s3 =	srdreg.scid;
	s1 =	stileid.u32  }
0x6: {  	s5 =	rddreg [dreg:$0x4];
	s6 =	simm.s32 $0x0;
	s20 =	simm.s32 $0x4000  }
0x7: {  	s21 =	simm.s32 $0x8000;
	s22 =	simm.s32 $0x8080;
	s23 =	simm.s32 $0x1  }
0x8: {  	s24 =	simm.s32 $0x80;
	s14 =	sand.u32 $0x1, s3;
	s3 =	rddreg [dreg:$0x5]  }
0x9: {  	s25 =	simm.s32 $0x0;
	s12 =	smul.u32 $0xA000, s1;
	[smem:$0x7FF] =	sst s6  }
0xa: {  	p0 =	seq.s32 s1, $0x0;
	s16 =	sshll.u32 s1, $0x8;
	s7 =	smul.u32 $0xA0000, s14  }
0xb: {  	_ =	strace $0x8000004A;
	s11 =	ssub.s32 $0x2, s14;
	s19 =	sshll.u32 s14, $0x7  }
0xc: {  	s13 =	sshrl.u32 s11, $0x1;
	s31 =	sadd.s32 $0x4000, s12;
	s15 =	sadd.s32 $0x8000, s12  }
0xd: {  	s8 =	sadd.s32 s12, s7;
	s7 =	sadd.s32 $0x77D000, s9;
	s18 =	ssub.s32 s11, s13  }
0xe: {  	s11 =	sadd.s32 s15, s4;
	s13 =	sadd.s32 s31, s5;
	s14 =	sadd.s32 s15, s5  }
0xf: {  	s15 =	sor.u32 s19, s16;
	s19 =	simm.s32 $0x2;
	s10 =	sshrl.u32 s8, $0x3  }
0x10: {  	s8 =	simm.s32 $0x28;
	s18 =	smax.u32 s18, $0x1;
	s17 =	sadd.s32 s10, s9  }
0x11: {  	s8 =	simm.s32 @!p0 $0x27;
	s9 =	sadd.s32 s12, s4;
	s10 =	sadd.s32 s31, s4  }
0x12: {  	v0 =	vimm.f32 $0.0e+00;
	s12 =	sadd.s32 s12, s5;
	s16 =	sadd.s32 $0x2000, s17;
	s17 =	sadd.s32 $0x2A000, s17  }
.LBB2_1:
0x13: {  	s26 =	simm.s32 $0x0;
	s28 =	simm.s32 $0x200  }
.LBB2_2:
0x14: {  	p0 =	sne.s32 s28, $0xFE00;
	[tilespmem:s26+$0x70] =	vst v0  }
0x15: {  	[tilespmem:s26+$0x0] =	vst v0  }
0x16: {  	[tilespmem:s26+$0x10] =	vst v0  }
.Ltmp0:
0x17: {  	[tilespmem:s26+$0x20] =	vst v0;
	(pc) =	sbr.rel @p0 .LBB2_2-.Ltmp0, $4  }
0x18: {  	[tilespmem:s26+$0x30] =	vst v0  }
0x19: {  	[tilespmem:s26+$0x40] =	vst v0  }
0x1a: {  	[tilespmem:s26+$0x50] =	vst v0  }
0x1b: {  	[tilespmem:s26+$0x60] =	vst v0;
	s26 =	sshra.s32 s28, $0x2;
	s28 =	sadd.s32 $0x200, s28  }
0x1c: {  	[tilespmem:s26+$0x70] =	vst v0  }
0x1d: {  	[tilespmem:s26+$0x0] =	vst v0  }
0x1e: {  	[tilespmem:s26+$0x10] =	vst v0  }
0x1f: {  	[tilespmem:s26+$0x20] =	vst v0  }
0x20: {  	[tilespmem:s26+$0x30] =	vst v0  }
0x21: {  	[tilespmem:s26+$0x40] =	vst v0  }
0x22: {  	[tilespmem:s26+$0x50] =	vst v0  }
0x23: {  	[tilespmem:s26+$0x60] =	vst v0;
	s26 =	simm.s32 $0x0  }
0x24: {  	[spmem:s9] =	stream.linear.scatter [tilespmem:s26], [sflag:$0x2], $0x4000, $0x38;
	[tilespmem:$0x1C100] =	vst v63  }
0x25: {  	_ =	swait.ge [sflag:s19], $0x4000  }
0x26: {  	[sflag:s19] =	ssyncset.done $0x0  }
0x27: {  	[sflag:s19] =	ssyncadd.s32 $0xFFFFC000  }
0x28: {  	[spmem:s10] =	stream.linear.scatter [tilespmem:s26], [sflag:$0x2], $0x4000, $0x38;
	[tilespmem:$0x1C100] =	vst v63  }
0x29: {  	_ =	swait.ge [sflag:s19], $0x4000  }
0x2a: {  	[sflag:s19] =	ssyncset.done $0x0  }
0x2b: {  	[sflag:s19] =	ssyncadd.s32 $0xFFFFC000  }
0x2c: {  	[spmem:s11] =	stream.linear.scatter [tilespmem:s26], [sflag:$0x2], $0x2000, $0x38;
	[tilespmem:$0x1C100] =	vst v63  }
0x2d: {  	_ =	swait.ge [sflag:s19], $0x2000  }
0x2e: {  	[sflag:s19] =	ssyncset.done $0x0  }
0x2f: {  	[sflag:s19] =	ssyncadd.s32 $0xFFFFE000  }
0x30: {  	[spmem:s12] =	stream.linear.scatter [tilespmem:s26], [sflag:$0x2], $0x4000, $0x38;
	[tilespmem:$0x1C100] =	vst v63  }
0x31: {  	_ =	swait.ge [sflag:s19], $0x4000  }
0x32: {  	[sflag:s19] =	ssyncset.done $0x0  }
0x33: {  	[sflag:s19] =	ssyncadd.s32 $0xFFFFC000  }
0x34: {  	[spmem:s13] =	stream.linear.scatter [tilespmem:s26], [sflag:$0x2], $0x4000, $0x38;
	[tilespmem:$0x1C100] =	vst v63  }
0x35: {  	_ =	swait.ge [sflag:s19], $0x4000  }
0x36: {  	[sflag:s19] =	ssyncset.done $0x0  }
0x37: {  	[sflag:s19] =	ssyncadd.s32 $0xFFFFC000  }
0x38: {  	[spmem:s14] =	stream.linear.scatter [tilespmem:s26], [sflag:$0x2], $0x2000, $0x38;
	[tilespmem:$0x1C100] =	vst v63  }
0x39: {  	_ =	swait.ge [sflag:s19], $0x2000  }
0x3a: {  	[sflag:s19] =	ssyncset.done $0x0  }
0x3b: {  	[sflag:s19] =	ssyncadd.s32 $0xFFFFE000  }
0x3c: {  	s28 =	simm.s32 $0x0;
	[bflag:$0x0] =	sbarrier.arrive $0xFFFF  }
.LBB2_4:
0x3d: {  	s29 =	sshll.u32 s28, $0xC  }
0x3e: {  	s29 =	sor.u32 s15, s29  }
0x3f: {  	s30 =	sshll.u32 s29, $0x4  }
0x40: {  	s29 =	sshrl.u32 s29, $0x3;
	s30 =	sadd.s32 s7, s30  }
0x41: {  	[tilespmem:s20], [sflag:$0x1] =	stream.linear.gather [hbm4b:s30+s26], $0x4000, $0x38;
	[tilespmem:$0x1C100] =	vst v63  }
0x42: {  	s30 =	sadd.s32 s0, s29  }
0x43: {  	[tilespmem:s21], [sflag:$0x2] =	stream.linear.gather [hbm4b:s30+s26], $0x80, $0x38;
	[tilespmem:$0x1C100] =	vst v63  }
0x44: {  	_ =	swait.ge [sflag:s19], $0x80  }
0x45: {  	[sflag:s19] =	ssyncset.done $0x0  }
0x46: {  	s29 =	sadd.s32 s2, s29;
	[sflag:s19] =	ssyncadd.s32 $0xFFFFFF80  }
0x47: {  	[tilespmem:s22], [sflag:$0x2] =	stream.linear.gather [hbm4b:s29+s26], $0x80, $0x38;
	[tilespmem:$0x1C100] =	vst v63  }
0x48: {  	_ =	swait.ge [sflag:s19], $0x80  }
0x49: {  	[sflag:s19] =	ssyncset.done $0x0  }
0x4a: {  	[sflag:s19] =	ssyncadd.s32 $0xFFFFFF80  }
0x4b: {  	_ =	swait.ge [sflag:s23], $0x4000  }
0x4c: {  	[sflag:s23] =	ssyncset.done $0x0  }
0x4d: {  	s29 =	simm.s32 $0x0;
	[sflag:s23] =	ssyncadd.s32 $0xFFFFC000  }
0x4e: {  	v4 =	vld [tilespmem:s29+$0x4190]  }
0x4f: {  	v5 =	vld [tilespmem:s29+$0x4000]  }
0x50: {  	v6 =	vld [tilespmem:s29+$0x4010]  }
0x51: {  	v3 =	vld [tilespmem:s29+$0x4080]  }
0x52: {  	v1 =	vld [tilespmem:s29+$0x4090]  }
0x53: {  	v2 =	vld [tilespmem:s29+$0x4100];
	[tilespmem:s29+$0x190] =	vst v4  }
0x54: {  	[tilespmem:s29+$0x0] =	vst v5;
	v4 =	vld [tilespmem:s29+$0x4110]  }
0x55: {  	s31 =	simm.s32 $0x1000;
	s30 =	simm.s32 $0x200;
	[tilespmem:s29+$0x10] =	vst v6;
	v5 =	vld [tilespmem:s29+$0x4180]  }
.LBB2_5:
0x56: {  	p0 =	sne.s32 s31, $0xF800;
	v6 =	vld [tilespmem:s30+$0x4190];
	[tilespmem:s29+$0x80] =	vst v3  }
0x57: {  	v7 =	vld [tilespmem:s30+$0x4000];
	[tilespmem:s29+$0x90] =	vst v1  }
0x58: {  	v8 =	vld [tilespmem:s30+$0x4010];
	[tilespmem:s29+$0x100] =	vst v2  }
.Ltmp1:
0x59: {  	v3 =	vld [tilespmem:s30+$0x4080];
	[tilespmem:s29+$0x110] =	vst v4;
	(pc) =	sbr.rel @p0 .LBB2_5-.Ltmp1, $4  }
0x5a: {  	v1 =	vld [tilespmem:s30+$0x4090];
	[tilespmem:s29+$0x180] =	vst v5;
	s29 =	smov.u32 s30  }
0x5b: {  	v2 =	vld [tilespmem:s29+$0x4100];
	[tilespmem:s29+$0x190] =	vst v6  }
0x5c: {  	[tilespmem:s29+$0x0] =	vst v7;
	v4 =	vld [tilespmem:s29+$0x4110]  }
0x5d: {  	s30 =	sshra.s32 s31, $0x2;
	s31 =	sadd.s32 $0x800, s31;
	[tilespmem:s29+$0x10] =	vst v8;
	v5 =	vld [tilespmem:s29+$0x4180]  }
0x5e: {  	v6 =	vld [tilespmem:s30+$0x4190];
	[tilespmem:s29+$0x80] =	vst v3  }
0x5f: {  	v3 =	vld [tilespmem:s30+$0x4000];
	[tilespmem:s29+$0x90] =	vst v1  }
0x60: {  	v1 =	vld [tilespmem:s30+$0x4010];
	[tilespmem:s29+$0x100] =	vst v2  }
0x61: {  	v2 =	vld [tilespmem:s30+$0x4080];
	[tilespmem:s29+$0x110] =	vst v4  }
0x62: {  	v4 =	vld [tilespmem:s30+$0x4090];
	[tilespmem:s29+$0x180] =	vst v5  }
0x63: {  	v5 =	vld [tilespmem:s30+$0x4100];
	[tilespmem:s30+$0x190] =	vst v6  }
0x64: {  	[tilespmem:s30+$0x0] =	vst v3;
	v3 =	vld [tilespmem:s30+$0x4110]  }
0x65: {  	[tilespmem:s30+$0x10] =	vst v1;
	v1 =	vld [tilespmem:s30+$0x4180]  }
0x66: {  	[tilespmem:s30+$0x80] =	vst v2  }
0x67: {  	[tilespmem:s30+$0x90] =	vst v4  }
0x68: {  	[tilespmem:s30+$0x100] =	vst v5  }
0x69: {  	[tilespmem:s30+$0x110] =	vst v3  }
0x6a: {  	[tilespmem:s30+$0x180] =	vst v1  }
0x6b: {  	[spmem:s4] =	stream.indirect.scatter.add.f32 [tilespmem:s6], [sflag:$0x2], $0x80, s21, s24, $0xb8;
	[tilespmem:$0x1C100] =	vst v63  }
0x6c: {  	s28 =	sadd.s32 $0x1, s28;
	_ =	swait.ge [sflag:s19], $0x4000  }
0x6d: {  	p0 =	sne.s32 s28, s8;
	[sflag:s19] =	ssyncset.done $0x0  }
.Ltmp2:
0x6e: {  	[sflag:s19] =	ssyncadd.s32 $0xFFFFC000;
	(pc) =	sbr.rel @p0 .LBB2_4-.Ltmp2, $4  }
0x6f: {  	[spmem:s5] =	stream.indirect.scatter.add.f32 [tilespmem:s6], [sflag:$0x2], $0x80, s22, s24, $0xb8;
	[tilespmem:$0x1C100] =	vst v63  }
0x70: {  	_ =	swait.ge [sflag:s19], $0x4000  }
0x71: {  	[sflag:s19] =	ssyncset.done $0x0  }
0x72: {  	[sflag:s19] =	ssyncadd.s32 $0xFFFFC000  }
0x73: {  	s26 =	sshll.u32 s1, $0x6  }
0x74: {  	[bflag:$0x0] =	sbarrier.arrive $0xFFFF;
	s28 =	sshrl.u32 s9, $0x3;
	s26 =	sor.u32 $0x1C02, s26  }
0x75: {  	[hbm:s16], [sflag:s26] =	dma.local [spmem:s28], $0x1400  }
0x76: {  	s25 =	sadd.s32 $0x1, s25;
	_ =	swait.ge [sflag:s19], $0x1400  }
0x77: {  	p0 =	sne.s32 s25, s18;
	[sflag:s19] =	ssyncset.done $0x0  }
.Ltmp3:
0x78: {  	s31 =	sshrl.u32 s12, $0x3;
	[sflag:s19] =	ssyncadd.s32 $0xFFFFEC00;
	(pc) =	sbr.rel @p0 .LBB2_1-.Ltmp3, $4  }
0x79: {  	[hbm:s17], [sflag:s26] =	dma.local [spmem:s31], $0x1400  }
0x7a: {  	_ =	swait.ge [sflag:s19], $0x1400  }
0x7b: {  	[sflag:s19] =	ssyncset.done $0x0  }
0x7c: {  	[sflag:s19] =	ssyncadd.s32 $0xFFFFEC00  }
0x7d: {  	_ =	sfence.sel $0x180000  }
0x7e: {  	[bflag:$0x0] =	sbarrier.arrive $0xFFFF  }
0x7f: {  	p0 =	sne.s32 s1, $0x0;
	_ =	strace $0x9000004A  }
0x80: {  	s0 =	sadd.s32 @!p0 $0x100000, s3;
	[bflag:$0x2] =	sbarrier.arrive $0xFFFF  }
0x81: {  	[sflag:s0] =	ssyncadd.tile.s32 @!p0 $0x1;
	_ =	shalt  }
.Lfunc_end2:
_tile_overlayer_lowered:
.L_overlay_start_2:
0x82: {  	(tag) =	ssettag $0x2  }
0x83: {  	s0 =	rddreg [dreg:$0x0];
	s2 =	stileid.u32  }
0x84: {  	s1 =	rddreg [dreg:$0x1];
	p0 =	sne.s32 s2, $0x0  }
0x85: {  	s3 =	rddreg [dreg:$0x2];
	[bflag:$0x3] =	sbarrier.arrive $0xFFFF;
	s2 =	simm.s32 @!p0 $0x1C02  }
0x86: {  	[timem:s3], [sflag:s2] =	dma.local @!p0 [hbm:s0], s1  }
0x87: {  	s0 =	simm.s32 @!p0 $0x2  }
0x88: {  	_ =	swait.ge @!p0 [sflag:s0], s1  }
0x89: {  	s1 =	ssub.s32 @!p0 $0x0, s1;
	[sflag:s0] =	ssyncset.done @!p0 $0x0  }
0x8a: {  	[sflag:s0] =	ssyncadd.s32 @!p0 s1  }
0x8b: {  	[bflag:$0x3] =	sbarrier.arrive $0xFFFF  }
0x8c: {  	_ =	shalt  }

</sc_bundles>
